<compile_context>
chip_gen: v7x
topology: tpu7x:2x2x1
jax: 0.10.2.dev20260603
libtpu: 0.0.44.dev20260713+nightly
codegen_flags: <defaults>
</compile_context>

<pallas_src>
import functools

import jax
import jax.numpy as jnp
from jax import lax
from jax.experimental import pallas as pl
from jax.experimental.pallas import tpu as pltpu
from jax.experimental.pallas import tpu_sc as plsc

NC = 2
NS = 16
NW = NC * NS
LANES = 16

NBUF = 3
CHUNK = 120
GROUP = 3
PAIR = 2 * GROUP * CHUNK


def _matmul_tc(h, w):
    n, d_in = h.shape
    d_out = w.shape[1]
    blk = 2000
    grid = n // blk

    def mm_body(h_ref, w_ref, o_ref):
        o_ref[...] = jnp.dot(h_ref[...], w_ref[...],
                             preferred_element_type=jnp.float32)

    return pl.pallas_call(
        mm_body,
        grid=(grid,),
        in_specs=[
            pl.BlockSpec((blk, d_in), lambda i: (i, 0)),
            pl.BlockSpec((d_in, d_out), lambda i: (0, 0)),
        ],
        out_specs=pl.BlockSpec((blk, d_out), lambda i: (i, 0)),
        out_shape=jax.ShapeDtypeStruct((n, d_out), jnp.float32),
    )(h, w)


def _spmm_sc(src4, dst4, a4, hw, zeros):
    n, d = hw.shape
    _, n_groups, _, _ = src4.shape
    n_chunks = n_groups * GROUP
    n_bodies = n_groups // 2
    zr_tiles = 10
    zrows = n // zr_tiles

    mesh = plsc.VectorSubcoreMesh(core_axis_name="c", subcore_axis_name="s",
                                  num_cores=NC, num_subcores=NS)

    @functools.partial(
        pl.kernel,
        out_type=jax.ShapeDtypeStruct((NC, n, d), jnp.float32),
        mesh=mesh,
        compiler_params=pltpu.CompilerParams(needs_layout_passes=False),
        scratch_types=[
            pltpu.VMEM((2 * GROUP, CHUNK), jnp.int32),
            pltpu.VMEM((2 * GROUP, CHUNK), jnp.int32),
            pltpu.VMEM((2 * GROUP, CHUNK), jnp.float32),
            pltpu.VMEM((NBUF, CHUNK, d), jnp.float32),
            pltpu.VMEM_SHARED((n, d), jnp.float32),
            pltpu.SemaphoreType.DMA((2,)),
            pltpu.SemaphoreType.DMA((NBUF,)),
            pltpu.SemaphoreType.DMA((NBUF,)),
        ],
    )
    def spmm(src_hbm, dst_hbm, a_hbm, hw_hbm, zero_hbm, out_hbm,
             sbuf, dbuf, abuf, rows, acc_sh, esem, gsem, ssem):
        cid = lax.axis_index("c")
        sid = lax.axis_index("s")
        wid = cid * NS + sid

        r0 = sid * zrows

        @pl.when(sid < zr_tiles)
        def _zero():
            pltpu.sync_copy(zero_hbm.at[pl.ds(r0, zrows)],
                            acc_sh.at[pl.ds(r0, zrows)])

        plsc.subcore_barrier()

        def edge_fetch(g, p, sem):
            sl = pl.ds(p * GROUP, GROUP)
            pltpu.async_copy(src_hbm.at[wid, g], sbuf.at[sl], sem)
            pltpu.async_copy(dst_hbm.at[wid, g], dbuf.at[sl], sem)
            pltpu.async_copy(a_hbm.at[wid, g], abuf.at[sl], sem)

        def drain_edges(p):
            sl = pl.ds(p * GROUP, GROUP)
            for buf in (sbuf, dbuf, abuf):
                pltpu.make_async_copy(src_hbm.at[wid, 0],
                                      buf.at[sl], esem.at[p]).wait()

        edge_fetch(0, 0, esem.at[0])
        drain_edges(0)
        for cc in range(GROUP):
            pltpu.async_copy(hw_hbm.at[sbuf.at[cc]], rows.at[cc],
                             gsem.at[cc])

        def scale_chunk(p, cc, b):
            q = p * GROUP + cc

            @plsc.parallel_loop(0, CHUNK, 1, unroll=4)
            def row_body(r):
                a_splat = plsc.load_gather(
                    abuf, [jnp.full((LANES,), q, jnp.int32),
                           jnp.full((LANES,), 0, jnp.int32) + r])
                for c in range(d // LANES):
                    v = rows[b, r, pl.ds(c * LANES, LANES)]
                    rows[b, r, pl.ds(c * LANES, LANES)] = v * a_splat

        def drain_scatter(b):
            pltpu.make_async_copy(hw_hbm.at[pl.ds(0, CHUNK)],
                                  rows.at[b], ssem.at[b]).wait()

        def body(h, carry):
            for k in range(2 * GROUP):
                i = h * (2 * GROUP) + k
                b = k % NBUF
                nb = (k + 1) % NBUF
                p = k // GROUP
                k1 = (k + 1) % (2 * GROUP)
                p1 = k1 // GROUP
                cc1 = k1 % GROUP

                @pl.when((i >= NBUF - 1) & (i + 1 < n_chunks))
                def _prefetch():
                    drain_scatter(nb)
                    if k in (GROUP - 1, 2 * GROUP - 1):
                        drain_edges(p1)
                    pltpu.async_copy(hw_hbm.at[sbuf.at[p1 * GROUP + cc1]],
                                     rows.at[nb], gsem.at[nb])

                if k == 1:
                    edge_fetch(2 * h + 1, 1, esem.at[1])
                if k == GROUP + 1:
                    @pl.when(2 * h + 2 < n_groups)
                    def _eprefetch():
                        edge_fetch(2 * h + 2, 0, esem.at[0])

                pltpu.make_async_copy(hw_hbm.at[pl.ds(0, CHUNK)],
                                      rows.at[b], gsem.at[b]).wait()
                scale_chunk(p, k % GROUP, b)
                pltpu.async_copy(rows.at[b],
                                 acc_sh.at[dbuf.at[p * GROUP + k % GROUP]],
                                 ssem.at[b], add=True)
            return carry

        lax.fori_loop(0, n_bodies, body, 0, unroll=False)

        for b in range(NBUF):
            drain_scatter(b)

        plsc.subcore_barrier()

        @pl.when(sid < zr_tiles)
        def _writeout():
            pltpu.sync_copy(acc_sh.at[pl.ds(r0, zrows)],
                            out_hbm.at[cid, pl.ds(r0, zrows)])

    return spmm(src4, dst4, a4, hw, zeros)


def _combine_tc(partial, bias2d):
    _, n, d = partial.shape
    blk = 2000
    grid = n // blk

    def fin_body(p_ref, bias_ref, o_ref):
        o_ref[...] = jnp.maximum(
            p_ref[0] + p_ref[1] + bias_ref[...], 0.0)

    return pl.pallas_call(
        fin_body,
        grid=(grid,),
        in_specs=[
            pl.BlockSpec((2, blk, d), lambda i: (0, i, 0)),
            pl.BlockSpec((1, d), lambda i: (0, 0)),
        ],
        out_specs=pl.BlockSpec((blk, d), lambda i: (i, 0)),
        out_shape=jax.ShapeDtypeStruct((n, d), jnp.float32),
    )(partial, bias2d)


@jax.jit
def kernel(edge_index, A_values, H, W, bias):
    n = H.shape[0]
    e = A_values.shape[0]
    src = edge_index[1].astype(jnp.int32)
    dst = edge_index[0].astype(jnp.int32)
    aval = A_values.astype(jnp.float32)

    per_w = ((e + NW - 1) // NW + PAIR - 1) // PAIR * PAIR
    e_pad = per_w * NW
    pad = e_pad - e
    if pad:
        spread = (jnp.arange(pad, dtype=jnp.int32) * 8) % n
        src = jnp.concatenate([src, spread])
        dst = jnp.concatenate([dst, spread])
        aval = jnp.concatenate([aval, jnp.zeros((pad,), jnp.float32)])
    n_groups = per_w // (GROUP * CHUNK)
    src4 = src.reshape(NW, n_groups, GROUP, CHUNK)
    dst4 = dst.reshape(NW, n_groups, GROUP, CHUNK)
    a4 = aval.reshape(NW, n_groups, GROUP, CHUNK)

    hw = _matmul_tc(H, W)
    zeros = jnp.zeros((n, W.shape[1]), jnp.float32)
    partial = _spmm_sc(src4, dst4, a4, hw, zeros)
    out = _combine_tc(partial, bias.reshape(1, -1))
    return out

# --- scband reference (transcript-rebuilt; emitter-appended) ---
"""Pipeline reference for scband-simple-graph-conv-21320217658122 (READ-ONLY COPY).

The authoritative reference and input builder live on the scoring server;
editing this copy changes nothing except your own understanding.
"""

import jax, jax.numpy as jnp
import numpy as np

N = 10000
E = 320000
D_IN = 128
D_OUT = 128

def setup_inputs(seed: int = 0) -> dict:
    key = jax.random.key(seed)
    k1, k2, k3, k4 = jax.random.split(key, 4)
    edge_index = jax.random.randint(k1, (2, E), 0, N, dtype=jnp.int64)
    A_values = jax.random.uniform(k2, (E,), dtype=jnp.float32)
    H = jax.random.normal(k3, (N, D_IN), dtype=jnp.float32)
    stdv = 1.0 / np.sqrt(D_OUT)
    W = jax.random.uniform(k4, (D_IN, D_OUT), minval=-stdv, maxval=stdv, dtype=jnp.float32)
    bias = jnp.zeros((D_OUT,), dtype=jnp.float32)
    return {"edge_index": edge_index, "A_values": A_values, "H": H, "W": W, "bias": bias}

def reference(edge_index, A_values, H, W, bias):
    # HW = H @ W  (dense transform)
    HW = H @ W
    # sparse_mm: out[i] = sum_j A[i, j] * HW[j]
    # COO rows = edge_index[0] (dst), cols = edge_index[1] (src)
    src = edge_index[1]
    dst = edge_index[0]
    gathered = jnp.take(HW, src, axis=0) * A_values[:, None]
    out = jax.ops.segment_sum(gathered, dst, num_segments=N)
    out = out + bias
    return jax.nn.relu(out)

if __name__ == "__main__":
    import jax
    _d = setup_inputs()
    print(jax.jit(kernel)(*tuple(_d.values())))

</pallas_src>

<mosaic_0001>
#map = affine_map<(d0, d1) -> (0, 0, 0, 0)>
#map1 = affine_map<(d0, d1) -> (0, 0)>
#map2 = affine_map<(d0, d1) -> (0, 0, 0)>
module attributes {stable_mosaic.version = 14 : i64} {
  func.func @spmm(%arg0: i32, %arg1: i32, %arg2: memref<32x28x3x120xi32, #tpu.memory_space<hbm>>, %arg3: memref<32x28x3x120xi32, #tpu.memory_space<hbm>>, %arg4: memref<32x28x3x120xf32, #tpu.memory_space<hbm>>, %arg5: memref<10000x128xf32, #tpu.memory_space<hbm>>, %arg6: memref<10000x128xf32, #tpu.memory_space<hbm>>, %arg7: memref<2x10000x128xf32, #tpu.memory_space<hbm>>, %arg8: memref<6x120xi32, #tpu.memory_space<vmem>>, %arg9: memref<6x120xi32, #tpu.memory_space<vmem>>, %arg10: memref<6x120xf32, #tpu.memory_space<vmem>>, %arg11: memref<3x120x128xf32, #tpu.memory_space<vmem>>, %arg12: memref<10000x128xf32, #tpu.memory_space<vmem_shared>>, %arg13: memref<2x!tpu.dma_semaphore, #tpu.memory_space<semaphore_mem>>, %arg14: memref<3x!tpu.dma_semaphore, #tpu.memory_space<semaphore_mem>>, %arg15: memref<3x!tpu.dma_semaphore, #tpu.memory_space<semaphore_mem>>) attributes {dimension_semantics = [#tpu.dimension_semantics<core_parallel>, #tpu.dimension_semantics<subcore_parallel>], iteration_bounds = array<i64: 2, 16>, scalar_prefetch = 0 : i64, scratch_operands = 8 : i64, tpu.core_type = #tpu.core_type<sc_vector_subcore>, window_params = [{transform_indices = #map}, {transform_indices = #map}, {transform_indices = #map}, {transform_indices = #map1}, {transform_indices = #map1}, {transform_indices = #map2}]} {
    %mul3A = arith.constant 16 : i32
    %mul3A_0 = arith.muli %arg0, %mul3A : i32
    %add3A = arith.addi %mul3A_0, %arg1 : i32
    %mul3A_1 = arith.constant 1000 : i32
    %mul3A_2 = arith.muli %arg1, %mul3A_1 : i32
    %lt3A = arith.constant 10 : i32
    %lt3A_3 = arith.cmpi slt, %arg1, %lt3A : i32
    %convert_element_type3A = arith.extui %lt3A_3 : i1 to i32
    %cond3A = arith.constant 0 : i32
    %cond3A_4 = arith.cmpi ne, %convert_element_type3A, %cond3A : i32
    scf.if %cond3A_4 {
      "tpu.region"() ({
        %run_scoped3A = tpu.sem_alloc : memref<!tpu.dma_semaphore, #tpu.memory_space<semaphore_mem>>
        %dma_start3A_221 = arith.constant 0 : i32
        %dma_start3A_222 = tpu.memref_slice %arg12[%mul3A_2, %dma_start3A_221] : memref<10000x128xf32, #tpu.memory_space<vmem_shared>> -> memref<1000x128xf32, #tpu.memory_space<vmem_shared>>
        %dma_start3A_223 = arith.constant 0 : i32
        %dma_start3A_224 = tpu.memref_slice %arg6[%mul3A_2, %dma_start3A_223] : memref<10000x128xf32, #tpu.memory_space<hbm>> -> memref<1000x128xf32, #tpu.memory_space<hbm>>
        tpu.enqueue_dma source(%dma_start3A_224 : memref<1000x128xf32, #tpu.memory_space<hbm>>) target(%dma_start3A_222 : memref<1000x128xf32, #tpu.memory_space<vmem_shared>>) target_semaphore(%run_scoped3A : memref<!tpu.dma_semaphore, #tpu.memory_space<semaphore_mem>>)
        %dma_wait3A_225 = arith.constant 0 : i32
        %dma_wait3A_226 = tpu.memref_slice %arg12[%mul3A_2, %dma_wait3A_225] : memref<10000x128xf32, #tpu.memory_space<vmem_shared>> -> memref<1000x128xf32, #tpu.memory_space<vmem_shared>>
        %dma_wait3A_227 = arith.constant 0 : i32
        %dma_wait3A_228 = tpu.memref_slice %arg6[%mul3A_2, %dma_wait3A_227] : memref<10000x128xf32, #tpu.memory_space<hbm>> -> memref<1000x128xf32, #tpu.memory_space<hbm>>
        tpu.wait_dma2 semaphore(%run_scoped3A : memref<!tpu.dma_semaphore, #tpu.memory_space<semaphore_mem>>) src(%dma_wait3A_228 : memref<1000x128xf32, #tpu.memory_space<hbm>>) dst(%dma_wait3A_226 : memref<1000x128xf32, #tpu.memory_space<vmem_shared>>)
        tpu.yield
      }) : () -> ()
    } else {
    }
    %barrier3A = arith.constant 0 : index
    tpu.barrier barrier_id(%barrier3A)
    %dma_start3A = arith.constant 0 : i32
    %dma_start3A_5 = arith.constant 0 : i32
    %dma_start3A_6 = arith.constant 0 : i32
    %dma_start3A_7 = arith.constant 0 : i32
    %dma_start3A_8 = tpu.memref_slice %arg8[%dma_start3A_6, %dma_start3A_7] : memref<6x120xi32, #tpu.memory_space<vmem>> -> memref<3x120xi32, #tpu.memory_space<vmem>>
    %dma_start3A_9 = arith.constant 0 : i32
    %dma_start3A_10 = arith.constant 0 : i32
    %dma_start3A_11 = tpu.memref_slice %arg2[%add3A, %dma_start3A, %dma_start3A_9, %dma_start3A_10] : memref<32x28x3x120xi32, #tpu.memory_space<hbm>> -> memref<1x1x3x120xi32, #tpu.memory_space<hbm>>
    %dma_start3A_12 = tpu.memref_squeeze %dma_start3A_11 : memref<1x1x3x120xi32, #tpu.memory_space<hbm>> -> memref<3x120xi32, #tpu.memory_space<hbm>>
    %dma_start3A_13 = tpu.memref_slice %arg13[%dma_start3A_5] : memref<2x!tpu.dma_semaphore, #tpu.memory_space<semaphore_mem>> -> memref<1x!tpu.dma_semaphore, #tpu.memory_space<semaphore_mem>>
    %dma_start3A_14 = tpu.memref_squeeze %dma_start3A_13 : memref<1x!tpu.dma_semaphore, #tpu.memory_space<semaphore_mem>> -> memref<!tpu.dma_semaphore, #tpu.memory_space<semaphore_mem>>
    %dma_start3A_15 = arith.constant 0 : i32
    %dma_start3A_16 = arith.constant 0 : i32
    %dma_start3A_17 = tpu.memref_slice %arg8[%dma_start3A_15, %dma_start3A_16] : memref<6x120xi32, #tpu.memory_space<vmem>> -> memref<3x120xi32, #tpu.memory_space<vmem>>
    %dma_start3A_18 = arith.constant 0 : i32
    %dma_start3A_19 = arith.constant 0 : i32
    %dma_start3A_20 = tpu.memref_slice %arg2[%add3A, %dma_start3A, %dma_start3A_18, %dma_start3A_19] : memref<32x28x3x120xi32, #tpu.memory_space<hbm>> -> memref<1x1x3x120xi32, #tpu.memory_space<hbm>>
    %dma_start3A_21 = tpu.memref_squeeze %dma_start3A_20 : memref<1x1x3x120xi32, #tpu.memory_space<hbm>> -> memref<3x120xi32, #tpu.memory_space<hbm>>
    tpu.enqueue_dma source(%dma_start3A_21 : memref<3x120xi32, #tpu.memory_space<hbm>>) target(%dma_start3A_17 : memref<3x120xi32, #tpu.memory_space<vmem>>) target_semaphore(%dma_start3A_14 : memref<!tpu.dma_semaphore, #tpu.memory_space<semaphore_mem>>)
    %dma_start3A_22 = arith.constant 0 : i32
    %dma_start3A_23 = arith.constant 0 : i32
    %dma_start3A_24 = arith.constant 0 : i32
    %dma_start3A_25 = arith.constant 0 : i32
    %dma_start3A_26 = tpu.memref_slice %arg9[%dma_start3A_24, %dma_start3A_25] : memref<6x120xi32, #tpu.memory_space<vmem>> -> memref<3x120xi32, #tpu.memory_space<vmem>>
    %dma_start3A_27 = arith.constant 0 : i32
    %dma_start3A_28 = arith.constant 0 : i32
    %dma_start3A_29 = tpu.memref_slice %arg3[%add3A, %dma_start3A_22, %dma_start3A_27, %dma_start3A_28] : memref<32x28x3x120xi32, #tpu.memory_space<hbm>> -> memref<1x1x3x120xi32, #tpu.memory_space<hbm>>
    %dma_start3A_30 = tpu.memref_squeeze %dma_start3A_29 : memref<1x1x3x120xi32, #tpu.memory_space<hbm>> -> memref<3x120xi32, #tpu.memory_space<hbm>>
    %dma_start3A_31 = tpu.memref_slice %arg13[%dma_start3A_23] : memref<2x!tpu.dma_semaphore, #tpu.memory_space<semaphore_mem>> -> memref<1x!tpu.dma_semaphore, #tpu.memory_space<semaphore_mem>>
    %dma_start3A_32 = tpu.memref_squeeze %dma_start3A_31 : memref<1x!tpu.dma_semaphore, #tpu.memory_space<semaphore_mem>> -> memref<!tpu.dma_semaphore, #tpu.memory_space<semaphore_mem>>
    %dma_start3A_33 = arith.constant 0 : i32
    %dma_start3A_34 = arith.constant 0 : i32
    %dma_start3A_35 = tpu.memref_slice %arg9[%dma_start3A_33, %dma_start3A_34] : memref<6x120xi32, #tpu.memory_space<vmem>> -> memref<3x120xi32, #tpu.memory_space<vmem>>
    %dma_start3A_36 = arith.constant 0 : i32
    %dma_start3A_37 = arith.constant 0 : i32
    %dma_start3A_38 = tpu.memref_slice %arg3[%add3A, %dma_start3A_22, %dma_start3A_36, %dma_start3A_37] : memref<32x28x3x120xi32, #tpu.memory_space<hbm>> -> memref<1x1x3x120xi32, #tpu.memory_space<hbm>>
    %dma_start3A_39 = tpu.memref_squeeze %dma_start3A_38 : memref<1x1x3x120xi32, #tpu.memory_space<hbm>> -> memref<3x120xi32, #tpu.memory_space<hbm>>
    tpu.enqueue_dma source(%dma_start3A_39 : memref<3x120xi32, #tpu.memory_space<hbm>>) target(%dma_start3A_35 : memref<3x120xi32, #tpu.memory_space<vmem>>) target_semaphore(%dma_start3A_32 : memref<!tpu.dma_semaphore, #tpu.memory_space<semaphore_mem>>)
    %dma_start3A_40 = arith.constant 0 : i32
    %dma_start3A_41 = arith.constant 0 : i32
    %dma_start3A_42 = arith.constant 0 : i32
    %dma_start3A_43 = arith.constant 0 : i32
    %dma_start3A_44 = tpu.memref_slice %arg10[%dma_start3A_42, %dma_start3A_43] : memref<6x120xf32, #tpu.memory_space<vmem>> -> memref<3x120xf32, #tpu.memory_space<vmem>>
    %dma_start3A_45 = arith.constant 0 : i32
    %dma_start3A_46 = arith.constant 0 : i32
    %dma_start3A_47 = tpu.memref_slice %arg4[%add3A, %dma_start3A_40, %dma_start3A_45, %dma_start3A_46] : memref<32x28x3x120xf32, #tpu.memory_space<hbm>> -> memref<1x1x3x120xf32, #tpu.memory_space<hbm>>
    %dma_start3A_48 = tpu.memref_squeeze %dma_start3A_47 : memref<1x1x3x120xf32, #tpu.memory_space<hbm>> -> memref<3x120xf32, #tpu.memory_space<hbm>>
    %dma_start3A_49 = tpu.memref_slice %arg13[%dma_start3A_41] : memref<2x!tpu.dma_semaphore, #tpu.memory_space<semaphore_mem>> -> memref<1x!tpu.dma_semaphore, #tpu.memory_space<semaphore_mem>>
    %dma_start3A_50 = tpu.memref_squeeze %dma_start3A_49 : memref<1x!tpu.dma_semaphore, #tpu.memory_space<semaphore_mem>> -> memref<!tpu.dma_semaphore, #tpu.memory_space<semaphore_mem>>
    %dma_start3A_51 = arith.constant 0 : i32
    %dma_start3A_52 = arith.constant 0 : i32
    %dma_start3A_53 = tpu.memref_slice %arg10[%dma_start3A_51, %dma_start3A_52] : memref<6x120xf32, #tpu.memory_space<vmem>> -> memref<3x120xf32, #tpu.memory_space<vmem>>
    %dma_start3A_54 = arith.constant 0 : i32
    %dma_start3A_55 = arith.constant 0 : i32
    %dma_start3A_56 = tpu.memref_slice %arg4[%add3A, %dma_start3A_40, %dma_start3A_54, %dma_start3A_55] : memref<32x28x3x120xf32, #tpu.memory_space<hbm>> -> memref<1x1x3x120xf32, #tpu.memory_space<hbm>>
    %dma_start3A_57 = tpu.memref_squeeze %dma_start3A_56 : memref<1x1x3x120xf32, #tpu.memory_space<hbm>> -> memref<3x120xf32, #tpu.memory_space<hbm>>
    tpu.enqueue_dma source(%dma_start3A_57 : memref<3x120xf32, #tpu.memory_space<hbm>>) target(%dma_start3A_53 : memref<3x120xf32, #tpu.memory_space<vmem>>) target_semaphore(%dma_start3A_50 : memref<!tpu.dma_semaphore, #tpu.memory_space<semaphore_mem>>)
    %dma_wait3A = arith.constant 0 : i32
    %dma_wait3A_58 = arith.constant 0 : i32
    %dma_wait3A_59 = arith.constant 0 : i32
    %dma_wait3A_60 = arith.constant 0 : i32
    %dma_wait3A_61 = tpu.memref_slice %arg8[%dma_wait3A_59, %dma_wait3A_60] : memref<6x120xi32, #tpu.memory_space<vmem>> -> memref<3x120xi32, #tpu.memory_space<vmem>>
    %dma_wait3A_62 = arith.constant 0 : i32
    %dma_wait3A_63 = arith.constant 0 : i32
    %dma_wait3A_64 = tpu.memref_slice %arg2[%add3A, %dma_wait3A, %dma_wait3A_62, %dma_wait3A_63] : memref<32x28x3x120xi32, #tpu.memory_space<hbm>> -> memref<1x1x3x120xi32, #tpu.memory_space<hbm>>
    %dma_wait3A_65 = tpu.memref_squeeze %dma_wait3A_64 : memref<1x1x3x120xi32, #tpu.memory_space<hbm>> -> memref<3x120xi32, #tpu.memory_space<hbm>>
    %dma_wait3A_66 = tpu.memref_slice %arg13[%dma_wait3A_58] : memref<2x!tpu.dma_semaphore, #tpu.memory_space<semaphore_mem>> -> memref<1x!tpu.dma_semaphore, #tpu.memory_space<semaphore_mem>>
    %dma_wait3A_67 = tpu.memref_squeeze %dma_wait3A_66 : memref<1x!tpu.dma_semaphore, #tpu.memory_space<semaphore_mem>> -> memref<!tpu.dma_semaphore, #tpu.memory_space<semaphore_mem>>
    %dma_wait3A_68 = arith.constant 0 : i32
    %dma_wait3A_69 = arith.constant 0 : i32
    %dma_wait3A_70 = tpu.memref_slice %arg8[%dma_wait3A_68, %dma_wait3A_69] : memref<6x120xi32, #tpu.memory_space<vmem>> -> memref<3x120xi32, #tpu.memory_space<vmem>>
    %dma_wait3A_71 = arith.constant 0 : i32
    %dma_wait3A_72 = arith.constant 0 : i32
    %dma_wait3A_73 = tpu.memref_slice %arg2[%add3A, %dma_wait3A, %dma_wait3A_71, %dma_wait3A_72] : memref<32x28x3x120xi32, #tpu.memory_space<hbm>> -> memref<1x1x3x120xi32, #tpu.memory_space<hbm>>
    %dma_wait3A_74 = tpu.memref_squeeze %dma_wait3A_73 : memref<1x1x3x120xi32, #tpu.memory_space<hbm>> -> memref<3x120xi32, #tpu.memory_space<hbm>>
    tpu.wait_dma2 semaphore(%dma_wait3A_67 : memref<!tpu.dma_semaphore, #tpu.memory_space<semaphore_mem>>) src(%dma_wait3A_74 : memref<3x120xi32, #tpu.memory_space<hbm>>) dst(%dma_wait3A_70 : memref<3x120xi32, #tpu.memory_space<vmem>>)
    %dma_wait3A_75 = arith.constant 0 : i32
    %dma_wait3A_76 = arith.constant 0 : i32
    %dma_wait3A_77 = arith.constant 0 : i32
    %dma_wait3A_78 = arith.constant 0 : i32
    %dma_wait3A_79 = tpu.memref_slice %arg9[%dma_wait3A_77, %dma_wait3A_78] : memref<6x120xi32, #tpu.memory_space<vmem>> -> memref<3x120xi32, #tpu.memory_space<vmem>>
    %dma_wait3A_80 = arith.constant 0 : i32
    %dma_wait3A_81 = arith.constant 0 : i32
    %dma_wait3A_82 = tpu.memref_slice %arg2[%add3A, %dma_wait3A_75, %dma_wait3A_80, %dma_wait3A_81] : memref<32x28x3x120xi32, #tpu.memory_space<hbm>> -> memref<1x1x3x120xi32, #tpu.memory_space<hbm>>
    %dma_wait3A_83 = tpu.memref_squeeze %dma_wait3A_82 : memref<1x1x3x120xi32, #tpu.memory_space<hbm>> -> memref<3x120xi32, #tpu.memory_space<hbm>>
    %dma_wait3A_84 = tpu.memref_slice %arg13[%dma_wait3A_76] : memref<2x!tpu.dma_semaphore, #tpu.memory_space<semaphore_mem>> -> memref<1x!tpu.dma_semaphore, #tpu.memory_space<semaphore_mem>>
    %dma_wait3A_85 = tpu.memref_squeeze %dma_wait3A_84 : memref<1x!tpu.dma_semaphore, #tpu.memory_space<semaphore_mem>> -> memref<!tpu.dma_semaphore, #tpu.memory_space<semaphore_mem>>
    %dma_wait3A_86 = arith.constant 0 : i32
    %dma_wait3A_87 = arith.constant 0 : i32
    %dma_wait3A_88 = tpu.memref_slice %arg9[%dma_wait3A_86, %dma_wait3A_87] : memref<6x120xi32, #tpu.memory_space<vmem>> -> memref<3x120xi32, #tpu.memory_space<vmem>>
    %dma_wait3A_89 = arith.constant 0 : i32
    %dma_wait3A_90 = arith.constant 0 : i32
    %dma_wait3A_91 = tpu.memref_slice %arg2[%add3A, %dma_wait3A_75, %dma_wait3A_89, %dma_wait3A_90] : memref<32x28x3x120xi32, #tpu.memory_space<hbm>> -> memref<1x1x3x120xi32, #tpu.memory_space<hbm>>
    %dma_wait3A_92 = tpu.memref_squeeze %dma_wait3A_91 : memref<1x1x3x120xi32, #tpu.memory_space<hbm>> -> memref<3x120xi32, #tpu.memory_space<hbm>>
    tpu.wait_dma2 semaphore(%dma_wait3A_85 : memref<!tpu.dma_semaphore, #tpu.memory_space<semaphore_mem>>) src(%dma_wait3A_92 : memref<3x120xi32, #tpu.memory_space<hbm>>) dst(%dma_wait3A_88 : memref<3x120xi32, #tpu.memory_space<vmem>>)
    %dma_wait3A_93 = arith.constant 0 : i32
    %dma_wait3A_94 = arith.constant 0 : i32
    %dma_wait3A_95 = arith.constant 0 : i32
    %dma_wait3A_96 = arith.constant 0 : i32
    %dma_wait3A_97 = tpu.memref_slice %arg10[%dma_wait3A_95, %dma_wait3A_96] : memref<6x120xf32, #tpu.memory_space<vmem>> -> memref<3x120xf32, #tpu.memory_space<vmem>>
    %dma_wait3A_98 = arith.constant 0 : i32
    %dma_wait3A_99 = arith.constant 0 : i32
    %dma_wait3A_100 = tpu.memref_slice %arg2[%add3A, %dma_wait3A_93, %dma_wait3A_98, %dma_wait3A_99] : memref<32x28x3x120xi32, #tpu.memory_space<hbm>> -> memref<1x1x3x120xi32, #tpu.memory_space<hbm>>
    %dma_wait3A_101 = tpu.memref_squeeze %dma_wait3A_100 : memref<1x1x3x120xi32, #tpu.memory_space<hbm>> -> memref<3x120xi32, #tpu.memory_space<hbm>>
    %dma_wait3A_102 = tpu.memref_slice %arg13[%dma_wait3A_94] : memref<2x!tpu.dma_semaphore, #tpu.memory_space<semaphore_mem>> -> memref<1x!tpu.dma_semaphore, #tpu.memory_space<semaphore_mem>>
    %dma_wait3A_103 = tpu.memref_squeeze %dma_wait3A_102 : memref<1x!tpu.dma_semaphore, #tpu.memory_space<semaphore_mem>> -> memref<!tpu.dma_semaphore, #tpu.memory_space<semaphore_mem>>
    %dma_wait3A_104 = arith.constant 0 : i32
    %dma_wait3A_105 = arith.constant 0 : i32
    %dma_wait3A_106 = tpu.memref_slice %arg10[%dma_wait3A_104, %dma_wait3A_105] : memref<6x120xf32, #tpu.memory_space<vmem>> -> memref<3x120xf32, #tpu.memory_space<vmem>>
    %dma_wait3A_107 = arith.constant 0 : i32
    %dma_wait3A_108 = arith.constant 0 : i32
    %dma_wait3A_109 = tpu.memref_slice %arg2[%add3A, %dma_wait3A_93, %dma_wait3A_107, %dma_wait3A_108] : memref<32x28x3x120xi32, #tpu.memory_space<hbm>> -> memref<1x1x3x120xi32, #tpu.memory_space<hbm>>
    %dma_wait3A_110 = tpu.memref_squeeze %dma_wait3A_109 : memref<1x1x3x120xi32, #tpu.memory_space<hbm>> -> memref<3x120xi32, #tpu.memory_space<hbm>>
    tpu.wait_dma2 semaphore(%dma_wait3A_103 : memref<!tpu.dma_semaphore, #tpu.memory_space<semaphore_mem>>) src(%dma_wait3A_110 : memref<3x120xi32, #tpu.memory_space<hbm>>) dst(%dma_wait3A_106 : memref<3x120xf32, #tpu.memory_space<vmem>>)
    %dma_start3A_111 = arith.constant 0 : i32
    %dma_start3A_112 = arith.constant 0 : i32
    %dma_start3A_113 = arith.constant 0 : i32
    %dma_start3A_114 = arith.constant 0 : i32
    %dma_start3A_115 = arith.constant 0 : i32
    %dma_start3A_116 = tpu.memref_slice %arg11[%dma_start3A_112, %dma_start3A_114, %dma_start3A_115] : memref<3x120x128xf32, #tpu.memory_space<vmem>> -> memref<1x120x128xf32, #tpu.memory_space<vmem>>
    %dma_start3A_117 = tpu.memref_squeeze %dma_start3A_116 : memref<1x120x128xf32, #tpu.memory_space<vmem>> -> memref<120x128xf32, #tpu.memory_space<vmem>>
    %dma_start3A_118 = arith.constant 0 : i32
    %dma_start3A_119 = tpu.memref_slice %arg8[%dma_start3A_111, %dma_start3A_118] : memref<6x120xi32, #tpu.memory_space<vmem>> -> memref<1x120xi32, #tpu.memory_space<vmem>>
    %dma_start3A_120 = tpu.memref_squeeze %dma_start3A_119 : memref<1x120xi32, #tpu.memory_space<vmem>> -> memref<120xi32, #tpu.memory_space<vmem>>
    %dma_start3A_121 = arith.constant 0 : i32
    %dma_start3A_122 = arith.constant 0 : i32
    %dma_start3A_123 = tpu.memref_slice %arg5[%dma_start3A_121, %dma_start3A_122] : memref<10000x128xf32, #tpu.memory_space<hbm>> -> memref<10000x128xf32, #tpu.memory_space<hbm>>
    %dma_start3A_124 = tpu.memref_slice %arg14[%dma_start3A_113] : memref<3x!tpu.dma_semaphore, #tpu.memory_space<semaphore_mem>> -> memref<1x!tpu.dma_semaphore, #tpu.memory_space<semaphore_mem>>
    %dma_start3A_125 = tpu.memref_squeeze %dma_start3A_124 : memref<1x!tpu.dma_semaphore, #tpu.memory_space<semaphore_mem>> -> memref<!tpu.dma_semaphore, #tpu.memory_space<semaphore_mem>>
    tpu.enqueue_indirect_dma source(%dma_start3A_123 : memref<10000x128xf32, #tpu.memory_space<hbm>>) target(%dma_start3A_117 : memref<120x128xf32, #tpu.memory_space<vmem>>) offsets(%dma_start3A_120 : memref<120xi32, #tpu.memory_space<vmem>>) semaphore(%dma_start3A_125 : memref<!tpu.dma_semaphore, #tpu.memory_space<semaphore_mem>>)
    %dma_start3A_126 = arith.constant 1 : i32
    %dma_start3A_127 = arith.constant 1 : i32
    %dma_start3A_128 = arith.constant 1 : i32
    %dma_start3A_129 = arith.constant 0 : i32
    %dma_start3A_130 = arith.constant 0 : i32
    %dma_start3A_131 = tpu.memref_slice %arg11[%dma_start3A_127, %dma_start3A_129, %dma_start3A_130] : memref<3x120x128xf32, #tpu.memory_space<vmem>> -> memref<1x120x128xf32, #tpu.memory_space<vmem>>
    %dma_start3A_132 = tpu.memref_squeeze %dma_start3A_131 : memref<1x120x128xf32, #tpu.memory_space<vmem>> -> memref<120x128xf32, #tpu.memory_space<vmem>>
    %dma_start3A_133 = arith.constant 0 : i32
    %dma_start3A_134 = tpu.memref_slice %arg8[%dma_start3A_126, %dma_start3A_133] : memref<6x120xi32, #tpu.memory_space<vmem>> -> memref<1x120xi32, #tpu.memory_space<vmem>>
    %dma_start3A_135 = tpu.memref_squeeze %dma_start3A_134 : memref<1x120xi32, #tpu.memory_space<vmem>> -> memref<120xi32, #tpu.memory_space<vmem>>
    %dma_start3A_136 = arith.constant 0 : i32
    %dma_start3A_137 = arith.constant 0 : i32
    %dma_start3A_138 = tpu.memref_slice %arg5[%dma_start3A_136, %dma_start3A_137] : memref<10000x128xf32, #tpu.memory_space<hbm>> -> memref<10000x128xf32, #tpu.memory_space<hbm>>
    %dma_start3A_139 = tpu.memref_slice %arg14[%dma_start3A_128] : memref<3x!tpu.dma_semaphore, #tpu.memory_space<semaphore_mem>> -> memref<1x!tpu.dma_semaphore, #tpu.memory_space<semaphore_mem>>
    %dma_start3A_140 = tpu.memref_squeeze %dma_start3A_139 : memref<1x!tpu.dma_semaphore, #tpu.memory_space<semaphore_mem>> -> memref<!tpu.dma_semaphore, #tpu.memory_space<semaphore_mem>>
    tpu.enqueue_indirect_dma source(%dma_start3A_138 : memref<10000x128xf32, #tpu.memory_space<hbm>>) target(%dma_start3A_132 : memref<120x128xf32, #tpu.memory_space<vmem>>) offsets(%dma_start3A_135 : memref<120xi32, #tpu.memory_space<vmem>>) semaphore(%dma_start3A_140 : memref<!tpu.dma_semaphore, #tpu.memory_space<semaphore_mem>>)
    %dma_start3A_141 = arith.constant 2 : i32
    %dma_start3A_142 = arith.constant 2 : i32
    %dma_start3A_143 = arith.constant 2 : i32
    %dma_start3A_144 = arith.constant 0 : i32
    %dma_start3A_145 = arith.constant 0 : i32
    %dma_start3A_146 = tpu.memref_slice %arg11[%dma_start3A_142, %dma_start3A_144, %dma_start3A_145] : memref<3x120x128xf32, #tpu.memory_space<vmem>> -> memref<1x120x128xf32, #tpu.memory_space<vmem>>
    %dma_start3A_147 = tpu.memref_squeeze %dma_start3A_146 : memref<1x120x128xf32, #tpu.memory_space<vmem>> -> memref<120x128xf32, #tpu.memory_space<vmem>>
    %dma_start3A_148 = arith.constant 0 : i32
    %dma_start3A_149 = tpu.memref_slice %arg8[%dma_start3A_141, %dma_start3A_148] : memref<6x120xi32, #tpu.memory_space<vmem>> -> memref<1x120xi32, #tpu.memory_space<vmem>>
    %dma_start3A_150 = tpu.memref_squeeze %dma_start3A_149 : memref<1x120xi32, #tpu.memory_space<vmem>> -> memref<120xi32, #tpu.memory_space<vmem>>
    %dma_start3A_151 = arith.constant 0 : i32
    %dma_start3A_152 = arith.constant 0 : i32
    %dma_start3A_153 = tpu.memref_slice %arg5[%dma_start3A_151, %dma_start3A_152] : memref<10000x128xf32, #tpu.memory_space<hbm>> -> memref<10000x128xf32, #tpu.memory_space<hbm>>
    %dma_start3A_154 = tpu.memref_slice %arg14[%dma_start3A_143] : memref<3x!tpu.dma_semaphore, #tpu.memory_space<semaphore_mem>> -> memref<1x!tpu.dma_semaphore, #tpu.memory_space<semaphore_mem>>
    %dma_start3A_155 = tpu.memref_squeeze %dma_start3A_154 : memref<1x!tpu.dma_semaphore, #tpu.memory_space<semaphore_mem>> -> memref<!tpu.dma_semaphore, #tpu.memory_space<semaphore_mem>>
    tpu.enqueue_indirect_dma source(%dma_start3A_153 : memref<10000x128xf32, #tpu.memory_space<hbm>>) target(%dma_start3A_147 : memref<120x128xf32, #tpu.memory_space<vmem>>) offsets(%dma_start3A_150 : memref<120xi32, #tpu.memory_space<vmem>>) semaphore(%dma_start3A_155 : memref<!tpu.dma_semaphore, #tpu.memory_space<semaphore_mem>>)
    %scan3A = arith.constant 0 : i32
    %scan3A_156 = arith.constant 0 : i32
    %scan3A_157 = arith.constant 14 : i32
    %scan3A_158 = arith.addi %scan3A_156, %scan3A_157 : i32
    %scan3A_159 = arith.constant 1 : i32
    scf.for %scan3A_221 = %scan3A_156 to %scan3A_158 step %scan3A_159  : i32 {
      %mul3A_222 = arith.constant 6 : i32
      %mul3A_223 = arith.muli %scan3A_221, %mul3A_222 : i32
      %add3A_224 = arith.constant 0 : i32
      %add3A_225 = arith.addi %mul3A_223, %add3A_224 : i32
      %ge3A = arith.constant 2 : i32
      %ge3A_226 = arith.cmpi sge, %add3A_225, %ge3A : i32
      %add3A_227 = arith.constant 1 : i32
      %add3A_228 = arith.addi %add3A_225, %add3A_227 : i32
      %lt3A_229 = arith.constant 84 : i32
      %lt3A_230 = arith.cmpi slt, %add3A_228, %lt3A_229 : i32
      %and3A = arith.andi %ge3A_226, %lt3A_230 : i1
      %convert_element_type3A_231 = arith.extui %and3A : i1 to i32
      %cond3A_232 = arith.constant 0 : i32
      %cond3A_233 = arith.cmpi ne, %convert_element_type3A_231, %cond3A_232 : i32
      scf.if %cond3A_233 {
        %dma_wait3A_583 = arith.constant 1 : i32
        %dma_wait3A_584 = arith.constant 1 : i32
        %dma_wait3A_585 = arith.constant 0 : i32
        %dma_wait3A_586 = arith.constant 0 : i32
        %dma_wait3A_587 = tpu.memref_slice %arg11[%dma_wait3A_583, %dma_wait3A_585, %dma_wait3A_586] : memref<3x120x128xf32, #tpu.memory_space<vmem>> -> memref<1x120x128xf32, #tpu.memory_space<vmem>>
        %dma_wait3A_588 = tpu.memref_squeeze %dma_wait3A_587 : memref<1x120x128xf32, #tpu.memory_space<vmem>> -> memref<120x128xf32, #tpu.memory_space<vmem>>
        %dma_wait3A_589 = arith.constant 0 : i32
        %dma_wait3A_590 = arith.constant 0 : i32
        %dma_wait3A_591 = tpu.memref_slice %arg5[%dma_wait3A_589, %dma_wait3A_590] : memref<10000x128xf32, #tpu.memory_space<hbm>> -> memref<120x128xf32, #tpu.memory_space<hbm>>
        %dma_wait3A_592 = tpu.memref_slice %arg15[%dma_wait3A_584] : memref<3x!tpu.dma_semaphore, #tpu.memory_space<semaphore_mem>> -> memref<1x!tpu.dma_semaphore, #tpu.memory_space<semaphore_mem>>
        %dma_wait3A_593 = tpu.memref_squeeze %dma_wait3A_592 : memref<1x!tpu.dma_semaphore, #tpu.memory_space<semaphore_mem>> -> memref<!tpu.dma_semaphore, #tpu.memory_space<semaphore_mem>>
        %dma_wait3A_594 = arith.constant 0 : i32
        %dma_wait3A_595 = arith.constant 0 : i32
        %dma_wait3A_596 = tpu.memref_slice %arg11[%dma_wait3A_583, %dma_wait3A_594, %dma_wait3A_595] : memref<3x120x128xf32, #tpu.memory_space<vmem>> -> memref<1x120x128xf32, #tpu.memory_space<vmem>>
        %dma_wait3A_597 = tpu.memref_squeeze %dma_wait3A_596 : memref<1x120x128xf32, #tpu.memory_space<vmem>> -> memref<120x128xf32, #tpu.memory_space<vmem>>
        %dma_wait3A_598 = arith.constant 0 : i32
        %dma_wait3A_599 = arith.constant 0 : i32
        %dma_wait3A_600 = tpu.memref_slice %arg5[%dma_wait3A_598, %dma_wait3A_599] : memref<10000x128xf32, #tpu.memory_space<hbm>> -> memref<120x128xf32, #tpu.memory_space<hbm>>
        tpu.wait_dma2 semaphore(%dma_wait3A_593 : memref<!tpu.dma_semaphore, #tpu.memory_space<semaphore_mem>>) src(%dma_wait3A_600 : memref<120x128xf32, #tpu.memory_space<hbm>>) dst(%dma_wait3A_597 : memref<120x128xf32, #tpu.memory_space<vmem>>)
        %dma_start3A_601 = arith.constant 1 : i32
        %dma_start3A_602 = arith.constant 1 : i32
        %dma_start3A_603 = arith.constant 1 : i32
        %dma_start3A_604 = arith.constant 0 : i32
        %dma_start3A_605 = arith.constant 0 : i32
        %dma_start3A_606 = tpu.memref_slice %arg11[%dma_start3A_602, %dma_start3A_604, %dma_start3A_605] : memref<3x120x128xf32, #tpu.memory_space<vmem>> -> memref<1x120x128xf32, #tpu.memory_space<vmem>>
        %dma_start3A_607 = tpu.memref_squeeze %dma_start3A_606 : memref<1x120x128xf32, #tpu.memory_space<vmem>> -> memref<120x128xf32, #tpu.memory_space<vmem>>
        %dma_start3A_608 = arith.constant 0 : i32
        %dma_start3A_609 = tpu.memref_slice %arg8[%dma_start3A_601, %dma_start3A_608] : memref<6x120xi32, #tpu.memory_space<vmem>> -> memref<1x120xi32, #tpu.memory_space<vmem>>
        %dma_start3A_610 = tpu.memref_squeeze %dma_start3A_609 : memref<1x120xi32, #tpu.memory_space<vmem>> -> memref<120xi32, #tpu.memory_space<vmem>>
        %dma_start3A_611 = arith.constant 0 : i32
        %dma_start3A_612 = arith.constant 0 : i32
        %dma_start3A_613 = tpu.memref_slice %arg5[%dma_start3A_611, %dma_start3A_612] : memref<10000x128xf32, #tpu.memory_space<hbm>> -> memref<10000x128xf32, #tpu.memory_space<hbm>>
        %dma_start3A_614 = tpu.memref_slice %arg14[%dma_start3A_603] : memref<3x!tpu.dma_semaphore, #tpu.memory_space<semaphore_mem>> -> memref<1x!tpu.dma_semaphore, #tpu.memory_space<semaphore_mem>>
        %dma_start3A_615 = tpu.memref_squeeze %dma_start3A_614 : memref<1x!tpu.dma_semaphore, #tpu.memory_space<semaphore_mem>> -> memref<!tpu.dma_semaphore, #tpu.memory_space<semaphore_mem>>
        tpu.enqueue_indirect_dma source(%dma_start3A_613 : memref<10000x128xf32, #tpu.memory_space<hbm>>) target(%dma_start3A_607 : memref<120x128xf32, #tpu.memory_space<vmem>>) offsets(%dma_start3A_610 : memref<120xi32, #tpu.memory_space<vmem>>) semaphore(%dma_start3A_615 : memref<!tpu.dma_semaphore, #tpu.memory_space<semaphore_mem>>)
      } else {
      }
      %dma_wait3A_234 = arith.constant 0 : i32
      %dma_wait3A_235 = arith.constant 0 : i32
      %dma_wait3A_236 = arith.constant 0 : i32
      %dma_wait3A_237 = arith.constant 0 : i32
      %dma_wait3A_238 = tpu.memref_slice %arg11[%dma_wait3A_234, %dma_wait3A_236, %dma_wait3A_237] : memref<3x120x128xf32, #tpu.memory_space<vmem>> -> memref<1x120x128xf32, #tpu.memory_space<vmem>>
      %dma_wait3A_239 = tpu.memref_squeeze %dma_wait3A_238 : memref<1x120x128xf32, #tpu.memory_space<vmem>> -> memref<120x128xf32, #tpu.memory_space<vmem>>
      %dma_wait3A_240 = arith.constant 0 : i32
      %dma_wait3A_241 = arith.constant 0 : i32
      %dma_wait3A_242 = tpu.memref_slice %arg5[%dma_wait3A_240, %dma_wait3A_241] : memref<10000x128xf32, #tpu.memory_space<hbm>> -> memref<120x128xf32, #tpu.memory_space<hbm>>
      %dma_wait3A_243 = tpu.memref_slice %arg14[%dma_wait3A_235] : memref<3x!tpu.dma_semaphore, #tpu.memory_space<semaphore_mem>> -> memref<1x!tpu.dma_semaphore, #tpu.memory_space<semaphore_mem>>
      %dma_wait3A_244 = tpu.memref_squeeze %dma_wait3A_243 : memref<1x!tpu.dma_semaphore, #tpu.memory_space<semaphore_mem>> -> memref<!tpu.dma_semaphore, #tpu.memory_space<semaphore_mem>>
      %dma_wait3A_245 = arith.constant 0 : i32
      %dma_wait3A_246 = arith.constant 0 : i32
      %dma_wait3A_247 = tpu.memref_slice %arg11[%dma_wait3A_234, %dma_wait3A_245, %dma_wait3A_246] : memref<3x120x128xf32, #tpu.memory_space<vmem>> -> memref<1x120x128xf32, #tpu.memory_space<vmem>>
      %dma_wait3A_248 = tpu.memref_squeeze %dma_wait3A_247 : memref<1x120x128xf32, #tpu.memory_space<vmem>> -> memref<120x128xf32, #tpu.memory_space<vmem>>
      %dma_wait3A_249 = arith.constant 0 : i32
      %dma_wait3A_250 = arith.constant 0 : i32
      %dma_wait3A_251 = tpu.memref_slice %arg5[%dma_wait3A_249, %dma_wait3A_250] : memref<10000x128xf32, #tpu.memory_space<hbm>> -> memref<120x128xf32, #tpu.memory_space<hbm>>
      tpu.wait_dma2 semaphore(%dma_wait3A_244 : memref<!tpu.dma_semaphore, #tpu.memory_space<semaphore_mem>>) src(%dma_wait3A_251 : memref<120x128xf32, #tpu.memory_space<hbm>>) dst(%dma_wait3A_248 : memref<120x128xf32, #tpu.memory_space<vmem>>)
      %parallel_loop3A = arith.constant 0 : i32
      %parallel_loop3A_252 = arith.constant 120 : i32
      %parallel_loop3A_253 = arith.constant 1 : i32
      scf.for %parallel_loop3A_583 = %parallel_loop3A to %parallel_loop3A_252 step %parallel_loop3A_253  : i32 {
        %parallel_loop3A_584 = arith.constant 0 : i32
        %parallel_loop3A_585 = vector.broadcast %parallel_loop3A_584 : i32 to vector<16xi32>
        %parallel_loop3A_586 = arith.constant 0 : i32
        %parallel_loop3A_587 = vector.broadcast %parallel_loop3A_586 : i32 to vector<16xi32>
        %parallel_loop3A_588 = vector.broadcast %parallel_loop3A_583 : i32 to vector<16xi32>
        %parallel_loop3A_589 = arith.addi %parallel_loop3A_587, %parallel_loop3A_588 : vector<16xi32>
        %parallel_loop3A_590 = tpu.vector_load_idx %arg10[%parallel_loop3A_585, %parallel_loop3A_589] : memref<6x120xf32, #tpu.memory_space<vmem>>[vector<16xi32>, vector<16xi32>], vector<16xf32>,
        %parallel_loop3A_591 = arith.constant 0 : i32
        %parallel_loop3A_592 = arith.index_cast %parallel_loop3A_591 : i32 to index
        %parallel_loop3A_593 = arith.index_cast %parallel_loop3A_583 : i32 to index
        %parallel_loop3A_594 = arith.constant 0 : index
        %parallel_loop3A_595 = tpu.vector_load %arg11[%parallel_loop3A_592, %parallel_loop3A_593, %parallel_loop3A_594] {strides = array<i32>} : memref<3x120x128xf32, #tpu.memory_space<vmem>>, vector<16xf32>,
        %parallel_loop3A_596 = arith.mulf %parallel_loop3A_595, %parallel_loop3A_590 : vector<16xf32>
        %parallel_loop3A_597 = arith.constant 0 : i32
        %parallel_loop3A_598 = arith.index_cast %parallel_loop3A_597 : i32 to index
        %parallel_loop3A_599 = arith.index_cast %parallel_loop3A_583 : i32 to index
        %parallel_loop3A_600 = arith.constant 0 : index
        %parallel_loop3A_601 = tpu.vector_load %arg11[%parallel_loop3A_598, %parallel_loop3A_599, %parallel_loop3A_600] {strides = array<i32>} : memref<3x120x128xf32, #tpu.memory_space<vmem>>, vector<16xf32>,
        tpu.vector_store %arg11[%parallel_loop3A_598, %parallel_loop3A_599, %parallel_loop3A_600], %parallel_loop3A_596 {strides = array<i32>} : memref<3x120x128xf32, #tpu.memory_space<vmem>>, vector<16xf32>,
        %parallel_loop3A_602 = arith.constant 0 : i32
        %parallel_loop3A_603 = arith.index_cast %parallel_loop3A_602 : i32 to index
        %parallel_loop3A_604 = arith.index_cast %parallel_loop3A_583 : i32 to index
        %parallel_loop3A_605 = arith.constant 16 : index
        %parallel_loop3A_606 = tpu.vector_load %arg11[%parallel_loop3A_603, %parallel_loop3A_604, %parallel_loop3A_605] {strides = array<i32>} : memref<3x120x128xf32, #tpu.memory_space<vmem>>, vector<16xf32>,
        %parallel_loop3A_607 = arith.mulf %parallel_loop3A_606, %parallel_loop3A_590 : vector<16xf32>
        %parallel_loop3A_608 = arith.constant 0 : i32
        %parallel_loop3A_609 = arith.index_cast %parallel_loop3A_608 : i32 to index
        %parallel_loop3A_610 = arith.index_cast %parallel_loop3A_583 : i32 to index
        %parallel_loop3A_611 = arith.constant 16 : index
        %parallel_loop3A_612 = tpu.vector_load %arg11[%parallel_loop3A_609, %parallel_loop3A_610, %parallel_loop3A_611] {strides = array<i32>} : memref<3x120x128xf32, #tpu.memory_space<vmem>>, vector<16xf32>,
        tpu.vector_store %arg11[%parallel_loop3A_609, %parallel_loop3A_610, %parallel_loop3A_611], %parallel_loop3A_607 {strides = array<i32>} : memref<3x120x128xf32, #tpu.memory_space<vmem>>, vector<16xf32>,
        %parallel_loop3A_613 = arith.constant 0 : i32
        %parallel_loop3A_614 = arith.index_cast %parallel_loop3A_613 : i32 to index
        %parallel_loop3A_615 = arith.index_cast %parallel_loop3A_583 : i32 to index
        %parallel_loop3A_616 = arith.constant 32 : index
        %parallel_loop3A_617 = tpu.vector_load %arg11[%parallel_loop3A_614, %parallel_loop3A_615, %parallel_loop3A_616] {strides = array<i32>} : memref<3x120x128xf32, #tpu.memory_space<vmem>>, vector<16xf32>,
        %parallel_loop3A_618 = arith.mulf %parallel_loop3A_617, %parallel_loop3A_590 : vector<16xf32>
        %parallel_loop3A_619 = arith.constant 0 : i32
        %parallel_loop3A_620 = arith.index_cast %parallel_loop3A_619 : i32 to index
        %parallel_loop3A_621 = arith.index_cast %parallel_loop3A_583 : i32 to index
        %parallel_loop3A_622 = arith.constant 32 : index
        %parallel_loop3A_623 = tpu.vector_load %arg11[%parallel_loop3A_620, %parallel_loop3A_621, %parallel_loop3A_622] {strides = array<i32>} : memref<3x120x128xf32, #tpu.memory_space<vmem>>, vector<16xf32>,
        tpu.vector_store %arg11[%parallel_loop3A_620, %parallel_loop3A_621, %parallel_loop3A_622], %parallel_loop3A_618 {strides = array<i32>} : memref<3x120x128xf32, #tpu.memory_space<vmem>>, vector<16xf32>,
        %parallel_loop3A_624 = arith.constant 0 : i32
        %parallel_loop3A_625 = arith.index_cast %parallel_loop3A_624 : i32 to index
        %parallel_loop3A_626 = arith.index_cast %parallel_loop3A_583 : i32 to index
        %parallel_loop3A_627 = arith.constant 48 : index
        %parallel_loop3A_628 = tpu.vector_load %arg11[%parallel_loop3A_625, %parallel_loop3A_626, %parallel_loop3A_627] {strides = array<i32>} : memref<3x120x128xf32, #tpu.memory_space<vmem>>, vector<16xf32>,
        %parallel_loop3A_629 = arith.mulf %parallel_loop3A_628, %parallel_loop3A_590 : vector<16xf32>
        %parallel_loop3A_630 = arith.constant 0 : i32
        %parallel_loop3A_631 = arith.index_cast %parallel_loop3A_630 : i32 to index
        %parallel_loop3A_632 = arith.index_cast %parallel_loop3A_583 : i32 to index
        %parallel_loop3A_633 = arith.constant 48 : index
        %parallel_loop3A_634 = tpu.vector_load %arg11[%parallel_loop3A_631, %parallel_loop3A_632, %parallel_loop3A_633] {strides = array<i32>} : memref<3x120x128xf32, #tpu.memory_space<vmem>>, vector<16xf32>,
        tpu.vector_store %arg11[%parallel_loop3A_631, %parallel_loop3A_632, %parallel_loop3A_633], %parallel_loop3A_629 {strides = array<i32>} : memref<3x120x128xf32, #tpu.memory_space<vmem>>, vector<16xf32>,
        %parallel_loop3A_635 = arith.constant 0 : i32
        %parallel_loop3A_636 = arith.index_cast %parallel_loop3A_635 : i32 to index
        %parallel_loop3A_637 = arith.index_cast %parallel_loop3A_583 : i32 to index
        %parallel_loop3A_638 = arith.constant 64 : index
        %parallel_loop3A_639 = tpu.vector_load %arg11[%parallel_loop3A_636, %parallel_loop3A_637, %parallel_loop3A_638] {strides = array<i32>} : memref<3x120x128xf32, #tpu.memory_space<vmem>>, vector<16xf32>,
        %parallel_loop3A_640 = arith.mulf %parallel_loop3A_639, %parallel_loop3A_590 : vector<16xf32>
        %parallel_loop3A_641 = arith.constant 0 : i32
        %parallel_loop3A_642 = arith.index_cast %parallel_loop3A_641 : i32 to index
        %parallel_loop3A_643 = arith.index_cast %parallel_loop3A_583 : i32 to index
        %parallel_loop3A_644 = arith.constant 64 : index
        %parallel_loop3A_645 = tpu.vector_load %arg11[%parallel_loop3A_642, %parallel_loop3A_643, %parallel_loop3A_644] {strides = array<i32>} : memref<3x120x128xf32, #tpu.memory_space<vmem>>, vector<16xf32>,
        tpu.vector_store %arg11[%parallel_loop3A_642, %parallel_loop3A_643, %parallel_loop3A_644], %parallel_loop3A_640 {strides = array<i32>} : memref<3x120x128xf32, #tpu.memory_space<vmem>>, vector<16xf32>,
        %parallel_loop3A_646 = arith.constant 0 : i32
        %parallel_loop3A_647 = arith.index_cast %parallel_loop3A_646 : i32 to index
        %parallel_loop3A_648 = arith.index_cast %parallel_loop3A_583 : i32 to index
        %parallel_loop3A_649 = arith.constant 80 : index
        %parallel_loop3A_650 = tpu.vector_load %arg11[%parallel_loop3A_647, %parallel_loop3A_648, %parallel_loop3A_649] {strides = array<i32>} : memref<3x120x128xf32, #tpu.memory_space<vmem>>, vector<16xf32>,
        %parallel_loop3A_651 = arith.mulf %parallel_loop3A_650, %parallel_loop3A_590 : vector<16xf32>
        %parallel_loop3A_652 = arith.constant 0 : i32
        %parallel_loop3A_653 = arith.index_cast %parallel_loop3A_652 : i32 to index
        %parallel_loop3A_654 = arith.index_cast %parallel_loop3A_583 : i32 to index
        %parallel_loop3A_655 = arith.constant 80 : index
        %parallel_loop3A_656 = tpu.vector_load %arg11[%parallel_loop3A_653, %parallel_loop3A_654, %parallel_loop3A_655] {strides = array<i32>} : memref<3x120x128xf32, #tpu.memory_space<vmem>>, vector<16xf32>,
        tpu.vector_store %arg11[%parallel_loop3A_653, %parallel_loop3A_654, %parallel_loop3A_655], %parallel_loop3A_651 {strides = array<i32>} : memref<3x120x128xf32, #tpu.memory_space<vmem>>, vector<16xf32>,
        %parallel_loop3A_657 = arith.constant 0 : i32
        %parallel_loop3A_658 = arith.index_cast %parallel_loop3A_657 : i32 to index
        %parallel_loop3A_659 = arith.index_cast %parallel_loop3A_583 : i32 to index
        %parallel_loop3A_660 = arith.constant 96 : index
        %parallel_loop3A_661 = tpu.vector_load %arg11[%parallel_loop3A_658, %parallel_loop3A_659, %parallel_loop3A_660] {strides = array<i32>} : memref<3x120x128xf32, #tpu.memory_space<vmem>>, vector<16xf32>,
        %parallel_loop3A_662 = arith.mulf %parallel_loop3A_661, %parallel_loop3A_590 : vector<16xf32>
        %parallel_loop3A_663 = arith.constant 0 : i32
        %parallel_loop3A_664 = arith.index_cast %parallel_loop3A_663 : i32 to index
        %parallel_loop3A_665 = arith.index_cast %parallel_loop3A_583 : i32 to index
        %parallel_loop3A_666 = arith.constant 96 : index
        %parallel_loop3A_667 = tpu.vector_load %arg11[%parallel_loop3A_664, %parallel_loop3A_665, %parallel_loop3A_666] {strides = array<i32>} : memref<3x120x128xf32, #tpu.memory_space<vmem>>, vector<16xf32>,
        tpu.vector_store %arg11[%parallel_loop3A_664, %parallel_loop3A_665, %parallel_loop3A_666], %parallel_loop3A_662 {strides = array<i32>} : memref<3x120x128xf32, #tpu.memory_space<vmem>>, vector<16xf32>,
        %parallel_loop3A_668 = arith.constant 0 : i32
        %parallel_loop3A_669 = arith.index_cast %parallel_loop3A_668 : i32 to index
        %parallel_loop3A_670 = arith.index_cast %parallel_loop3A_583 : i32 to index
        %parallel_loop3A_671 = arith.constant 112 : index
        %parallel_loop3A_672 = tpu.vector_load %arg11[%parallel_loop3A_669, %parallel_loop3A_670, %parallel_loop3A_671] {strides = array<i32>} : memref<3x120x128xf32, #tpu.memory_space<vmem>>, vector<16xf32>,
        %parallel_loop3A_673 = arith.mulf %parallel_loop3A_672, %parallel_loop3A_590 : vector<16xf32>
        %parallel_loop3A_674 = arith.constant 0 : i32
        %parallel_loop3A_675 = arith.index_cast %parallel_loop3A_674 : i32 to index
        %parallel_loop3A_676 = arith.index_cast %parallel_loop3A_583 : i32 to index
        %parallel_loop3A_677 = arith.constant 112 : index
        %parallel_loop3A_678 = tpu.vector_load %arg11[%parallel_loop3A_675, %parallel_loop3A_676, %parallel_loop3A_677] {strides = array<i32>} : memref<3x120x128xf32, #tpu.memory_space<vmem>>, vector<16xf32>,
        tpu.vector_store %arg11[%parallel_loop3A_675, %parallel_loop3A_676, %parallel_loop3A_677], %parallel_loop3A_673 {strides = array<i32>} : memref<3x120x128xf32, #tpu.memory_space<vmem>>, vector<16xf32>,
      } {sc.loop_unroll_factor = 4 : i64, sc.parallel_access}
      %dma_start3A_254 = arith.constant 0 : i32
      %dma_start3A_255 = arith.constant 0 : i32
      %dma_start3A_256 = arith.constant 0 : i32
      %dma_start3A_257 = arith.constant 0 : i32
      %dma_start3A_258 = arith.constant 0 : i32
      %dma_start3A_259 = tpu.memref_slice %arg11[%dma_start3A_254, %dma_start3A_257, %dma_start3A_258] : memref<3x120x128xf32, #tpu.memory_space<vmem>> -> memref<1x120x128xf32, #tpu.memory_space<vmem>>
      %dma_start3A_260 = tpu.memref_squeeze %dma_start3A_259 : memref<1x120x128xf32, #tpu.memory_space<vmem>> -> memref<120x128xf32, #tpu.memory_space<vmem>>
      %dma_start3A_261 = arith.constant 0 : i32
      %dma_start3A_262 = tpu.memref_slice %arg9[%dma_start3A_255, %dma_start3A_261] : memref<6x120xi32, #tpu.memory_space<vmem>> -> memref<1x120xi32, #tpu.memory_space<vmem>>
      %dma_start3A_263 = tpu.memref_squeeze %dma_start3A_262 : memref<1x120xi32, #tpu.memory_space<vmem>> -> memref<120xi32, #tpu.memory_space<vmem>>
      %dma_start3A_264 = arith.constant 0 : i32
      %dma_start3A_265 = arith.constant 0 : i32
      %dma_start3A_266 = tpu.memref_slice %arg12[%dma_start3A_264, %dma_start3A_265] : memref<10000x128xf32, #tpu.memory_space<vmem_shared>> -> memref<10000x128xf32, #tpu.memory_space<vmem_shared>>
      %dma_start3A_267 = tpu.memref_slice %arg15[%dma_start3A_256] : memref<3x!tpu.dma_semaphore, #tpu.memory_space<semaphore_mem>> -> memref<1x!tpu.dma_semaphore, #tpu.memory_space<semaphore_mem>>
      %dma_start3A_268 = tpu.memref_squeeze %dma_start3A_267 : memref<1x!tpu.dma_semaphore, #tpu.memory_space<semaphore_mem>> -> memref<!tpu.dma_semaphore, #tpu.memory_space<semaphore_mem>>
      tpu.enqueue_indirect_dma source(%dma_start3A_260 : memref<120x128xf32, #tpu.memory_space<vmem>>) target(%dma_start3A_266 : memref<10000x128xf32, #tpu.memory_space<vmem_shared>>) offsets(%dma_start3A_263 : memref<120xi32, #tpu.memory_space<vmem>>) semaphore(%dma_start3A_268 : memref<!tpu.dma_semaphore, #tpu.memory_space<semaphore_mem>>) {add = true}
      %mul3A_269 = arith.constant 6 : i32
      %mul3A_270 = arith.muli %scan3A_221, %mul3A_269 : i32
      %add3A_271 = arith.constant 1 : i32
      %add3A_272 = arith.addi %mul3A_270, %add3A_271 : i32
      %ge3A_273 = arith.constant 2 : i32
      %ge3A_274 = arith.cmpi sge, %add3A_272, %ge3A_273 : i32
      %add3A_275 = arith.constant 1 : i32
      %add3A_276 = arith.addi %add3A_272, %add3A_275 : i32
      %lt3A_277 = arith.constant 84 : i32
      %lt3A_278 = arith.cmpi slt, %add3A_276, %lt3A_277 : i32
      %and3A_279 = arith.andi %ge3A_274, %lt3A_278 : i1
      %convert_element_type3A_280 = arith.extui %and3A_279 : i1 to i32
      %cond3A_281 = arith.constant 0 : i32
      %cond3A_282 = arith.cmpi ne, %convert_element_type3A_280, %cond3A_281 : i32
      scf.if %cond3A_282 {
        %dma_wait3A_583 = arith.constant 2 : i32
        %dma_wait3A_584 = arith.constant 2 : i32
        %dma_wait3A_585 = arith.constant 0 : i32
        %dma_wait3A_586 = arith.constant 0 : i32
        %dma_wait3A_587 = tpu.memref_slice %arg11[%dma_wait3A_583, %dma_wait3A_585, %dma_wait3A_586] : memref<3x120x128xf32, #tpu.memory_space<vmem>> -> memref<1x120x128xf32, #tpu.memory_space<vmem>>
        %dma_wait3A_588 = tpu.memref_squeeze %dma_wait3A_587 : memref<1x120x128xf32, #tpu.memory_space<vmem>> -> memref<120x128xf32, #tpu.memory_space<vmem>>
        %dma_wait3A_589 = arith.constant 0 : i32
        %dma_wait3A_590 = arith.constant 0 : i32
        %dma_wait3A_591 = tpu.memref_slice %arg5[%dma_wait3A_589, %dma_wait3A_590] : memref<10000x128xf32, #tpu.memory_space<hbm>> -> memref<120x128xf32, #tpu.memory_space<hbm>>
        %dma_wait3A_592 = tpu.memref_slice %arg15[%dma_wait3A_584] : memref<3x!tpu.dma_semaphore, #tpu.memory_space<semaphore_mem>> -> memref<1x!tpu.dma_semaphore, #tpu.memory_space<semaphore_mem>>
        %dma_wait3A_593 = tpu.memref_squeeze %dma_wait3A_592 : memref<1x!tpu.dma_semaphore, #tpu.memory_space<semaphore_mem>> -> memref<!tpu.dma_semaphore, #tpu.memory_space<semaphore_mem>>
        %dma_wait3A_594 = arith.constant 0 : i32
        %dma_wait3A_595 = arith.constant 0 : i32
        %dma_wait3A_596 = tpu.memref_slice %arg11[%dma_wait3A_583, %dma_wait3A_594, %dma_wait3A_595] : memref<3x120x128xf32, #tpu.memory_space<vmem>> -> memref<1x120x128xf32, #tpu.memory_space<vmem>>
        %dma_wait3A_597 = tpu.memref_squeeze %dma_wait3A_596 : memref<1x120x128xf32, #tpu.memory_space<vmem>> -> memref<120x128xf32, #tpu.memory_space<vmem>>
        %dma_wait3A_598 = arith.constant 0 : i32
        %dma_wait3A_599 = arith.constant 0 : i32
        %dma_wait3A_600 = tpu.memref_slice %arg5[%dma_wait3A_598, %dma_wait3A_599] : memref<10000x128xf32, #tpu.memory_space<hbm>> -> memref<120x128xf32, #tpu.memory_space<hbm>>
        tpu.wait_dma2 semaphore(%dma_wait3A_593 : memref<!tpu.dma_semaphore, #tpu.memory_space<semaphore_mem>>) src(%dma_wait3A_600 : memref<120x128xf32, #tpu.memory_space<hbm>>) dst(%dma_wait3A_597 : memref<120x128xf32, #tpu.memory_space<vmem>>)
        %dma_start3A_601 = arith.constant 2 : i32
        %dma_start3A_602 = arith.constant 2 : i32
        %dma_start3A_603 = arith.constant 2 : i32
        %dma_start3A_604 = arith.constant 0 : i32
        %dma_start3A_605 = arith.constant 0 : i32
        %dma_start3A_606 = tpu.memref_slice %arg11[%dma_start3A_602, %dma_start3A_604, %dma_start3A_605] : memref<3x120x128xf32, #tpu.memory_space<vmem>> -> memref<1x120x128xf32, #tpu.memory_space<vmem>>
        %dma_start3A_607 = tpu.memref_squeeze %dma_start3A_606 : memref<1x120x128xf32, #tpu.memory_space<vmem>> -> memref<120x128xf32, #tpu.memory_space<vmem>>
        %dma_start3A_608 = arith.constant 0 : i32
        %dma_start3A_609 = tpu.memref_slice %arg8[%dma_start3A_601, %dma_start3A_608] : memref<6x120xi32, #tpu.memory_space<vmem>> -> memref<1x120xi32, #tpu.memory_space<vmem>>
        %dma_start3A_610 = tpu.memref_squeeze %dma_start3A_609 : memref<1x120xi32, #tpu.memory_space<vmem>> -> memref<120xi32, #tpu.memory_space<vmem>>
        %dma_start3A_611 = arith.constant 0 : i32
        %dma_start3A_612 = arith.constant 0 : i32
        %dma_start3A_613 = tpu.memref_slice %arg5[%dma_start3A_611, %dma_start3A_612] : memref<10000x128xf32, #tpu.memory_space<hbm>> -> memref<10000x128xf32, #tpu.memory_space<hbm>>
        %dma_start3A_614 = tpu.memref_slice %arg14[%dma_start3A_603] : memref<3x!tpu.dma_semaphore, #tpu.memory_space<semaphore_mem>> -> memref<1x!tpu.dma_semaphore, #tpu.memory_space<semaphore_mem>>
        %dma_start3A_615 = tpu.memref_squeeze %dma_start3A_614 : memref<1x!tpu.dma_semaphore, #tpu.memory_space<semaphore_mem>> -> memref<!tpu.dma_semaphore, #tpu.memory_space<semaphore_mem>>
        tpu.enqueue_indirect_dma source(%dma_start3A_613 : memref<10000x128xf32, #tpu.memory_space<hbm>>) target(%dma_start3A_607 : memref<120x128xf32, #tpu.memory_space<vmem>>) offsets(%dma_start3A_610 : memref<120xi32, #tpu.memory_space<vmem>>) semaphore(%dma_start3A_615 : memref<!tpu.dma_semaphore, #tpu.memory_space<semaphore_mem>>)
      } else {
      }
      %mul3A_283 = arith.constant 2 : i32
      %mul3A_284 = arith.muli %mul3A_283, %scan3A_221 : i32
      %add3A_285 = arith.constant 1 : i32
      %add3A_286 = arith.addi %mul3A_284, %add3A_285 : i32
      %dma_start3A_287 = arith.constant 1 : i32
      %dma_start3A_288 = arith.constant 3 : i32
      %dma_start3A_289 = arith.constant 0 : i32
      %dma_start3A_290 = tpu.memref_slice %arg8[%dma_start3A_288, %dma_start3A_289] : memref<6x120xi32, #tpu.memory_space<vmem>> -> memref<3x120xi32, #tpu.memory_space<vmem>>
      %dma_start3A_291 = arith.constant 0 : i32
      %dma_start3A_292 = arith.constant 0 : i32
      %dma_start3A_293 = tpu.memref_slice %arg2[%add3A, %add3A_286, %dma_start3A_291, %dma_start3A_292] : memref<32x28x3x120xi32, #tpu.memory_space<hbm>> -> memref<1x1x3x120xi32, #tpu.memory_space<hbm>>
      %dma_start3A_294 = tpu.memref_squeeze %dma_start3A_293 : memref<1x1x3x120xi32, #tpu.memory_space<hbm>> -> memref<3x120xi32, #tpu.memory_space<hbm>>
      %dma_start3A_295 = tpu.memref_slice %arg13[%dma_start3A_287] : memref<2x!tpu.dma_semaphore, #tpu.memory_space<semaphore_mem>> -> memref<1x!tpu.dma_semaphore, #tpu.memory_space<semaphore_mem>>
      %dma_start3A_296 = tpu.memref_squeeze %dma_start3A_295 : memref<1x!tpu.dma_semaphore, #tpu.memory_space<semaphore_mem>> -> memref<!tpu.dma_semaphore, #tpu.memory_space<semaphore_mem>>
      %dma_start3A_297 = arith.constant 3 : i32
      %dma_start3A_298 = arith.constant 0 : i32
      %dma_start3A_299 = tpu.memref_slice %arg8[%dma_start3A_297, %dma_start3A_298] : memref<6x120xi32, #tpu.memory_space<vmem>> -> memref<3x120xi32, #tpu.memory_space<vmem>>
      %dma_start3A_300 = arith.constant 0 : i32
      %dma_start3A_301 = arith.constant 0 : i32
      %dma_start3A_302 = tpu.memref_slice %arg2[%add3A, %add3A_286, %dma_start3A_300, %dma_start3A_301] : memref<32x28x3x120xi32, #tpu.memory_space<hbm>> -> memref<1x1x3x120xi32, #tpu.memory_space<hbm>>
      %dma_start3A_303 = tpu.memref_squeeze %dma_start3A_302 : memref<1x1x3x120xi32, #tpu.memory_space<hbm>> -> memref<3x120xi32, #tpu.memory_space<hbm>>
      tpu.enqueue_dma source(%dma_start3A_303 : memref<3x120xi32, #tpu.memory_space<hbm>>) target(%dma_start3A_299 : memref<3x120xi32, #tpu.memory_space<vmem>>) target_semaphore(%dma_start3A_296 : memref<!tpu.dma_semaphore, #tpu.memory_space<semaphore_mem>>)
      %dma_start3A_304 = arith.constant 1 : i32
      %dma_start3A_305 = arith.constant 3 : i32
      %dma_start3A_306 = arith.constant 0 : i32
      %dma_start3A_307 = tpu.memref_slice %arg9[%dma_start3A_305, %dma_start3A_306] : memref<6x120xi32, #tpu.memory_space<vmem>> -> memref<3x120xi32, #tpu.memory_space<vmem>>
      %dma_start3A_308 = arith.constant 0 : i32
      %dma_start3A_309 = arith.constant 0 : i32
      %dma_start3A_310 = tpu.memref_slice %arg3[%add3A, %add3A_286, %dma_start3A_308, %dma_start3A_309] : memref<32x28x3x120xi32, #tpu.memory_space<hbm>> -> memref<1x1x3x120xi32, #tpu.memory_space<hbm>>
      %dma_start3A_311 = tpu.memref_squeeze %dma_start3A_310 : memref<1x1x3x120xi32, #tpu.memory_space<hbm>> -> memref<3x120xi32, #tpu.memory_space<hbm>>
      %dma_start3A_312 = tpu.memref_slice %arg13[%dma_start3A_304] : memref<2x!tpu.dma_semaphore, #tpu.memory_space<semaphore_mem>> -> memref<1x!tpu.dma_semaphore, #tpu.memory_space<semaphore_mem>>
      %dma_start3A_313 = tpu.memref_squeeze %dma_start3A_312 : memref<1x!tpu.dma_semaphore, #tpu.memory_space<semaphore_mem>> -> memref<!tpu.dma_semaphore, #tpu.memory_space<semaphore_mem>>
      %dma_start3A_314 = arith.constant 3 : i32
      %dma_start3A_315 = arith.constant 0 : i32
      %dma_start3A_316 = tpu.memref_slice %arg9[%dma_start3A_314, %dma_start3A_315] : memref<6x120xi32, #tpu.memory_space<vmem>> -> memref<3x120xi32, #tpu.memory_space<vmem>>
      %dma_start3A_317 = arith.constant 0 : i32
      %dma_start3A_318 = arith.constant 0 : i32
      %dma_start3A_319 = tpu.memref_slice %arg3[%add3A, %add3A_286, %dma_start3A_317, %dma_start3A_318] : memref<32x28x3x120xi32, #tpu.memory_space<hbm>> -> memref<1x1x3x120xi32, #tpu.memory_space<hbm>>
      %dma_start3A_320 = tpu.memref_squeeze %dma_start3A_319 : memref<1x1x3x120xi32, #tpu.memory_space<hbm>> -> memref<3x120xi32, #tpu.memory_space<hbm>>
      tpu.enqueue_dma source(%dma_start3A_320 : memref<3x120xi32, #tpu.memory_space<hbm>>) target(%dma_start3A_316 : memref<3x120xi32, #tpu.memory_space<vmem>>) target_semaphore(%dma_start3A_313 : memref<!tpu.dma_semaphore, #tpu.memory_space<semaphore_mem>>)
      %dma_start3A_321 = arith.constant 1 : i32
      %dma_start3A_322 = arith.constant 3 : i32
      %dma_start3A_323 = arith.constant 0 : i32
      %dma_start3A_324 = tpu.memref_slice %arg10[%dma_start3A_322, %dma_start3A_323] : memref<6x120xf32, #tpu.memory_space<vmem>> -> memref<3x120xf32, #tpu.memory_space<vmem>>
      %dma_start3A_325 = arith.constant 0 : i32
      %dma_start3A_326 = arith.constant 0 : i32
      %dma_start3A_327 = tpu.memref_slice %arg4[%add3A, %add3A_286, %dma_start3A_325, %dma_start3A_326] : memref<32x28x3x120xf32, #tpu.memory_space<hbm>> -> memref<1x1x3x120xf32, #tpu.memory_space<hbm>>
      %dma_start3A_328 = tpu.memref_squeeze %dma_start3A_327 : memref<1x1x3x120xf32, #tpu.memory_space<hbm>> -> memref<3x120xf32, #tpu.memory_space<hbm>>
      %dma_start3A_329 = tpu.memref_slice %arg13[%dma_start3A_321] : memref<2x!tpu.dma_semaphore, #tpu.memory_space<semaphore_mem>> -> memref<1x!tpu.dma_semaphore, #tpu.memory_space<semaphore_mem>>
      %dma_start3A_330 = tpu.memref_squeeze %dma_start3A_329 : memref<1x!tpu.dma_semaphore, #tpu.memory_space<semaphore_mem>> -> memref<!tpu.dma_semaphore, #tpu.memory_space<semaphore_mem>>
      %dma_start3A_331 = arith.constant 3 : i32
      %dma_start3A_332 = arith.constant 0 : i32
      %dma_start3A_333 = tpu.memref_slice %arg10[%dma_start3A_331, %dma_start3A_332] : memref<6x120xf32, #tpu.memory_space<vmem>> -> memref<3x120xf32, #tpu.memory_space<vmem>>
      %dma_start3A_334 = arith.constant 0 : i32
      %dma_start3A_335 = arith.constant 0 : i32
      %dma_start3A_336 = tpu.memref_slice %arg4[%add3A, %add3A_286, %dma_start3A_334, %dma_start3A_335] : memref<32x28x3x120xf32, #tpu.memory_space<hbm>> -> memref<1x1x3x120xf32, #tpu.memory_space<hbm>>
      %dma_start3A_337 = tpu.memref_squeeze %dma_start3A_336 : memref<1x1x3x120xf32, #tpu.memory_space<hbm>> -> memref<3x120xf32, #tpu.memory_space<hbm>>
      tpu.enqueue_dma source(%dma_start3A_337 : memref<3x120xf32, #tpu.memory_space<hbm>>) target(%dma_start3A_333 : memref<3x120xf32, #tpu.memory_space<vmem>>) target_semaphore(%dma_start3A_330 : memref<!tpu.dma_semaphore, #tpu.memory_space<semaphore_mem>>)
      %dma_wait3A_338 = arith.constant 1 : i32
      %dma_wait3A_339 = arith.constant 1 : i32
      %dma_wait3A_340 = arith.constant 0 : i32
      %dma_wait3A_341 = arith.constant 0 : i32
      %dma_wait3A_342 = tpu.memref_slice %arg11[%dma_wait3A_338, %dma_wait3A_340, %dma_wait3A_341] : memref<3x120x128xf32, #tpu.memory_space<vmem>> -> memref<1x120x128xf32, #tpu.memory_space<vmem>>
      %dma_wait3A_343 = tpu.memref_squeeze %dma_wait3A_342 : memref<1x120x128xf32, #tpu.memory_space<vmem>> -> memref<120x128xf32, #tpu.memory_space<vmem>>
      %dma_wait3A_344 = arith.constant 0 : i32
      %dma_wait3A_345 = arith.constant 0 : i32
      %dma_wait3A_346 = tpu.memref_slice %arg5[%dma_wait3A_344, %dma_wait3A_345] : memref<10000x128xf32, #tpu.memory_space<hbm>> -> memref<120x128xf32, #tpu.memory_space<hbm>>
      %dma_wait3A_347 = tpu.memref_slice %arg14[%dma_wait3A_339] : memref<3x!tpu.dma_semaphore, #tpu.memory_space<semaphore_mem>> -> memref<1x!tpu.dma_semaphore, #tpu.memory_space<semaphore_mem>>
      %dma_wait3A_348 = tpu.memref_squeeze %dma_wait3A_347 : memref<1x!tpu.dma_semaphore, #tpu.memory_space<semaphore_mem>> -> memref<!tpu.dma_semaphore, #tpu.memory_space<semaphore_mem>>
      %dma_wait3A_349 = arith.constant 0 : i32
      %dma_wait3A_350 = arith.constant 0 : i32
      %dma_wait3A_351 = tpu.memref_slice %arg11[%dma_wait3A_338, %dma_wait3A_349, %dma_wait3A_350] : memref<3x120x128xf32, #tpu.memory_space<vmem>> -> memref<1x120x128xf32, #tpu.memory_space<vmem>>
      %dma_wait3A_352 = tpu.memref_squeeze %dma_wait3A_351 : memref<1x120x128xf32, #tpu.memory_space<vmem>> -> memref<120x128xf32, #tpu.memory_space<vmem>>
      %dma_wait3A_353 = arith.constant 0 : i32
      %dma_wait3A_354 = arith.constant 0 : i32
      %dma_wait3A_355 = tpu.memref_slice %arg5[%dma_wait3A_353, %dma_wait3A_354] : memref<10000x128xf32, #tpu.memory_space<hbm>> -> memref<120x128xf32, #tpu.memory_space<hbm>>
      tpu.wait_dma2 semaphore(%dma_wait3A_348 : memref<!tpu.dma_semaphore, #tpu.memory_space<semaphore_mem>>) src(%dma_wait3A_355 : memref<120x128xf32, #tpu.memory_space<hbm>>) dst(%dma_wait3A_352 : memref<120x128xf32, #tpu.memory_space<vmem>>)
      %parallel_loop3A_356 = arith.constant 0 : i32
      %parallel_loop3A_357 = arith.constant 120 : i32
      %parallel_loop3A_358 = arith.constant 1 : i32
      scf.for %parallel_loop3A_583 = %parallel_loop3A_356 to %parallel_loop3A_357 step %parallel_loop3A_358  : i32 {
        %parallel_loop3A_584 = arith.constant 1 : i32
        %parallel_loop3A_585 = vector.broadcast %parallel_loop3A_584 : i32 to vector<16xi32>
        %parallel_loop3A_586 = arith.constant 0 : i32
        %parallel_loop3A_587 = vector.broadcast %parallel_loop3A_586 : i32 to vector<16xi32>
        %parallel_loop3A_588 = vector.broadcast %parallel_loop3A_583 : i32 to vector<16xi32>
        %parallel_loop3A_589 = arith.addi %parallel_loop3A_587, %parallel_loop3A_588 : vector<16xi32>
        %parallel_loop3A_590 = tpu.vector_load_idx %arg10[%parallel_loop3A_585, %parallel_loop3A_589] : memref<6x120xf32, #tpu.memory_space<vmem>>[vector<16xi32>, vector<16xi32>], vector<16xf32>,
        %parallel_loop3A_591 = arith.constant 1 : i32
        %parallel_loop3A_592 = arith.index_cast %parallel_loop3A_591 : i32 to index
        %parallel_loop3A_593 = arith.index_cast %parallel_loop3A_583 : i32 to index
        %parallel_loop3A_594 = arith.constant 0 : index
        %parallel_loop3A_595 = tpu.vector_load %arg11[%parallel_loop3A_592, %parallel_loop3A_593, %parallel_loop3A_594] {strides = array<i32>} : memref<3x120x128xf32, #tpu.memory_space<vmem>>, vector<16xf32>,
        %parallel_loop3A_596 = arith.mulf %parallel_loop3A_595, %parallel_loop3A_590 : vector<16xf32>
        %parallel_loop3A_597 = arith.constant 1 : i32
        %parallel_loop3A_598 = arith.index_cast %parallel_loop3A_597 : i32 to index
        %parallel_loop3A_599 = arith.index_cast %parallel_loop3A_583 : i32 to index
        %parallel_loop3A_600 = arith.constant 0 : index
        %parallel_loop3A_601 = tpu.vector_load %arg11[%parallel_loop3A_598, %parallel_loop3A_599, %parallel_loop3A_600] {strides = array<i32>} : memref<3x120x128xf32, #tpu.memory_space<vmem>>, vector<16xf32>,
        tpu.vector_store %arg11[%parallel_loop3A_598, %parallel_loop3A_599, %parallel_loop3A_600], %parallel_loop3A_596 {strides = array<i32>} : memref<3x120x128xf32, #tpu.memory_space<vmem>>, vector<16xf32>,
        %parallel_loop3A_602 = arith.constant 1 : i32
        %parallel_loop3A_603 = arith.index_cast %parallel_loop3A_602 : i32 to index
        %parallel_loop3A_604 = arith.index_cast %parallel_loop3A_583 : i32 to index
        %parallel_loop3A_605 = arith.constant 16 : index
        %parallel_loop3A_606 = tpu.vector_load %arg11[%parallel_loop3A_603, %parallel_loop3A_604, %parallel_loop3A_605] {strides = array<i32>} : memref<3x120x128xf32, #tpu.memory_space<vmem>>, vector<16xf32>,
        %parallel_loop3A_607 = arith.mulf %parallel_loop3A_606, %parallel_loop3A_590 : vector<16xf32>
        %parallel_loop3A_608 = arith.constant 1 : i32
        %parallel_loop3A_609 = arith.index_cast %parallel_loop3A_608 : i32 to index
        %parallel_loop3A_610 = arith.index_cast %parallel_loop3A_583 : i32 to index
        %parallel_loop3A_611 = arith.constant 16 : index
        %parallel_loop3A_612 = tpu.vector_load %arg11[%parallel_loop3A_609, %parallel_loop3A_610, %parallel_loop3A_611] {strides = array<i32>} : memref<3x120x128xf32, #tpu.memory_space<vmem>>, vector<16xf32>,
        tpu.vector_store %arg11[%parallel_loop3A_609, %parallel_loop3A_610, %parallel_loop3A_611], %parallel_loop3A_607 {strides = array<i32>} : memref<3x120x128xf32, #tpu.memory_space<vmem>>, vector<16xf32>,
        %parallel_loop3A_613 = arith.constant 1 : i32
        %parallel_loop3A_614 = arith.index_cast %parallel_loop3A_613 : i32 to index
        %parallel_loop3A_615 = arith.index_cast %parallel_loop3A_583 : i32 to index
        %parallel_loop3A_616 = arith.constant 32 : index
        %parallel_loop3A_617 = tpu.vector_load %arg11[%parallel_loop3A_614, %parallel_loop3A_615, %parallel_loop3A_616] {strides = array<i32>} : memref<3x120x128xf32, #tpu.memory_space<vmem>>, vector<16xf32>,
        %parallel_loop3A_618 = arith.mulf %parallel_loop3A_617, %parallel_loop3A_590 : vector<16xf32>
        %parallel_loop3A_619 = arith.constant 1 : i32
        %parallel_loop3A_620 = arith.index_cast %parallel_loop3A_619 : i32 to index
        %parallel_loop3A_621 = arith.index_cast %parallel_loop3A_583 : i32 to index
        %parallel_loop3A_622 = arith.constant 32 : index
        %parallel_loop3A_623 = tpu.vector_load %arg11[%parallel_loop3A_620, %parallel_loop3A_621, %parallel_loop3A_622] {strides = array<i32>} : memref<3x120x128xf32, #tpu.memory_space<vmem>>, vector<16xf32>,
        tpu.vector_store %arg11[%parallel_loop3A_620, %parallel_loop3A_621, %parallel_loop3A_622], %parallel_loop3A_618 {strides = array<i32>} : memref<3x120x128xf32, #tpu.memory_space<vmem>>, vector<16xf32>,
        %parallel_loop3A_624 = arith.constant 1 : i32
        %parallel_loop3A_625 = arith.index_cast %parallel_loop3A_624 : i32 to index
        %parallel_loop3A_626 = arith.index_cast %parallel_loop3A_583 : i32 to index
        %parallel_loop3A_627 = arith.constant 48 : index
        %parallel_loop3A_628 = tpu.vector_load %arg11[%parallel_loop3A_625, %parallel_loop3A_626, %parallel_loop3A_627] {strides = array<i32>} : memref<3x120x128xf32, #tpu.memory_space<vmem>>, vector<16xf32>,
        %parallel_loop3A_629 = arith.mulf %parallel_loop3A_628, %parallel_loop3A_590 : vector<16xf32>
        %parallel_loop3A_630 = arith.constant 1 : i32
        %parallel_loop3A_631 = arith.index_cast %parallel_loop3A_630 : i32 to index
        %parallel_loop3A_632 = arith.index_cast %parallel_loop3A_583 : i32 to index
        %parallel_loop3A_633 = arith.constant 48 : index
        %parallel_loop3A_634 = tpu.vector_load %arg11[%parallel_loop3A_631, %parallel_loop3A_632, %parallel_loop3A_633] {strides = array<i32>} : memref<3x120x128xf32, #tpu.memory_space<vmem>>, vector<16xf32>,
        tpu.vector_store %arg11[%parallel_loop3A_631, %parallel_loop3A_632, %parallel_loop3A_633], %parallel_loop3A_629 {strides = array<i32>} : memref<3x120x128xf32, #tpu.memory_space<vmem>>, vector<16xf32>,
        %parallel_loop3A_635 = arith.constant 1 : i32
        %parallel_loop3A_636 = arith.index_cast %parallel_loop3A_635 : i32 to index
        %parallel_loop3A_637 = arith.index_cast %parallel_loop3A_583 : i32 to index
        %parallel_loop3A_638 = arith.constant 64 : index
        %parallel_loop3A_639 = tpu.vector_load %arg11[%parallel_loop3A_636, %parallel_loop3A_637, %parallel_loop3A_638] {strides = array<i32>} : memref<3x120x128xf32, #tpu.memory_space<vmem>>, vector<16xf32>,
        %parallel_loop3A_640 = arith.mulf %parallel_loop3A_639, %parallel_loop3A_590 : vector<16xf32>
        %parallel_loop3A_641 = arith.constant 1 : i32
        %parallel_loop3A_642 = arith.index_cast %parallel_loop3A_641 : i32 to index
        %parallel_loop3A_643 = arith.index_cast %parallel_loop3A_583 : i32 to index
        %parallel_loop3A_644 = arith.constant 64 : index
        %parallel_loop3A_645 = tpu.vector_load %arg11[%parallel_loop3A_642, %parallel_loop3A_643, %parallel_loop3A_644] {strides = array<i32>} : memref<3x120x128xf32, #tpu.memory_space<vmem>>, vector<16xf32>,
        tpu.vector_store %arg11[%parallel_loop3A_642, %parallel_loop3A_643, %parallel_loop3A_644], %parallel_loop3A_640 {strides = array<i32>} : memref<3x120x128xf32, #tpu.memory_space<vmem>>, vector<16xf32>,
        %parallel_loop3A_646 = arith.constant 1 : i32
        %parallel_loop3A_647 = arith.index_cast %parallel_loop3A_646 : i32 to index
        %parallel_loop3A_648 = arith.index_cast %parallel_loop3A_583 : i32 to index
        %parallel_loop3A_649 = arith.constant 80 : index
        %parallel_loop3A_650 = tpu.vector_load %arg11[%parallel_loop3A_647, %parallel_loop3A_648, %parallel_loop3A_649] {strides = array<i32>} : memref<3x120x128xf32, #tpu.memory_space<vmem>>, vector<16xf32>,
        %parallel_loop3A_651 = arith.mulf %parallel_loop3A_650, %parallel_loop3A_590 : vector<16xf32>
        %parallel_loop3A_652 = arith.constant 1 : i32
        %parallel_loop3A_653 = arith.index_cast %parallel_loop3A_652 : i32 to index
        %parallel_loop3A_654 = arith.index_cast %parallel_loop3A_583 : i32 to index
        %parallel_loop3A_655 = arith.constant 80 : index
        %parallel_loop3A_656 = tpu.vector_load %arg11[%parallel_loop3A_653, %parallel_loop3A_654, %parallel_loop3A_655] {strides = array<i32>} : memref<3x120x128xf32, #tpu.memory_space<vmem>>, vector<16xf32>,
        tpu.vector_store %arg11[%parallel_loop3A_653, %parallel_loop3A_654, %parallel_loop3A_655], %parallel_loop3A_651 {strides = array<i32>} : memref<3x120x128xf32, #tpu.memory_space<vmem>>, vector<16xf32>,
        %parallel_loop3A_657 = arith.constant 1 : i32
        %parallel_loop3A_658 = arith.index_cast %parallel_loop3A_657 : i32 to index
        %parallel_loop3A_659 = arith.index_cast %parallel_loop3A_583 : i32 to index
        %parallel_loop3A_660 = arith.constant 96 : index
        %parallel_loop3A_661 = tpu.vector_load %arg11[%parallel_loop3A_658, %parallel_loop3A_659, %parallel_loop3A_660] {strides = array<i32>} : memref<3x120x128xf32, #tpu.memory_space<vmem>>, vector<16xf32>,
        %parallel_loop3A_662 = arith.mulf %parallel_loop3A_661, %parallel_loop3A_590 : vector<16xf32>
        %parallel_loop3A_663 = arith.constant 1 : i32
        %parallel_loop3A_664 = arith.index_cast %parallel_loop3A_663 : i32 to index
        %parallel_loop3A_665 = arith.index_cast %parallel_loop3A_583 : i32 to index
        %parallel_loop3A_666 = arith.constant 96 : index
        %parallel_loop3A_667 = tpu.vector_load %arg11[%parallel_loop3A_664, %parallel_loop3A_665, %parallel_loop3A_666] {strides = array<i32>} : memref<3x120x128xf32, #tpu.memory_space<vmem>>, vector<16xf32>,
        tpu.vector_store %arg11[%parallel_loop3A_664, %parallel_loop3A_665, %parallel_loop3A_666], %parallel_loop3A_662 {strides = array<i32>} : memref<3x120x128xf32, #tpu.memory_space<vmem>>, vector<16xf32>,
        %parallel_loop3A_668 = arith.constant 1 : i32
        %parallel_loop3A_669 = arith.index_cast %parallel_loop3A_668 : i32 to index
        %parallel_loop3A_670 = arith.index_cast %parallel_loop3A_583 : i32 to index
        %parallel_loop3A_671 = arith.constant 112 : index
        %parallel_loop3A_672 = tpu.vector_load %arg11[%parallel_loop3A_669, %parallel_loop3A_670, %parallel_loop3A_671] {strides = array<i32>} : memref<3x120x128xf32, #tpu.memory_space<vmem>>, vector<16xf32>,
        %parallel_loop3A_673 = arith.mulf %parallel_loop3A_672, %parallel_loop3A_590 : vector<16xf32>
        %parallel_loop3A_674 = arith.constant 1 : i32
        %parallel_loop3A_675 = arith.index_cast %parallel_loop3A_674 : i32 to index
        %parallel_loop3A_676 = arith.index_cast %parallel_loop3A_583 : i32 to index
        %parallel_loop3A_677 = arith.constant 112 : index
        %parallel_loop3A_678 = tpu.vector_load %arg11[%parallel_loop3A_675, %parallel_loop3A_676, %parallel_loop3A_677] {strides = array<i32>} : memref<3x120x128xf32, #tpu.memory_space<vmem>>, vector<16xf32>,
        tpu.vector_store %arg11[%parallel_loop3A_675, %parallel_loop3A_676, %parallel_loop3A_677], %parallel_loop3A_673 {strides = array<i32>} : memref<3x120x128xf32, #tpu.memory_space<vmem>>, vector<16xf32>,
      } {sc.loop_unroll_factor = 4 : i64, sc.parallel_access}
      %dma_start3A_359 = arith.constant 1 : i32
      %dma_start3A_360 = arith.constant 1 : i32
      %dma_start3A_361 = arith.constant 1 : i32
      %dma_start3A_362 = arith.constant 0 : i32
      %dma_start3A_363 = arith.constant 0 : i32
      %dma_start3A_364 = tpu.memref_slice %arg11[%dma_start3A_359, %dma_start3A_362, %dma_start3A_363] : memref<3x120x128xf32, #tpu.memory_space<vmem>> -> memref<1x120x128xf32, #tpu.memory_space<vmem>>
      %dma_start3A_365 = tpu.memref_squeeze %dma_start3A_364 : memref<1x120x128xf32, #tpu.memory_space<vmem>> -> memref<120x128xf32, #tpu.memory_space<vmem>>
      %dma_start3A_366 = arith.constant 0 : i32
      %dma_start3A_367 = tpu.memref_slice %arg9[%dma_start3A_360, %dma_start3A_366] : memref<6x120xi32, #tpu.memory_space<vmem>> -> memref<1x120xi32, #tpu.memory_space<vmem>>
      %dma_start3A_368 = tpu.memref_squeeze %dma_start3A_367 : memref<1x120xi32, #tpu.memory_space<vmem>> -> memref<120xi32, #tpu.memory_space<vmem>>
      %dma_start3A_369 = arith.constant 0 : i32
      %dma_start3A_370 = arith.constant 0 : i32
      %dma_start3A_371 = tpu.memref_slice %arg12[%dma_start3A_369, %dma_start3A_370] : memref<10000x128xf32, #tpu.memory_space<vmem_shared>> -> memref<10000x128xf32, #tpu.memory_space<vmem_shared>>
      %dma_start3A_372 = tpu.memref_slice %arg15[%dma_start3A_361] : memref<3x!tpu.dma_semaphore, #tpu.memory_space<semaphore_mem>> -> memref<1x!tpu.dma_semaphore, #tpu.memory_space<semaphore_mem>>
      %dma_start3A_373 = tpu.memref_squeeze %dma_start3A_372 : memref<1x!tpu.dma_semaphore, #tpu.memory_space<semaphore_mem>> -> memref<!tpu.dma_semaphore, #tpu.memory_space<semaphore_mem>>
      tpu.enqueue_indirect_dma source(%dma_start3A_365 : memref<120x128xf32, #tpu.memory_space<vmem>>) target(%dma_start3A_371 : memref<10000x128xf32, #tpu.memory_space<vmem_shared>>) offsets(%dma_start3A_368 : memref<120xi32, #tpu.memory_space<vmem>>) semaphore(%dma_start3A_373 : memref<!tpu.dma_semaphore, #tpu.memory_space<semaphore_mem>>) {add = true}
      %mul3A_374 = arith.constant 6 : i32
      %mul3A_375 = arith.muli %scan3A_221, %mul3A_374 : i32
      %add3A_376 = arith.constant 2 : i32
      %add3A_377 = arith.addi %mul3A_375, %add3A_376 : i32
      %ge3A_378 = arith.constant 2 : i32
      %ge3A_379 = arith.cmpi sge, %add3A_377, %ge3A_378 : i32
      %add3A_380 = arith.constant 1 : i32
      %add3A_381 = arith.addi %add3A_377, %add3A_380 : i32
      %lt3A_382 = arith.constant 84 : i32
      %lt3A_383 = arith.cmpi slt, %add3A_381, %lt3A_382 : i32
      %and3A_384 = arith.andi %ge3A_379, %lt3A_383 : i1
      %convert_element_type3A_385 = arith.extui %and3A_384 : i1 to i32
      %cond3A_386 = arith.constant 0 : i32
      %cond3A_387 = arith.cmpi ne, %convert_element_type3A_385, %cond3A_386 : i32
      scf.if %cond3A_387 {
        %dma_wait3A_583 = arith.constant 0 : i32
        %dma_wait3A_584 = arith.constant 0 : i32
        %dma_wait3A_585 = arith.constant 0 : i32
        %dma_wait3A_586 = arith.constant 0 : i32
        %dma_wait3A_587 = tpu.memref_slice %arg11[%dma_wait3A_583, %dma_wait3A_585, %dma_wait3A_586] : memref<3x120x128xf32, #tpu.memory_space<vmem>> -> memref<1x120x128xf32, #tpu.memory_space<vmem>>
        %dma_wait3A_588 = tpu.memref_squeeze %dma_wait3A_587 : memref<1x120x128xf32, #tpu.memory_space<vmem>> -> memref<120x128xf32, #tpu.memory_space<vmem>>
        %dma_wait3A_589 = arith.constant 0 : i32
        %dma_wait3A_590 = arith.constant 0 : i32
        %dma_wait3A_591 = tpu.memref_slice %arg5[%dma_wait3A_589, %dma_wait3A_590] : memref<10000x128xf32, #tpu.memory_space<hbm>> -> memref<120x128xf32, #tpu.memory_space<hbm>>
        %dma_wait3A_592 = tpu.memref_slice %arg15[%dma_wait3A_584] : memref<3x!tpu.dma_semaphore, #tpu.memory_space<semaphore_mem>> -> memref<1x!tpu.dma_semaphore, #tpu.memory_space<semaphore_mem>>
        %dma_wait3A_593 = tpu.memref_squeeze %dma_wait3A_592 : memref<1x!tpu.dma_semaphore, #tpu.memory_space<semaphore_mem>> -> memref<!tpu.dma_semaphore, #tpu.memory_space<semaphore_mem>>
        %dma_wait3A_594 = arith.constant 0 : i32
        %dma_wait3A_595 = arith.constant 0 : i32
        %dma_wait3A_596 = tpu.memref_slice %arg11[%dma_wait3A_583, %dma_wait3A_594, %dma_wait3A_595] : memref<3x120x128xf32, #tpu.memory_space<vmem>> -> memref<1x120x128xf32, #tpu.memory_space<vmem>>
        %dma_wait3A_597 = tpu.memref_squeeze %dma_wait3A_596 : memref<1x120x128xf32, #tpu.memory_space<vmem>> -> memref<120x128xf32, #tpu.memory_space<vmem>>
        %dma_wait3A_598 = arith.constant 0 : i32
        %dma_wait3A_599 = arith.constant 0 : i32
        %dma_wait3A_600 = tpu.memref_slice %arg5[%dma_wait3A_598, %dma_wait3A_599] : memref<10000x128xf32, #tpu.memory_space<hbm>> -> memref<120x128xf32, #tpu.memory_space<hbm>>
        tpu.wait_dma2 semaphore(%dma_wait3A_593 : memref<!tpu.dma_semaphore, #tpu.memory_space<semaphore_mem>>) src(%dma_wait3A_600 : memref<120x128xf32, #tpu.memory_space<hbm>>) dst(%dma_wait3A_597 : memref<120x128xf32, #tpu.memory_space<vmem>>)
        %dma_wait3A_601 = arith.constant 0 : i32
        %dma_wait3A_602 = arith.constant 1 : i32
        %dma_wait3A_603 = arith.constant 3 : i32
        %dma_wait3A_604 = arith.constant 0 : i32
        %dma_wait3A_605 = tpu.memref_slice %arg8[%dma_wait3A_603, %dma_wait3A_604] : memref<6x120xi32, #tpu.memory_space<vmem>> -> memref<3x120xi32, #tpu.memory_space<vmem>>
        %dma_wait3A_606 = arith.constant 0 : i32
        %dma_wait3A_607 = arith.constant 0 : i32
        %dma_wait3A_608 = tpu.memref_slice %arg2[%add3A, %dma_wait3A_601, %dma_wait3A_606, %dma_wait3A_607] : memref<32x28x3x120xi32, #tpu.memory_space<hbm>> -> memref<1x1x3x120xi32, #tpu.memory_space<hbm>>
        %dma_wait3A_609 = tpu.memref_squeeze %dma_wait3A_608 : memref<1x1x3x120xi32, #tpu.memory_space<hbm>> -> memref<3x120xi32, #tpu.memory_space<hbm>>
        %dma_wait3A_610 = tpu.memref_slice %arg13[%dma_wait3A_602] : memref<2x!tpu.dma_semaphore, #tpu.memory_space<semaphore_mem>> -> memref<1x!tpu.dma_semaphore, #tpu.memory_space<semaphore_mem>>
        %dma_wait3A_611 = tpu.memref_squeeze %dma_wait3A_610 : memref<1x!tpu.dma_semaphore, #tpu.memory_space<semaphore_mem>> -> memref<!tpu.dma_semaphore, #tpu.memory_space<semaphore_mem>>
        %dma_wait3A_612 = arith.constant 3 : i32
        %dma_wait3A_613 = arith.constant 0 : i32
        %dma_wait3A_614 = tpu.memref_slice %arg8[%dma_wait3A_612, %dma_wait3A_613] : memref<6x120xi32, #tpu.memory_space<vmem>> -> memref<3x120xi32, #tpu.memory_space<vmem>>
        %dma_wait3A_615 = arith.constant 0 : i32
        %dma_wait3A_616 = arith.constant 0 : i32
        %dma_wait3A_617 = tpu.memref_slice %arg2[%add3A, %dma_wait3A_601, %dma_wait3A_615, %dma_wait3A_616] : memref<32x28x3x120xi32, #tpu.memory_space<hbm>> -> memref<1x1x3x120xi32, #tpu.memory_space<hbm>>
        %dma_wait3A_618 = tpu.memref_squeeze %dma_wait3A_617 : memref<1x1x3x120xi32, #tpu.memory_space<hbm>> -> memref<3x120xi32, #tpu.memory_space<hbm>>
        tpu.wait_dma2 semaphore(%dma_wait3A_611 : memref<!tpu.dma_semaphore, #tpu.memory_space<semaphore_mem>>) src(%dma_wait3A_618 : memref<3x120xi32, #tpu.memory_space<hbm>>) dst(%dma_wait3A_614 : memref<3x120xi32, #tpu.memory_space<vmem>>)
        %dma_wait3A_619 = arith.constant 0 : i32
        %dma_wait3A_620 = arith.constant 1 : i32
        %dma_wait3A_621 = arith.constant 3 : i32
        %dma_wait3A_622 = arith.constant 0 : i32
        %dma_wait3A_623 = tpu.memref_slice %arg9[%dma_wait3A_621, %dma_wait3A_622] : memref<6x120xi32, #tpu.memory_space<vmem>> -> memref<3x120xi32, #tpu.memory_space<vmem>>
        %dma_wait3A_624 = arith.constant 0 : i32
        %dma_wait3A_625 = arith.constant 0 : i32
        %dma_wait3A_626 = tpu.memref_slice %arg2[%add3A, %dma_wait3A_619, %dma_wait3A_624, %dma_wait3A_625] : memref<32x28x3x120xi32, #tpu.memory_space<hbm>> -> memref<1x1x3x120xi32, #tpu.memory_space<hbm>>
        %dma_wait3A_627 = tpu.memref_squeeze %dma_wait3A_626 : memref<1x1x3x120xi32, #tpu.memory_space<hbm>> -> memref<3x120xi32, #tpu.memory_space<hbm>>
        %dma_wait3A_628 = tpu.memref_slice %arg13[%dma_wait3A_620] : memref<2x!tpu.dma_semaphore, #tpu.memory_space<semaphore_mem>> -> memref<1x!tpu.dma_semaphore, #tpu.memory_space<semaphore_mem>>
        %dma_wait3A_629 = tpu.memref_squeeze %dma_wait3A_628 : memref<1x!tpu.dma_semaphore, #tpu.memory_space<semaphore_mem>> -> memref<!tpu.dma_semaphore, #tpu.memory_space<semaphore_mem>>
        %dma_wait3A_630 = arith.constant 3 : i32
        %dma_wait3A_631 = arith.constant 0 : i32
        %dma_wait3A_632 = tpu.memref_slice %arg9[%dma_wait3A_630, %dma_wait3A_631] : memref<6x120xi32, #tpu.memory_space<vmem>> -> memref<3x120xi32, #tpu.memory_space<vmem>>
        %dma_wait3A_633 = arith.constant 0 : i32
        %dma_wait3A_634 = arith.constant 0 : i32
        %dma_wait3A_635 = tpu.memref_slice %arg2[%add3A, %dma_wait3A_619, %dma_wait3A_633, %dma_wait3A_634] : memref<32x28x3x120xi32, #tpu.memory_space<hbm>> -> memref<1x1x3x120xi32, #tpu.memory_space<hbm>>
        %dma_wait3A_636 = tpu.memref_squeeze %dma_wait3A_635 : memref<1x1x3x120xi32, #tpu.memory_space<hbm>> -> memref<3x120xi32, #tpu.memory_space<hbm>>
        tpu.wait_dma2 semaphore(%dma_wait3A_629 : memref<!tpu.dma_semaphore, #tpu.memory_space<semaphore_mem>>) src(%dma_wait3A_636 : memref<3x120xi32, #tpu.memory_space<hbm>>) dst(%dma_wait3A_632 : memref<3x120xi32, #tpu.memory_space<vmem>>)
        %dma_wait3A_637 = arith.constant 0 : i32
        %dma_wait3A_638 = arith.constant 1 : i32
        %dma_wait3A_639 = arith.constant 3 : i32
        %dma_wait3A_640 = arith.constant 0 : i32
        %dma_wait3A_641 = tpu.memref_slice %arg10[%dma_wait3A_639, %dma_wait3A_640] : memref<6x120xf32, #tpu.memory_space<vmem>> -> memref<3x120xf32, #tpu.memory_space<vmem>>
        %dma_wait3A_642 = arith.constant 0 : i32
        %dma_wait3A_643 = arith.constant 0 : i32
        %dma_wait3A_644 = tpu.memref_slice %arg2[%add3A, %dma_wait3A_637, %dma_wait3A_642, %dma_wait3A_643] : memref<32x28x3x120xi32, #tpu.memory_space<hbm>> -> memref<1x1x3x120xi32, #tpu.memory_space<hbm>>
        %dma_wait3A_645 = tpu.memref_squeeze %dma_wait3A_644 : memref<1x1x3x120xi32, #tpu.memory_space<hbm>> -> memref<3x120xi32, #tpu.memory_space<hbm>>
        %dma_wait3A_646 = tpu.memref_slice %arg13[%dma_wait3A_638] : memref<2x!tpu.dma_semaphore, #tpu.memory_space<semaphore_mem>> -> memref<1x!tpu.dma_semaphore, #tpu.memory_space<semaphore_mem>>
        %dma_wait3A_647 = tpu.memref_squeeze %dma_wait3A_646 : memref<1x!tpu.dma_semaphore, #tpu.memory_space<semaphore_mem>> -> memref<!tpu.dma_semaphore, #tpu.memory_space<semaphore_mem>>
        %dma_wait3A_648 = arith.constant 3 : i32
        %dma_wait3A_649 = arith.constant 0 : i32
        %dma_wait3A_650 = tpu.memref_slice %arg10[%dma_wait3A_648, %dma_wait3A_649] : memref<6x120xf32, #tpu.memory_space<vmem>> -> memref<3x120xf32, #tpu.memory_space<vmem>>
        %dma_wait3A_651 = arith.constant 0 : i32
        %dma_wait3A_652 = arith.constant 0 : i32
        %dma_wait3A_653 = tpu.memref_slice %arg2[%add3A, %dma_wait3A_637, %dma_wait3A_651, %dma_wait3A_652] : memref<32x28x3x120xi32, #tpu.memory_space<hbm>> -> memref<1x1x3x120xi32, #tpu.memory_space<hbm>>
        %dma_wait3A_654 = tpu.memref_squeeze %dma_wait3A_653 : memref<1x1x3x120xi32, #tpu.memory_space<hbm>> -> memref<3x120xi32, #tpu.memory_space<hbm>>
        tpu.wait_dma2 semaphore(%dma_wait3A_647 : memref<!tpu.dma_semaphore, #tpu.memory_space<semaphore_mem>>) src(%dma_wait3A_654 : memref<3x120xi32, #tpu.memory_space<hbm>>) dst(%dma_wait3A_650 : memref<3x120xf32, #tpu.memory_space<vmem>>)
        %dma_start3A_655 = arith.constant 3 : i32
        %dma_start3A_656 = arith.constant 0 : i32
        %dma_start3A_657 = arith.constant 0 : i32
        %dma_start3A_658 = arith.constant 0 : i32
        %dma_start3A_659 = arith.constant 0 : i32
        %dma_start3A_660 = tpu.memref_slice %arg11[%dma_start3A_656, %dma_start3A_658, %dma_start3A_659] : memref<3x120x128xf32, #tpu.memory_space<vmem>> -> memref<1x120x128xf32, #tpu.memory_space<vmem>>
        %dma_start3A_661 = tpu.memref_squeeze %dma_start3A_660 : memref<1x120x128xf32, #tpu.memory_space<vmem>> -> memref<120x128xf32, #tpu.memory_space<vmem>>
        %dma_start3A_662 = arith.constant 0 : i32
        %dma_start3A_663 = tpu.memref_slice %arg8[%dma_start3A_655, %dma_start3A_662] : memref<6x120xi32, #tpu.memory_space<vmem>> -> memref<1x120xi32, #tpu.memory_space<vmem>>
        %dma_start3A_664 = tpu.memref_squeeze %dma_start3A_663 : memref<1x120xi32, #tpu.memory_space<vmem>> -> memref<120xi32, #tpu.memory_space<vmem>>
        %dma_start3A_665 = arith.constant 0 : i32
        %dma_start3A_666 = arith.constant 0 : i32
        %dma_start3A_667 = tpu.memref_slice %arg5[%dma_start3A_665, %dma_start3A_666] : memref<10000x128xf32, #tpu.memory_space<hbm>> -> memref<10000x128xf32, #tpu.memory_space<hbm>>
        %dma_start3A_668 = tpu.memref_slice %arg14[%dma_start3A_657] : memref<3x!tpu.dma_semaphore, #tpu.memory_space<semaphore_mem>> -> memref<1x!tpu.dma_semaphore, #tpu.memory_space<semaphore_mem>>
        %dma_start3A_669 = tpu.memref_squeeze %dma_start3A_668 : memref<1x!tpu.dma_semaphore, #tpu.memory_space<semaphore_mem>> -> memref<!tpu.dma_semaphore, #tpu.memory_space<semaphore_mem>>
        tpu.enqueue_indirect_dma source(%dma_start3A_667 : memref<10000x128xf32, #tpu.memory_space<hbm>>) target(%dma_start3A_661 : memref<120x128xf32, #tpu.memory_space<vmem>>) offsets(%dma_start3A_664 : memref<120xi32, #tpu.memory_space<vmem>>) semaphore(%dma_start3A_669 : memref<!tpu.dma_semaphore, #tpu.memory_space<semaphore_mem>>)
      } else {
      }
      %dma_wait3A_388 = arith.constant 2 : i32
      %dma_wait3A_389 = arith.constant 2 : i32
      %dma_wait3A_390 = arith.constant 0 : i32
      %dma_wait3A_391 = arith.constant 0 : i32
      %dma_wait3A_392 = tpu.memref_slice %arg11[%dma_wait3A_388, %dma_wait3A_390, %dma_wait3A_391] : memref<3x120x128xf32, #tpu.memory_space<vmem>> -> memref<1x120x128xf32, #tpu.memory_space<vmem>>
      %dma_wait3A_393 = tpu.memref_squeeze %dma_wait3A_392 : memref<1x120x128xf32, #tpu.memory_space<vmem>> -> memref<120x128xf32, #tpu.memory_space<vmem>>
      %dma_wait3A_394 = arith.constant 0 : i32
      %dma_wait3A_395 = arith.constant 0 : i32
      %dma_wait3A_396 = tpu.memref_slice %arg5[%dma_wait3A_394, %dma_wait3A_395] : memref<10000x128xf32, #tpu.memory_space<hbm>> -> memref<120x128xf32, #tpu.memory_space<hbm>>
      %dma_wait3A_397 = tpu.memref_slice %arg14[%dma_wait3A_389] : memref<3x!tpu.dma_semaphore, #tpu.memory_space<semaphore_mem>> -> memref<1x!tpu.dma_semaphore, #tpu.memory_space<semaphore_mem>>
      %dma_wait3A_398 = tpu.memref_squeeze %dma_wait3A_397 : memref<1x!tpu.dma_semaphore, #tpu.memory_space<semaphore_mem>> -> memref<!tpu.dma_semaphore, #tpu.memory_space<semaphore_mem>>
      %dma_wait3A_399 = arith.constant 0 : i32
      %dma_wait3A_400 = arith.constant 0 : i32
      %dma_wait3A_401 = tpu.memref_slice %arg11[%dma_wait3A_388, %dma_wait3A_399, %dma_wait3A_400] : memref<3x120x128xf32, #tpu.memory_space<vmem>> -> memref<1x120x128xf32, #tpu.memory_space<vmem>>
      %dma_wait3A_402 = tpu.memref_squeeze %dma_wait3A_401 : memref<1x120x128xf32, #tpu.memory_space<vmem>> -> memref<120x128xf32, #tpu.memory_space<vmem>>
      %dma_wait3A_403 = arith.constant 0 : i32
      %dma_wait3A_404 = arith.constant 0 : i32
      %dma_wait3A_405 = tpu.memref_slice %arg5[%dma_wait3A_403, %dma_wait3A_404] : memref<10000x128xf32, #tpu.memory_space<hbm>> -> memref<120x128xf32, #tpu.memory_space<hbm>>
      tpu.wait_dma2 semaphore(%dma_wait3A_398 : memref<!tpu.dma_semaphore, #tpu.memory_space<semaphore_mem>>) src(%dma_wait3A_405 : memref<120x128xf32, #tpu.memory_space<hbm>>) dst(%dma_wait3A_402 : memref<120x128xf32, #tpu.memory_space<vmem>>)
      %parallel_loop3A_406 = arith.constant 0 : i32
      %parallel_loop3A_407 = arith.constant 120 : i32
      %parallel_loop3A_408 = arith.constant 1 : i32
      scf.for %parallel_loop3A_583 = %parallel_loop3A_406 to %parallel_loop3A_407 step %parallel_loop3A_408  : i32 {
        %parallel_loop3A_584 = arith.constant 2 : i32
        %parallel_loop3A_585 = vector.broadcast %parallel_loop3A_584 : i32 to vector<16xi32>
        %parallel_loop3A_586 = arith.constant 0 : i32
        %parallel_loop3A_587 = vector.broadcast %parallel_loop3A_586 : i32 to vector<16xi32>
        %parallel_loop3A_588 = vector.broadcast %parallel_loop3A_583 : i32 to vector<16xi32>
        %parallel_loop3A_589 = arith.addi %parallel_loop3A_587, %parallel_loop3A_588 : vector<16xi32>
        %parallel_loop3A_590 = tpu.vector_load_idx %arg10[%parallel_loop3A_585, %parallel_loop3A_589] : memref<6x120xf32, #tpu.memory_space<vmem>>[vector<16xi32>, vector<16xi32>], vector<16xf32>,
        %parallel_loop3A_591 = arith.constant 2 : i32
        %parallel_loop3A_592 = arith.index_cast %parallel_loop3A_591 : i32 to index
        %parallel_loop3A_593 = arith.index_cast %parallel_loop3A_583 : i32 to index
        %parallel_loop3A_594 = arith.constant 0 : index
        %parallel_loop3A_595 = tpu.vector_load %arg11[%parallel_loop3A_592, %parallel_loop3A_593, %parallel_loop3A_594] {strides = array<i32>} : memref<3x120x128xf32, #tpu.memory_space<vmem>>, vector<16xf32>,
        %parallel_loop3A_596 = arith.mulf %parallel_loop3A_595, %parallel_loop3A_590 : vector<16xf32>
        %parallel_loop3A_597 = arith.constant 2 : i32
        %parallel_loop3A_598 = arith.index_cast %parallel_loop3A_597 : i32 to index
        %parallel_loop3A_599 = arith.index_cast %parallel_loop3A_583 : i32 to index
        %parallel_loop3A_600 = arith.constant 0 : index
        %parallel_loop3A_601 = tpu.vector_load %arg11[%parallel_loop3A_598, %parallel_loop3A_599, %parallel_loop3A_600] {strides = array<i32>} : memref<3x120x128xf32, #tpu.memory_space<vmem>>, vector<16xf32>,
        tpu.vector_store %arg11[%parallel_loop3A_598, %parallel_loop3A_599, %parallel_loop3A_600], %parallel_loop3A_596 {strides = array<i32>} : memref<3x120x128xf32, #tpu.memory_space<vmem>>, vector<16xf32>,
        %parallel_loop3A_602 = arith.constant 2 : i32
        %parallel_loop3A_603 = arith.index_cast %parallel_loop3A_602 : i32 to index
        %parallel_loop3A_604 = arith.index_cast %parallel_loop3A_583 : i32 to index
        %parallel_loop3A_605 = arith.constant 16 : index
        %parallel_loop3A_606 = tpu.vector_load %arg11[%parallel_loop3A_603, %parallel_loop3A_604, %parallel_loop3A_605] {strides = array<i32>} : memref<3x120x128xf32, #tpu.memory_space<vmem>>, vector<16xf32>,
        %parallel_loop3A_607 = arith.mulf %parallel_loop3A_606, %parallel_loop3A_590 : vector<16xf32>
        %parallel_loop3A_608 = arith.constant 2 : i32
        %parallel_loop3A_609 = arith.index_cast %parallel_loop3A_608 : i32 to index
        %parallel_loop3A_610 = arith.index_cast %parallel_loop3A_583 : i32 to index
        %parallel_loop3A_611 = arith.constant 16 : index
        %parallel_loop3A_612 = tpu.vector_load %arg11[%parallel_loop3A_609, %parallel_loop3A_610, %parallel_loop3A_611] {strides = array<i32>} : memref<3x120x128xf32, #tpu.memory_space<vmem>>, vector<16xf32>,
        tpu.vector_store %arg11[%parallel_loop3A_609, %parallel_loop3A_610, %parallel_loop3A_611], %parallel_loop3A_607 {strides = array<i32>} : memref<3x120x128xf32, #tpu.memory_space<vmem>>, vector<16xf32>,
        %parallel_loop3A_613 = arith.constant 2 : i32
        %parallel_loop3A_614 = arith.index_cast %parallel_loop3A_613 : i32 to index
        %parallel_loop3A_615 = arith.index_cast %parallel_loop3A_583 : i32 to index
        %parallel_loop3A_616 = arith.constant 32 : index
        %parallel_loop3A_617 = tpu.vector_load %arg11[%parallel_loop3A_614, %parallel_loop3A_615, %parallel_loop3A_616] {strides = array<i32>} : memref<3x120x128xf32, #tpu.memory_space<vmem>>, vector<16xf32>,
        %parallel_loop3A_618 = arith.mulf %parallel_loop3A_617, %parallel_loop3A_590 : vector<16xf32>
        %parallel_loop3A_619 = arith.constant 2 : i32
        %parallel_loop3A_620 = arith.index_cast %parallel_loop3A_619 : i32 to index
        %parallel_loop3A_621 = arith.index_cast %parallel_loop3A_583 : i32 to index
        %parallel_loop3A_622 = arith.constant 32 : index
        %parallel_loop3A_623 = tpu.vector_load %arg11[%parallel_loop3A_620, %parallel_loop3A_621, %parallel_loop3A_622] {strides = array<i32>} : memref<3x120x128xf32, #tpu.memory_space<vmem>>, vector<16xf32>,
        tpu.vector_store %arg11[%parallel_loop3A_620, %parallel_loop3A_621, %parallel_loop3A_622], %parallel_loop3A_618 {strides = array<i32>} : memref<3x120x128xf32, #tpu.memory_space<vmem>>, vector<16xf32>,
        %parallel_loop3A_624 = arith.constant 2 : i32
        %parallel_loop3A_625 = arith.index_cast %parallel_loop3A_624 : i32 to index
        %parallel_loop3A_626 = arith.index_cast %parallel_loop3A_583 : i32 to index
        %parallel_loop3A_627 = arith.constant 48 : index
        %parallel_loop3A_628 = tpu.vector_load %arg11[%parallel_loop3A_625, %parallel_loop3A_626, %parallel_loop3A_627] {strides = array<i32>} : memref<3x120x128xf32, #tpu.memory_space<vmem>>, vector<16xf32>,
        %parallel_loop3A_629 = arith.mulf %parallel_loop3A_628, %parallel_loop3A_590 : vector<16xf32>
        %parallel_loop3A_630 = arith.constant 2 : i32
        %parallel_loop3A_631 = arith.index_cast %parallel_loop3A_630 : i32 to index
        %parallel_loop3A_632 = arith.index_cast %parallel_loop3A_583 : i32 to index
        %parallel_loop3A_633 = arith.constant 48 : index
        %parallel_loop3A_634 = tpu.vector_load %arg11[%parallel_loop3A_631, %parallel_loop3A_632, %parallel_loop3A_633] {strides = array<i32>} : memref<3x120x128xf32, #tpu.memory_space<vmem>>, vector<16xf32>,
        tpu.vector_store %arg11[%parallel_loop3A_631, %parallel_loop3A_632, %parallel_loop3A_633], %parallel_loop3A_629 {strides = array<i32>} : memref<3x120x128xf32, #tpu.memory_space<vmem>>, vector<16xf32>,
        %parallel_loop3A_635 = arith.constant 2 : i32
        %parallel_loop3A_636 = arith.index_cast %parallel_loop3A_635 : i32 to index
        %parallel_loop3A_637 = arith.index_cast %parallel_loop3A_583 : i32 to index
        %parallel_loop3A_638 = arith.constant 64 : index
        %parallel_loop3A_639 = tpu.vector_load %arg11[%parallel_loop3A_636, %parallel_loop3A_637, %parallel_loop3A_638] {strides = array<i32>} : memref<3x120x128xf32, #tpu.memory_space<vmem>>, vector<16xf32>,
        %parallel_loop3A_640 = arith.mulf %parallel_loop3A_639, %parallel_loop3A_590 : vector<16xf32>
        %parallel_loop3A_641 = arith.constant 2 : i32
        %parallel_loop3A_642 = arith.index_cast %parallel_loop3A_641 : i32 to index
        %parallel_loop3A_643 = arith.index_cast %parallel_loop3A_583 : i32 to index
        %parallel_loop3A_644 = arith.constant 64 : index
        %parallel_loop3A_645 = tpu.vector_load %arg11[%parallel_loop3A_642, %parallel_loop3A_643, %parallel_loop3A_644] {strides = array<i32>} : memref<3x120x128xf32, #tpu.memory_space<vmem>>, vector<16xf32>,
        tpu.vector_store %arg11[%parallel_loop3A_642, %parallel_loop3A_643, %parallel_loop3A_644], %parallel_loop3A_640 {strides = array<i32>} : memref<3x120x128xf32, #tpu.memory_space<vmem>>, vector<16xf32>,
        %parallel_loop3A_646 = arith.constant 2 : i32
        %parallel_loop3A_647 = arith.index_cast %parallel_loop3A_646 : i32 to index
        %parallel_loop3A_648 = arith.index_cast %parallel_loop3A_583 : i32 to index
        %parallel_loop3A_649 = arith.constant 80 : index
        %parallel_loop3A_650 = tpu.vector_load %arg11[%parallel_loop3A_647, %parallel_loop3A_648, %parallel_loop3A_649] {strides = array<i32>} : memref<3x120x128xf32, #tpu.memory_space<vmem>>, vector<16xf32>,
        %parallel_loop3A_651 = arith.mulf %parallel_loop3A_650, %parallel_loop3A_590 : vector<16xf32>
        %parallel_loop3A_652 = arith.constant 2 : i32
        %parallel_loop3A_653 = arith.index_cast %parallel_loop3A_652 : i32 to index
        %parallel_loop3A_654 = arith.index_cast %parallel_loop3A_583 : i32 to index
        %parallel_loop3A_655 = arith.constant 80 : index
        %parallel_loop3A_656 = tpu.vector_load %arg11[%parallel_loop3A_653, %parallel_loop3A_654, %parallel_loop3A_655] {strides = array<i32>} : memref<3x120x128xf32, #tpu.memory_space<vmem>>, vector<16xf32>,
        tpu.vector_store %arg11[%parallel_loop3A_653, %parallel_loop3A_654, %parallel_loop3A_655], %parallel_loop3A_651 {strides = array<i32>} : memref<3x120x128xf32, #tpu.memory_space<vmem>>, vector<16xf32>,
        %parallel_loop3A_657 = arith.constant 2 : i32
        %parallel_loop3A_658 = arith.index_cast %parallel_loop3A_657 : i32 to index
        %parallel_loop3A_659 = arith.index_cast %parallel_loop3A_583 : i32 to index
        %parallel_loop3A_660 = arith.constant 96 : index
        %parallel_loop3A_661 = tpu.vector_load %arg11[%parallel_loop3A_658, %parallel_loop3A_659, %parallel_loop3A_660] {strides = array<i32>} : memref<3x120x128xf32, #tpu.memory_space<vmem>>, vector<16xf32>,
        %parallel_loop3A_662 = arith.mulf %parallel_loop3A_661, %parallel_loop3A_590 : vector<16xf32>
        %parallel_loop3A_663 = arith.constant 2 : i32
        %parallel_loop3A_664 = arith.index_cast %parallel_loop3A_663 : i32 to index
        %parallel_loop3A_665 = arith.index_cast %parallel_loop3A_583 : i32 to index
        %parallel_loop3A_666 = arith.constant 96 : index
        %parallel_loop3A_667 = tpu.vector_load %arg11[%parallel_loop3A_664, %parallel_loop3A_665, %parallel_loop3A_666] {strides = array<i32>} : memref<3x120x128xf32, #tpu.memory_space<vmem>>, vector<16xf32>,
        tpu.vector_store %arg11[%parallel_loop3A_664, %parallel_loop3A_665, %parallel_loop3A_666], %parallel_loop3A_662 {strides = array<i32>} : memref<3x120x128xf32, #tpu.memory_space<vmem>>, vector<16xf32>,
        %parallel_loop3A_668 = arith.constant 2 : i32
        %parallel_loop3A_669 = arith.index_cast %parallel_loop3A_668 : i32 to index
        %parallel_loop3A_670 = arith.index_cast %parallel_loop3A_583 : i32 to index
        %parallel_loop3A_671 = arith.constant 112 : index
        %parallel_loop3A_672 = tpu.vector_load %arg11[%parallel_loop3A_669, %parallel_loop3A_670, %parallel_loop3A_671] {strides = array<i32>} : memref<3x120x128xf32, #tpu.memory_space<vmem>>, vector<16xf32>,
        %parallel_loop3A_673 = arith.mulf %parallel_loop3A_672, %parallel_loop3A_590 : vector<16xf32>
        %parallel_loop3A_674 = arith.constant 2 : i32
        %parallel_loop3A_675 = arith.index_cast %parallel_loop3A_674 : i32 to index
        %parallel_loop3A_676 = arith.index_cast %parallel_loop3A_583 : i32 to index
        %parallel_loop3A_677 = arith.constant 112 : index
        %parallel_loop3A_678 = tpu.vector_load %arg11[%parallel_loop3A_675, %parallel_loop3A_676, %parallel_loop3A_677] {strides = array<i32>} : memref<3x120x128xf32, #tpu.memory_space<vmem>>, vector<16xf32>,
        tpu.vector_store %arg11[%parallel_loop3A_675, %parallel_loop3A_676, %parallel_loop3A_677], %parallel_loop3A_673 {strides = array<i32>} : memref<3x120x128xf32, #tpu.memory_space<vmem>>, vector<16xf32>,
      } {sc.loop_unroll_factor = 4 : i64, sc.parallel_access}
      %dma_start3A_409 = arith.constant 2 : i32
      %dma_start3A_410 = arith.constant 2 : i32
      %dma_start3A_411 = arith.constant 2 : i32
      %dma_start3A_412 = arith.constant 0 : i32
      %dma_start3A_413 = arith.constant 0 : i32
      %dma_start3A_414 = tpu.memref_slice %arg11[%dma_start3A_409, %dma_start3A_412, %dma_start3A_413] : memref<3x120x128xf32, #tpu.memory_space<vmem>> -> memref<1x120x128xf32, #tpu.memory_space<vmem>>
      %dma_start3A_415 = tpu.memref_squeeze %dma_start3A_414 : memref<1x120x128xf32, #tpu.memory_space<vmem>> -> memref<120x128xf32, #tpu.memory_space<vmem>>
      %dma_start3A_416 = arith.constant 0 : i32
      %dma_start3A_417 = tpu.memref_slice %arg9[%dma_start3A_410, %dma_start3A_416] : memref<6x120xi32, #tpu.memory_space<vmem>> -> memref<1x120xi32, #tpu.memory_space<vmem>>
      %dma_start3A_418 = tpu.memref_squeeze %dma_start3A_417 : memref<1x120xi32, #tpu.memory_space<vmem>> -> memref<120xi32, #tpu.memory_space<vmem>>
      %dma_start3A_419 = arith.constant 0 : i32
      %dma_start3A_420 = arith.constant 0 : i32
      %dma_start3A_421 = tpu.memref_slice %arg12[%dma_start3A_419, %dma_start3A_420] : memref<10000x128xf32, #tpu.memory_space<vmem_shared>> -> memref<10000x128xf32, #tpu.memory_space<vmem_shared>>
      %dma_start3A_422 = tpu.memref_slice %arg15[%dma_start3A_411] : memref<3x!tpu.dma_semaphore, #tpu.memory_space<semaphore_mem>> -> memref<1x!tpu.dma_semaphore, #tpu.memory_space<semaphore_mem>>
      %dma_start3A_423 = tpu.memref_squeeze %dma_start3A_422 : memref<1x!tpu.dma_semaphore, #tpu.memory_space<semaphore_mem>> -> memref<!tpu.dma_semaphore, #tpu.memory_space<semaphore_mem>>
      tpu.enqueue_indirect_dma source(%dma_start3A_415 : memref<120x128xf32, #tpu.memory_space<vmem>>) target(%dma_start3A_421 : memref<10000x128xf32, #tpu.memory_space<vmem_shared>>) offsets(%dma_start3A_418 : memref<120xi32, #tpu.memory_space<vmem>>) semaphore(%dma_start3A_423 : memref<!tpu.dma_semaphore, #tpu.memory_space<semaphore_mem>>) {add = true}
      %mul3A_424 = arith.constant 6 : i32
      %mul3A_425 = arith.muli %scan3A_221, %mul3A_424 : i32
      %add3A_426 = arith.constant 3 : i32
      %add3A_427 = arith.addi %mul3A_425, %add3A_426 : i32
      %ge3A_428 = arith.constant 2 : i32
      %ge3A_429 = arith.cmpi sge, %add3A_427, %ge3A_428 : i32
      %add3A_430 = arith.constant 1 : i32
      %add3A_431 = arith.addi %add3A_427, %add3A_430 : i32
      %lt3A_432 = arith.constant 84 : i32
      %lt3A_433 = arith.cmpi slt, %add3A_431, %lt3A_432 : i32
      %and3A_434 = arith.andi %ge3A_429, %lt3A_433 : i1
      %convert_element_type3A_435 = arith.extui %and3A_434 : i1 to i32
      %cond3A_436 = arith.constant 0 : i32
      %cond3A_437 = arith.cmpi ne, %convert_element_type3A_435, %cond3A_436 : i32
      scf.if %cond3A_437 {
        %dma_wait3A_583 = arith.constant 1 : i32
        %dma_wait3A_584 = arith.constant 1 : i32
        %dma_wait3A_585 = arith.constant 0 : i32
        %dma_wait3A_586 = arith.constant 0 : i32
        %dma_wait3A_587 = tpu.memref_slice %arg11[%dma_wait3A_583, %dma_wait3A_585, %dma_wait3A_586] : memref<3x120x128xf32, #tpu.memory_space<vmem>> -> memref<1x120x128xf32, #tpu.memory_space<vmem>>
        %dma_wait3A_588 = tpu.memref_squeeze %dma_wait3A_587 : memref<1x120x128xf32, #tpu.memory_space<vmem>> -> memref<120x128xf32, #tpu.memory_space<vmem>>
        %dma_wait3A_589 = arith.constant 0 : i32
        %dma_wait3A_590 = arith.constant 0 : i32
        %dma_wait3A_591 = tpu.memref_slice %arg5[%dma_wait3A_589, %dma_wait3A_590] : memref<10000x128xf32, #tpu.memory_space<hbm>> -> memref<120x128xf32, #tpu.memory_space<hbm>>
        %dma_wait3A_592 = tpu.memref_slice %arg15[%dma_wait3A_584] : memref<3x!tpu.dma_semaphore, #tpu.memory_space<semaphore_mem>> -> memref<1x!tpu.dma_semaphore, #tpu.memory_space<semaphore_mem>>
        %dma_wait3A_593 = tpu.memref_squeeze %dma_wait3A_592 : memref<1x!tpu.dma_semaphore, #tpu.memory_space<semaphore_mem>> -> memref<!tpu.dma_semaphore, #tpu.memory_space<semaphore_mem>>
        %dma_wait3A_594 = arith.constant 0 : i32
        %dma_wait3A_595 = arith.constant 0 : i32
        %dma_wait3A_596 = tpu.memref_slice %arg11[%dma_wait3A_583, %dma_wait3A_594, %dma_wait3A_595] : memref<3x120x128xf32, #tpu.memory_space<vmem>> -> memref<1x120x128xf32, #tpu.memory_space<vmem>>
        %dma_wait3A_597 = tpu.memref_squeeze %dma_wait3A_596 : memref<1x120x128xf32, #tpu.memory_space<vmem>> -> memref<120x128xf32, #tpu.memory_space<vmem>>
        %dma_wait3A_598 = arith.constant 0 : i32
        %dma_wait3A_599 = arith.constant 0 : i32
        %dma_wait3A_600 = tpu.memref_slice %arg5[%dma_wait3A_598, %dma_wait3A_599] : memref<10000x128xf32, #tpu.memory_space<hbm>> -> memref<120x128xf32, #tpu.memory_space<hbm>>
        tpu.wait_dma2 semaphore(%dma_wait3A_593 : memref<!tpu.dma_semaphore, #tpu.memory_space<semaphore_mem>>) src(%dma_wait3A_600 : memref<120x128xf32, #tpu.memory_space<hbm>>) dst(%dma_wait3A_597 : memref<120x128xf32, #tpu.memory_space<vmem>>)
        %dma_start3A_601 = arith.constant 4 : i32
        %dma_start3A_602 = arith.constant 1 : i32
        %dma_start3A_603 = arith.constant 1 : i32
        %dma_start3A_604 = arith.constant 0 : i32
        %dma_start3A_605 = arith.constant 0 : i32
        %dma_start3A_606 = tpu.memref_slice %arg11[%dma_start3A_602, %dma_start3A_604, %dma_start3A_605] : memref<3x120x128xf32, #tpu.memory_space<vmem>> -> memref<1x120x128xf32, #tpu.memory_space<vmem>>
        %dma_start3A_607 = tpu.memref_squeeze %dma_start3A_606 : memref<1x120x128xf32, #tpu.memory_space<vmem>> -> memref<120x128xf32, #tpu.memory_space<vmem>>
        %dma_start3A_608 = arith.constant 0 : i32
        %dma_start3A_609 = tpu.memref_slice %arg8[%dma_start3A_601, %dma_start3A_608] : memref<6x120xi32, #tpu.memory_space<vmem>> -> memref<1x120xi32, #tpu.memory_space<vmem>>
        %dma_start3A_610 = tpu.memref_squeeze %dma_start3A_609 : memref<1x120xi32, #tpu.memory_space<vmem>> -> memref<120xi32, #tpu.memory_space<vmem>>
        %dma_start3A_611 = arith.constant 0 : i32
        %dma_start3A_612 = arith.constant 0 : i32
        %dma_start3A_613 = tpu.memref_slice %arg5[%dma_start3A_611, %dma_start3A_612] : memref<10000x128xf32, #tpu.memory_space<hbm>> -> memref<10000x128xf32, #tpu.memory_space<hbm>>
        %dma_start3A_614 = tpu.memref_slice %arg14[%dma_start3A_603] : memref<3x!tpu.dma_semaphore, #tpu.memory_space<semaphore_mem>> -> memref<1x!tpu.dma_semaphore, #tpu.memory_space<semaphore_mem>>
        %dma_start3A_615 = tpu.memref_squeeze %dma_start3A_614 : memref<1x!tpu.dma_semaphore, #tpu.memory_space<semaphore_mem>> -> memref<!tpu.dma_semaphore, #tpu.memory_space<semaphore_mem>>
        tpu.enqueue_indirect_dma source(%dma_start3A_613 : memref<10000x128xf32, #tpu.memory_space<hbm>>) target(%dma_start3A_607 : memref<120x128xf32, #tpu.memory_space<vmem>>) offsets(%dma_start3A_610 : memref<120xi32, #tpu.memory_space<vmem>>) semaphore(%dma_start3A_615 : memref<!tpu.dma_semaphore, #tpu.memory_space<semaphore_mem>>)
      } else {
      }
      %dma_wait3A_438 = arith.constant 0 : i32
      %dma_wait3A_439 = arith.constant 0 : i32
      %dma_wait3A_440 = arith.constant 0 : i32
      %dma_wait3A_441 = arith.constant 0 : i32
      %dma_wait3A_442 = tpu.memref_slice %arg11[%dma_wait3A_438, %dma_wait3A_440, %dma_wait3A_441] : memref<3x120x128xf32, #tpu.memory_space<vmem>> -> memref<1x120x128xf32, #tpu.memory_space<vmem>>
      %dma_wait3A_443 = tpu.memref_squeeze %dma_wait3A_442 : memref<1x120x128xf32, #tpu.memory_space<vmem>> -> memref<120x128xf32, #tpu.memory_space<vmem>>
      %dma_wait3A_444 = arith.constant 0 : i32
      %dma_wait3A_445 = arith.constant 0 : i32
      %dma_wait3A_446 = tpu.memref_slice %arg5[%dma_wait3A_444, %dma_wait3A_445] : memref<10000x128xf32, #tpu.memory_space<hbm>> -> memref<120x128xf32, #tpu.memory_space<hbm>>
      %dma_wait3A_447 = tpu.memref_slice %arg14[%dma_wait3A_439] : memref<3x!tpu.dma_semaphore, #tpu.memory_space<semaphore_mem>> -> memref<1x!tpu.dma_semaphore, #tpu.memory_space<semaphore_mem>>
      %dma_wait3A_448 = tpu.memref_squeeze %dma_wait3A_447 : memref<1x!tpu.dma_semaphore, #tpu.memory_space<semaphore_mem>> -> memref<!tpu.dma_semaphore, #tpu.memory_space<semaphore_mem>>
      %dma_wait3A_449 = arith.constant 0 : i32
      %dma_wait3A_450 = arith.constant 0 : i32
      %dma_wait3A_451 = tpu.memref_slice %arg11[%dma_wait3A_438, %dma_wait3A_449, %dma_wait3A_450] : memref<3x120x128xf32, #tpu.memory_space<vmem>> -> memref<1x120x128xf32, #tpu.memory_space<vmem>>
      %dma_wait3A_452 = tpu.memref_squeeze %dma_wait3A_451 : memref<1x120x128xf32, #tpu.memory_space<vmem>> -> memref<120x128xf32, #tpu.memory_space<vmem>>
      %dma_wait3A_453 = arith.constant 0 : i32
      %dma_wait3A_454 = arith.constant 0 : i32
      %dma_wait3A_455 = tpu.memref_slice %arg5[%dma_wait3A_453, %dma_wait3A_454] : memref<10000x128xf32, #tpu.memory_space<hbm>> -> memref<120x128xf32, #tpu.memory_space<hbm>>
      tpu.wait_dma2 semaphore(%dma_wait3A_448 : memref<!tpu.dma_semaphore, #tpu.memory_space<semaphore_mem>>) src(%dma_wait3A_455 : memref<120x128xf32, #tpu.memory_space<hbm>>) dst(%dma_wait3A_452 : memref<120x128xf32, #tpu.memory_space<vmem>>)
      %parallel_loop3A_456 = arith.constant 0 : i32
      %parallel_loop3A_457 = arith.constant 120 : i32
      %parallel_loop3A_458 = arith.constant 1 : i32
      scf.for %parallel_loop3A_583 = %parallel_loop3A_456 to %parallel_loop3A_457 step %parallel_loop3A_458  : i32 {
        %parallel_loop3A_584 = arith.constant 3 : i32
        %parallel_loop3A_585 = vector.broadcast %parallel_loop3A_584 : i32 to vector<16xi32>
        %parallel_loop3A_586 = arith.constant 0 : i32
        %parallel_loop3A_587 = vector.broadcast %parallel_loop3A_586 : i32 to vector<16xi32>
        %parallel_loop3A_588 = vector.broadcast %parallel_loop3A_583 : i32 to vector<16xi32>
        %parallel_loop3A_589 = arith.addi %parallel_loop3A_587, %parallel_loop3A_588 : vector<16xi32>
        %parallel_loop3A_590 = tpu.vector_load_idx %arg10[%parallel_loop3A_585, %parallel_loop3A_589] : memref<6x120xf32, #tpu.memory_space<vmem>>[vector<16xi32>, vector<16xi32>], vector<16xf32>,
        %parallel_loop3A_591 = arith.constant 0 : i32
        %parallel_loop3A_592 = arith.index_cast %parallel_loop3A_591 : i32 to index
        %parallel_loop3A_593 = arith.index_cast %parallel_loop3A_583 : i32 to index
        %parallel_loop3A_594 = arith.constant 0 : index
        %parallel_loop3A_595 = tpu.vector_load %arg11[%parallel_loop3A_592, %parallel_loop3A_593, %parallel_loop3A_594] {strides = array<i32>} : memref<3x120x128xf32, #tpu.memory_space<vmem>>, vector<16xf32>,
        %parallel_loop3A_596 = arith.mulf %parallel_loop3A_595, %parallel_loop3A_590 : vector<16xf32>
        %parallel_loop3A_597 = arith.constant 0 : i32
        %parallel_loop3A_598 = arith.index_cast %parallel_loop3A_597 : i32 to index
        %parallel_loop3A_599 = arith.index_cast %parallel_loop3A_583 : i32 to index
        %parallel_loop3A_600 = arith.constant 0 : index
        %parallel_loop3A_601 = tpu.vector_load %arg11[%parallel_loop3A_598, %parallel_loop3A_599, %parallel_loop3A_600] {strides = array<i32>} : memref<3x120x128xf32, #tpu.memory_space<vmem>>, vector<16xf32>,
        tpu.vector_store %arg11[%parallel_loop3A_598, %parallel_loop3A_599, %parallel_loop3A_600], %parallel_loop3A_596 {strides = array<i32>} : memref<3x120x128xf32, #tpu.memory_space<vmem>>, vector<16xf32>,
        %parallel_loop3A_602 = arith.constant 0 : i32
        %parallel_loop3A_603 = arith.index_cast %parallel_loop3A_602 : i32 to index
        %parallel_loop3A_604 = arith.index_cast %parallel_loop3A_583 : i32 to index
        %parallel_loop3A_605 = arith.constant 16 : index
        %parallel_loop3A_606 = tpu.vector_load %arg11[%parallel_loop3A_603, %parallel_loop3A_604, %parallel_loop3A_605] {strides = array<i32>} : memref<3x120x128xf32, #tpu.memory_space<vmem>>, vector<16xf32>,
        %parallel_loop3A_607 = arith.mulf %parallel_loop3A_606, %parallel_loop3A_590 : vector<16xf32>
        %parallel_loop3A_608 = arith.constant 0 : i32
        %parallel_loop3A_609 = arith.index_cast %parallel_loop3A_608 : i32 to index
        %parallel_loop3A_610 = arith.index_cast %parallel_loop3A_583 : i32 to index
        %parallel_loop3A_611 = arith.constant 16 : index
        %parallel_loop3A_612 = tpu.vector_load %arg11[%parallel_loop3A_609, %parallel_loop3A_610, %parallel_loop3A_611] {strides = array<i32>} : memref<3x120x128xf32, #tpu.memory_space<vmem>>, vector<16xf32>,
        tpu.vector_store %arg11[%parallel_loop3A_609, %parallel_loop3A_610, %parallel_loop3A_611], %parallel_loop3A_607 {strides = array<i32>} : memref<3x120x128xf32, #tpu.memory_space<vmem>>, vector<16xf32>,
        %parallel_loop3A_613 = arith.constant 0 : i32
        %parallel_loop3A_614 = arith.index_cast %parallel_loop3A_613 : i32 to index
        %parallel_loop3A_615 = arith.index_cast %parallel_loop3A_583 : i32 to index
        %parallel_loop3A_616 = arith.constant 32 : index
        %parallel_loop3A_617 = tpu.vector_load %arg11[%parallel_loop3A_614, %parallel_loop3A_615, %parallel_loop3A_616] {strides = array<i32>} : memref<3x120x128xf32, #tpu.memory_space<vmem>>, vector<16xf32>,
        %parallel_loop3A_618 = arith.mulf %parallel_loop3A_617, %parallel_loop3A_590 : vector<16xf32>
        %parallel_loop3A_619 = arith.constant 0 : i32
        %parallel_loop3A_620 = arith.index_cast %parallel_loop3A_619 : i32 to index
        %parallel_loop3A_621 = arith.index_cast %parallel_loop3A_583 : i32 to index
        %parallel_loop3A_622 = arith.constant 32 : index
        %parallel_loop3A_623 = tpu.vector_load %arg11[%parallel_loop3A_620, %parallel_loop3A_621, %parallel_loop3A_622] {strides = array<i32>} : memref<3x120x128xf32, #tpu.memory_space<vmem>>, vector<16xf32>,
        tpu.vector_store %arg11[%parallel_loop3A_620, %parallel_loop3A_621, %parallel_loop3A_622], %parallel_loop3A_618 {strides = array<i32>} : memref<3x120x128xf32, #tpu.memory_space<vmem>>, vector<16xf32>,
        %parallel_loop3A_624 = arith.constant 0 : i32
        %parallel_loop3A_625 = arith.index_cast %parallel_loop3A_624 : i32 to index
        %parallel_loop3A_626 = arith.index_cast %parallel_loop3A_583 : i32 to index
        %parallel_loop3A_627 = arith.constant 48 : index
        %parallel_loop3A_628 = tpu.vector_load %arg11[%parallel_loop3A_625, %parallel_loop3A_626, %parallel_loop3A_627] {strides = array<i32>} : memref<3x120x128xf32, #tpu.memory_space<vmem>>, vector<16xf32>,
        %parallel_loop3A_629 = arith.mulf %parallel_loop3A_628, %parallel_loop3A_590 : vector<16xf32>
        %parallel_loop3A_630 = arith.constant 0 : i32
        %parallel_loop3A_631 = arith.index_cast %parallel_loop3A_630 : i32 to index
        %parallel_loop3A_632 = arith.index_cast %parallel_loop3A_583 : i32 to index
        %parallel_loop3A_633 = arith.constant 48 : index
        %parallel_loop3A_634 = tpu.vector_load %arg11[%parallel_loop3A_631, %parallel_loop3A_632, %parallel_loop3A_633] {strides = array<i32>} : memref<3x120x128xf32, #tpu.memory_space<vmem>>, vector<16xf32>,
        tpu.vector_store %arg11[%parallel_loop3A_631, %parallel_loop3A_632, %parallel_loop3A_633], %parallel_loop3A_629 {strides = array<i32>} : memref<3x120x128xf32, #tpu.memory_space<vmem>>, vector<16xf32>,
        %parallel_loop3A_635 = arith.constant 0 : i32
        %parallel_loop3A_636 = arith.index_cast %parallel_loop3A_635 : i32 to index
        %parallel_loop3A_637 = arith.index_cast %parallel_loop3A_583 : i32 to index
        %parallel_loop3A_638 = arith.constant 64 : index
        %parallel_loop3A_639 = tpu.vector_load %arg11[%parallel_loop3A_636, %parallel_loop3A_637, %parallel_loop3A_638] {strides = array<i32>} : memref<3x120x128xf32, #tpu.memory_space<vmem>>, vector<16xf32>,
        %parallel_loop3A_640 = arith.mulf %parallel_loop3A_639, %parallel_loop3A_590 : vector<16xf32>
        %parallel_loop3A_641 = arith.constant 0 : i32
        %parallel_loop3A_642 = arith.index_cast %parallel_loop3A_641 : i32 to index
        %parallel_loop3A_643 = arith.index_cast %parallel_loop3A_583 : i32 to index
        %parallel_loop3A_644 = arith.constant 64 : index
        %parallel_loop3A_645 = tpu.vector_load %arg11[%parallel_loop3A_642, %parallel_loop3A_643, %parallel_loop3A_644] {strides = array<i32>} : memref<3x120x128xf32, #tpu.memory_space<vmem>>, vector<16xf32>,
        tpu.vector_store %arg11[%parallel_loop3A_642, %parallel_loop3A_643, %parallel_loop3A_644], %parallel_loop3A_640 {strides = array<i32>} : memref<3x120x128xf32, #tpu.memory_space<vmem>>, vector<16xf32>,
        %parallel_loop3A_646 = arith.constant 0 : i32
        %parallel_loop3A_647 = arith.index_cast %parallel_loop3A_646 : i32 to index
        %parallel_loop3A_648 = arith.index_cast %parallel_loop3A_583 : i32 to index
        %parallel_loop3A_649 = arith.constant 80 : index
        %parallel_loop3A_650 = tpu.vector_load %arg11[%parallel_loop3A_647, %parallel_loop3A_648, %parallel_loop3A_649] {strides = array<i32>} : memref<3x120x128xf32, #tpu.memory_space<vmem>>, vector<16xf32>,
        %parallel_loop3A_651 = arith.mulf %parallel_loop3A_650, %parallel_loop3A_590 : vector<16xf32>
        %parallel_loop3A_652 = arith.constant 0 : i32
        %parallel_loop3A_653 = arith.index_cast %parallel_loop3A_652 : i32 to index
        %parallel_loop3A_654 = arith.index_cast %parallel_loop3A_583 : i32 to index
        %parallel_loop3A_655 = arith.constant 80 : index
        %parallel_loop3A_656 = tpu.vector_load %arg11[%parallel_loop3A_653, %parallel_loop3A_654, %parallel_loop3A_655] {strides = array<i32>} : memref<3x120x128xf32, #tpu.memory_space<vmem>>, vector<16xf32>,
        tpu.vector_store %arg11[%parallel_loop3A_653, %parallel_loop3A_654, %parallel_loop3A_655], %parallel_loop3A_651 {strides = array<i32>} : memref<3x120x128xf32, #tpu.memory_space<vmem>>, vector<16xf32>,
        %parallel_loop3A_657 = arith.constant 0 : i32
        %parallel_loop3A_658 = arith.index_cast %parallel_loop3A_657 : i32 to index
        %parallel_loop3A_659 = arith.index_cast %parallel_loop3A_583 : i32 to index
        %parallel_loop3A_660 = arith.constant 96 : index
        %parallel_loop3A_661 = tpu.vector_load %arg11[%parallel_loop3A_658, %parallel_loop3A_659, %parallel_loop3A_660] {strides = array<i32>} : memref<3x120x128xf32, #tpu.memory_space<vmem>>, vector<16xf32>,
        %parallel_loop3A_662 = arith.mulf %parallel_loop3A_661, %parallel_loop3A_590 : vector<16xf32>
        %parallel_loop3A_663 = arith.constant 0 : i32
        %parallel_loop3A_664 = arith.index_cast %parallel_loop3A_663 : i32 to index
        %parallel_loop3A_665 = arith.index_cast %parallel_loop3A_583 : i32 to index
        %parallel_loop3A_666 = arith.constant 96 : index
        %parallel_loop3A_667 = tpu.vector_load %arg11[%parallel_loop3A_664, %parallel_loop3A_665, %parallel_loop3A_666] {strides = array<i32>} : memref<3x120x128xf32, #tpu.memory_space<vmem>>, vector<16xf32>,
        tpu.vector_store %arg11[%parallel_loop3A_664, %parallel_loop3A_665, %parallel_loop3A_666], %parallel_loop3A_662 {strides = array<i32>} : memref<3x120x128xf32, #tpu.memory_space<vmem>>, vector<16xf32>,
        %parallel_loop3A_668 = arith.constant 0 : i32
        %parallel_loop3A_669 = arith.index_cast %parallel_loop3A_668 : i32 to index
        %parallel_loop3A_670 = arith.index_cast %parallel_loop3A_583 : i32 to index
        %parallel_loop3A_671 = arith.constant 112 : index
        %parallel_loop3A_672 = tpu.vector_load %arg11[%parallel_loop3A_669, %parallel_loop3A_670, %parallel_loop3A_671] {strides = array<i32>} : memref<3x120x128xf32, #tpu.memory_space<vmem>>, vector<16xf32>,
        %parallel_loop3A_673 = arith.mulf %parallel_loop3A_672, %parallel_loop3A_590 : vector<16xf32>
        %parallel_loop3A_674 = arith.constant 0 : i32
        %parallel_loop3A_675 = arith.index_cast %parallel_loop3A_674 : i32 to index
        %parallel_loop3A_676 = arith.index_cast %parallel_loop3A_583 : i32 to index
        %parallel_loop3A_677 = arith.constant 112 : index
        %parallel_loop3A_678 = tpu.vector_load %arg11[%parallel_loop3A_675, %parallel_loop3A_676, %parallel_loop3A_677] {strides = array<i32>} : memref<3x120x128xf32, #tpu.memory_space<vmem>>, vector<16xf32>,
        tpu.vector_store %arg11[%parallel_loop3A_675, %parallel_loop3A_676, %parallel_loop3A_677], %parallel_loop3A_673 {strides = array<i32>} : memref<3x120x128xf32, #tpu.memory_space<vmem>>, vector<16xf32>,
      } {sc.loop_unroll_factor = 4 : i64, sc.parallel_access}
      %dma_start3A_459 = arith.constant 0 : i32
      %dma_start3A_460 = arith.constant 3 : i32
      %dma_start3A_461 = arith.constant 0 : i32
      %dma_start3A_462 = arith.constant 0 : i32
      %dma_start3A_463 = arith.constant 0 : i32
      %dma_start3A_464 = tpu.memref_slice %arg11[%dma_start3A_459, %dma_start3A_462, %dma_start3A_463] : memref<3x120x128xf32, #tpu.memory_space<vmem>> -> memref<1x120x128xf32, #tpu.memory_space<vmem>>
      %dma_start3A_465 = tpu.memref_squeeze %dma_start3A_464 : memref<1x120x128xf32, #tpu.memory_space<vmem>> -> memref<120x128xf32, #tpu.memory_space<vmem>>
      %dma_start3A_466 = arith.constant 0 : i32
      %dma_start3A_467 = tpu.memref_slice %arg9[%dma_start3A_460, %dma_start3A_466] : memref<6x120xi32, #tpu.memory_space<vmem>> -> memref<1x120xi32, #tpu.memory_space<vmem>>
      %dma_start3A_468 = tpu.memref_squeeze %dma_start3A_467 : memref<1x120xi32, #tpu.memory_space<vmem>> -> memref<120xi32, #tpu.memory_space<vmem>>
      %dma_start3A_469 = arith.constant 0 : i32
      %dma_start3A_470 = arith.constant 0 : i32
      %dma_start3A_471 = tpu.memref_slice %arg12[%dma_start3A_469, %dma_start3A_470] : memref<10000x128xf32, #tpu.memory_space<vmem_shared>> -> memref<10000x128xf32, #tpu.memory_space<vmem_shared>>
      %dma_start3A_472 = tpu.memref_slice %arg15[%dma_start3A_461] : memref<3x!tpu.dma_semaphore, #tpu.memory_space<semaphore_mem>> -> memref<1x!tpu.dma_semaphore, #tpu.memory_space<semaphore_mem>>
      %dma_start3A_473 = tpu.memref_squeeze %dma_start3A_472 : memref<1x!tpu.dma_semaphore, #tpu.memory_space<semaphore_mem>> -> memref<!tpu.dma_semaphore, #tpu.memory_space<semaphore_mem>>
      tpu.enqueue_indirect_dma source(%dma_start3A_465 : memref<120x128xf32, #tpu.memory_space<vmem>>) target(%dma_start3A_471 : memref<10000x128xf32, #tpu.memory_space<vmem_shared>>) offsets(%dma_start3A_468 : memref<120xi32, #tpu.memory_space<vmem>>) semaphore(%dma_start3A_473 : memref<!tpu.dma_semaphore, #tpu.memory_space<semaphore_mem>>) {add = true}
      %mul3A_474 = arith.constant 6 : i32
      %mul3A_475 = arith.muli %scan3A_221, %mul3A_474 : i32
      %add3A_476 = arith.constant 4 : i32
      %add3A_477 = arith.addi %mul3A_475, %add3A_476 : i32
      %ge3A_478 = arith.constant 2 : i32
      %ge3A_479 = arith.cmpi sge, %add3A_477, %ge3A_478 : i32
      %add3A_480 = arith.constant 1 : i32
      %add3A_481 = arith.addi %add3A_477, %add3A_480 : i32
      %lt3A_482 = arith.constant 84 : i32
      %lt3A_483 = arith.cmpi slt, %add3A_481, %lt3A_482 : i32
      %and3A_484 = arith.andi %ge3A_479, %lt3A_483 : i1
      %convert_element_type3A_485 = arith.extui %and3A_484 : i1 to i32
      %cond3A_486 = arith.constant 0 : i32
      %cond3A_487 = arith.cmpi ne, %convert_element_type3A_485, %cond3A_486 : i32
      scf.if %cond3A_487 {
        %dma_wait3A_583 = arith.constant 2 : i32
        %dma_wait3A_584 = arith.constant 2 : i32
        %dma_wait3A_585 = arith.constant 0 : i32
        %dma_wait3A_586 = arith.constant 0 : i32
        %dma_wait3A_587 = tpu.memref_slice %arg11[%dma_wait3A_583, %dma_wait3A_585, %dma_wait3A_586] : memref<3x120x128xf32, #tpu.memory_space<vmem>> -> memref<1x120x128xf32, #tpu.memory_space<vmem>>
        %dma_wait3A_588 = tpu.memref_squeeze %dma_wait3A_587 : memref<1x120x128xf32, #tpu.memory_space<vmem>> -> memref<120x128xf32, #tpu.memory_space<vmem>>
        %dma_wait3A_589 = arith.constant 0 : i32
        %dma_wait3A_590 = arith.constant 0 : i32
        %dma_wait3A_591 = tpu.memref_slice %arg5[%dma_wait3A_589, %dma_wait3A_590] : memref<10000x128xf32, #tpu.memory_space<hbm>> -> memref<120x128xf32, #tpu.memory_space<hbm>>
        %dma_wait3A_592 = tpu.memref_slice %arg15[%dma_wait3A_584] : memref<3x!tpu.dma_semaphore, #tpu.memory_space<semaphore_mem>> -> memref<1x!tpu.dma_semaphore, #tpu.memory_space<semaphore_mem>>
        %dma_wait3A_593 = tpu.memref_squeeze %dma_wait3A_592 : memref<1x!tpu.dma_semaphore, #tpu.memory_space<semaphore_mem>> -> memref<!tpu.dma_semaphore, #tpu.memory_space<semaphore_mem>>
        %dma_wait3A_594 = arith.constant 0 : i32
        %dma_wait3A_595 = arith.constant 0 : i32
        %dma_wait3A_596 = tpu.memref_slice %arg11[%dma_wait3A_583, %dma_wait3A_594, %dma_wait3A_595] : memref<3x120x128xf32, #tpu.memory_space<vmem>> -> memref<1x120x128xf32, #tpu.memory_space<vmem>>
        %dma_wait3A_597 = tpu.memref_squeeze %dma_wait3A_596 : memref<1x120x128xf32, #tpu.memory_space<vmem>> -> memref<120x128xf32, #tpu.memory_space<vmem>>
        %dma_wait3A_598 = arith.constant 0 : i32
        %dma_wait3A_599 = arith.constant 0 : i32
        %dma_wait3A_600 = tpu.memref_slice %arg5[%dma_wait3A_598, %dma_wait3A_599] : memref<10000x128xf32, #tpu.memory_space<hbm>> -> memref<120x128xf32, #tpu.memory_space<hbm>>
        tpu.wait_dma2 semaphore(%dma_wait3A_593 : memref<!tpu.dma_semaphore, #tpu.memory_space<semaphore_mem>>) src(%dma_wait3A_600 : memref<120x128xf32, #tpu.memory_space<hbm>>) dst(%dma_wait3A_597 : memref<120x128xf32, #tpu.memory_space<vmem>>)
        %dma_start3A_601 = arith.constant 5 : i32
        %dma_start3A_602 = arith.constant 2 : i32
        %dma_start3A_603 = arith.constant 2 : i32
        %dma_start3A_604 = arith.constant 0 : i32
        %dma_start3A_605 = arith.constant 0 : i32
        %dma_start3A_606 = tpu.memref_slice %arg11[%dma_start3A_602, %dma_start3A_604, %dma_start3A_605] : memref<3x120x128xf32, #tpu.memory_space<vmem>> -> memref<1x120x128xf32, #tpu.memory_space<vmem>>
        %dma_start3A_607 = tpu.memref_squeeze %dma_start3A_606 : memref<1x120x128xf32, #tpu.memory_space<vmem>> -> memref<120x128xf32, #tpu.memory_space<vmem>>
        %dma_start3A_608 = arith.constant 0 : i32
        %dma_start3A_609 = tpu.memref_slice %arg8[%dma_start3A_601, %dma_start3A_608] : memref<6x120xi32, #tpu.memory_space<vmem>> -> memref<1x120xi32, #tpu.memory_space<vmem>>
        %dma_start3A_610 = tpu.memref_squeeze %dma_start3A_609 : memref<1x120xi32, #tpu.memory_space<vmem>> -> memref<120xi32, #tpu.memory_space<vmem>>
        %dma_start3A_611 = arith.constant 0 : i32
        %dma_start3A_612 = arith.constant 0 : i32
        %dma_start3A_613 = tpu.memref_slice %arg5[%dma_start3A_611, %dma_start3A_612] : memref<10000x128xf32, #tpu.memory_space<hbm>> -> memref<10000x128xf32, #tpu.memory_space<hbm>>
        %dma_start3A_614 = tpu.memref_slice %arg14[%dma_start3A_603] : memref<3x!tpu.dma_semaphore, #tpu.memory_space<semaphore_mem>> -> memref<1x!tpu.dma_semaphore, #tpu.memory_space<semaphore_mem>>
        %dma_start3A_615 = tpu.memref_squeeze %dma_start3A_614 : memref<1x!tpu.dma_semaphore, #tpu.memory_space<semaphore_mem>> -> memref<!tpu.dma_semaphore, #tpu.memory_space<semaphore_mem>>
        tpu.enqueue_indirect_dma source(%dma_start3A_613 : memref<10000x128xf32, #tpu.memory_space<hbm>>) target(%dma_start3A_607 : memref<120x128xf32, #tpu.memory_space<vmem>>) offsets(%dma_start3A_610 : memref<120xi32, #tpu.memory_space<vmem>>) semaphore(%dma_start3A_615 : memref<!tpu.dma_semaphore, #tpu.memory_space<semaphore_mem>>)
      } else {
      }
      %mul3A_488 = arith.constant 2 : i32
      %mul3A_489 = arith.muli %mul3A_488, %scan3A_221 : i32
      %add3A_490 = arith.constant 2 : i32
      %add3A_491 = arith.addi %mul3A_489, %add3A_490 : i32
      %lt3A_492 = arith.constant 28 : i32
      %lt3A_493 = arith.cmpi slt, %add3A_491, %lt3A_492 : i32
      %convert_element_type3A_494 = arith.extui %lt3A_493 : i1 to i32
      %cond3A_495 = arith.constant 0 : i32
      %cond3A_496 = arith.cmpi ne, %convert_element_type3A_494, %cond3A_495 : i32
      scf.if %cond3A_496 {
        %mul3A_583 = arith.constant 2 : i32
        %mul3A_584 = arith.muli %mul3A_583, %scan3A_221 : i32
        %add3A_585 = arith.constant 2 : i32
        %add3A_586 = arith.addi %mul3A_584, %add3A_585 : i32
        %dma_start3A_587 = arith.constant 0 : i32
        %dma_start3A_588 = arith.constant 0 : i32
        %dma_start3A_589 = arith.constant 0 : i32
        %dma_start3A_590 = tpu.memref_slice %arg8[%dma_start3A_588, %dma_start3A_589] : memref<6x120xi32, #tpu.memory_space<vmem>> -> memref<3x120xi32, #tpu.memory_space<vmem>>
        %dma_start3A_591 = arith.constant 0 : i32
        %dma_start3A_592 = arith.constant 0 : i32
        %dma_start3A_593 = tpu.memref_slice %arg2[%add3A, %add3A_586, %dma_start3A_591, %dma_start3A_592] : memref<32x28x3x120xi32, #tpu.memory_space<hbm>> -> memref<1x1x3x120xi32, #tpu.memory_space<hbm>>
        %dma_start3A_594 = tpu.memref_squeeze %dma_start3A_593 : memref<1x1x3x120xi32, #tpu.memory_space<hbm>> -> memref<3x120xi32, #tpu.memory_space<hbm>>
        %dma_start3A_595 = tpu.memref_slice %arg13[%dma_start3A_587] : memref<2x!tpu.dma_semaphore, #tpu.memory_space<semaphore_mem>> -> memref<1x!tpu.dma_semaphore, #tpu.memory_space<semaphore_mem>>
        %dma_start3A_596 = tpu.memref_squeeze %dma_start3A_595 : memref<1x!tpu.dma_semaphore, #tpu.memory_space<semaphore_mem>> -> memref<!tpu.dma_semaphore, #tpu.memory_space<semaphore_mem>>
        %dma_start3A_597 = arith.constant 0 : i32
        %dma_start3A_598 = arith.constant 0 : i32
        %dma_start3A_599 = tpu.memref_slice %arg8[%dma_start3A_597, %dma_start3A_598] : memref<6x120xi32, #tpu.memory_space<vmem>> -> memref<3x120xi32, #tpu.memory_space<vmem>>
        %dma_start3A_600 = arith.constant 0 : i32
        %dma_start3A_601 = arith.constant 0 : i32
        %dma_start3A_602 = tpu.memref_slice %arg2[%add3A, %add3A_586, %dma_start3A_600, %dma_start3A_601] : memref<32x28x3x120xi32, #tpu.memory_space<hbm>> -> memref<1x1x3x120xi32, #tpu.memory_space<hbm>>
        %dma_start3A_603 = tpu.memref_squeeze %dma_start3A_602 : memref<1x1x3x120xi32, #tpu.memory_space<hbm>> -> memref<3x120xi32, #tpu.memory_space<hbm>>
        tpu.enqueue_dma source(%dma_start3A_603 : memref<3x120xi32, #tpu.memory_space<hbm>>) target(%dma_start3A_599 : memref<3x120xi32, #tpu.memory_space<vmem>>) target_semaphore(%dma_start3A_596 : memref<!tpu.dma_semaphore, #tpu.memory_space<semaphore_mem>>)
        %dma_start3A_604 = arith.constant 0 : i32
        %dma_start3A_605 = arith.constant 0 : i32
        %dma_start3A_606 = arith.constant 0 : i32
        %dma_start3A_607 = tpu.memref_slice %arg9[%dma_start3A_605, %dma_start3A_606] : memref<6x120xi32, #tpu.memory_space<vmem>> -> memref<3x120xi32, #tpu.memory_space<vmem>>
        %dma_start3A_608 = arith.constant 0 : i32
        %dma_start3A_609 = arith.constant 0 : i32
        %dma_start3A_610 = tpu.memref_slice %arg3[%add3A, %add3A_586, %dma_start3A_608, %dma_start3A_609] : memref<32x28x3x120xi32, #tpu.memory_space<hbm>> -> memref<1x1x3x120xi32, #tpu.memory_space<hbm>>
        %dma_start3A_611 = tpu.memref_squeeze %dma_start3A_610 : memref<1x1x3x120xi32, #tpu.memory_space<hbm>> -> memref<3x120xi32, #tpu.memory_space<hbm>>
        %dma_start3A_612 = tpu.memref_slice %arg13[%dma_start3A_604] : memref<2x!tpu.dma_semaphore, #tpu.memory_space<semaphore_mem>> -> memref<1x!tpu.dma_semaphore, #tpu.memory_space<semaphore_mem>>
        %dma_start3A_613 = tpu.memref_squeeze %dma_start3A_612 : memref<1x!tpu.dma_semaphore, #tpu.memory_space<semaphore_mem>> -> memref<!tpu.dma_semaphore, #tpu.memory_space<semaphore_mem>>
        %dma_start3A_614 = arith.constant 0 : i32
        %dma_start3A_615 = arith.constant 0 : i32
        %dma_start3A_616 = tpu.memref_slice %arg9[%dma_start3A_614, %dma_start3A_615] : memref<6x120xi32, #tpu.memory_space<vmem>> -> memref<3x120xi32, #tpu.memory_space<vmem>>
        %dma_start3A_617 = arith.constant 0 : i32
        %dma_start3A_618 = arith.constant 0 : i32
        %dma_start3A_619 = tpu.memref_slice %arg3[%add3A, %add3A_586, %dma_start3A_617, %dma_start3A_618] : memref<32x28x3x120xi32, #tpu.memory_space<hbm>> -> memref<1x1x3x120xi32, #tpu.memory_space<hbm>>
        %dma_start3A_620 = tpu.memref_squeeze %dma_start3A_619 : memref<1x1x3x120xi32, #tpu.memory_space<hbm>> -> memref<3x120xi32, #tpu.memory_space<hbm>>
        tpu.enqueue_dma source(%dma_start3A_620 : memref<3x120xi32, #tpu.memory_space<hbm>>) target(%dma_start3A_616 : memref<3x120xi32, #tpu.memory_space<vmem>>) target_semaphore(%dma_start3A_613 : memref<!tpu.dma_semaphore, #tpu.memory_space<semaphore_mem>>)
        %dma_start3A_621 = arith.constant 0 : i32
        %dma_start3A_622 = arith.constant 0 : i32
        %dma_start3A_623 = arith.constant 0 : i32
        %dma_start3A_624 = tpu.memref_slice %arg10[%dma_start3A_622, %dma_start3A_623] : memref<6x120xf32, #tpu.memory_space<vmem>> -> memref<3x120xf32, #tpu.memory_space<vmem>>
        %dma_start3A_625 = arith.constant 0 : i32
        %dma_start3A_626 = arith.constant 0 : i32
        %dma_start3A_627 = tpu.memref_slice %arg4[%add3A, %add3A_586, %dma_start3A_625, %dma_start3A_626] : memref<32x28x3x120xf32, #tpu.memory_space<hbm>> -> memref<1x1x3x120xf32, #tpu.memory_space<hbm>>
        %dma_start3A_628 = tpu.memref_squeeze %dma_start3A_627 : memref<1x1x3x120xf32, #tpu.memory_space<hbm>> -> memref<3x120xf32, #tpu.memory_space<hbm>>
        %dma_start3A_629 = tpu.memref_slice %arg13[%dma_start3A_621] : memref<2x!tpu.dma_semaphore, #tpu.memory_space<semaphore_mem>> -> memref<1x!tpu.dma_semaphore, #tpu.memory_space<semaphore_mem>>
        %dma_start3A_630 = tpu.memref_squeeze %dma_start3A_629 : memref<1x!tpu.dma_semaphore, #tpu.memory_space<semaphore_mem>> -> memref<!tpu.dma_semaphore, #tpu.memory_space<semaphore_mem>>
        %dma_start3A_631 = arith.constant 0 : i32
        %dma_start3A_632 = arith.constant 0 : i32
        %dma_start3A_633 = tpu.memref_slice %arg10[%dma_start3A_631, %dma_start3A_632] : memref<6x120xf32, #tpu.memory_space<vmem>> -> memref<3x120xf32, #tpu.memory_space<vmem>>
        %dma_start3A_634 = arith.constant 0 : i32
        %dma_start3A_635 = arith.constant 0 : i32
        %dma_start3A_636 = tpu.memref_slice %arg4[%add3A, %add3A_586, %dma_start3A_634, %dma_start3A_635] : memref<32x28x3x120xf32, #tpu.memory_space<hbm>> -> memref<1x1x3x120xf32, #tpu.memory_space<hbm>>
        %dma_start3A_637 = tpu.memref_squeeze %dma_start3A_636 : memref<1x1x3x120xf32, #tpu.memory_space<hbm>> -> memref<3x120xf32, #tpu.memory_space<hbm>>
        tpu.enqueue_dma source(%dma_start3A_637 : memref<3x120xf32, #tpu.memory_space<hbm>>) target(%dma_start3A_633 : memref<3x120xf32, #tpu.memory_space<vmem>>) target_semaphore(%dma_start3A_630 : memref<!tpu.dma_semaphore, #tpu.memory_space<semaphore_mem>>)
      } else {
      }
      %dma_wait3A_497 = arith.constant 1 : i32
      %dma_wait3A_498 = arith.constant 1 : i32
      %dma_wait3A_499 = arith.constant 0 : i32
      %dma_wait3A_500 = arith.constant 0 : i32
      %dma_wait3A_501 = tpu.memref_slice %arg11[%dma_wait3A_497, %dma_wait3A_499, %dma_wait3A_500] : memref<3x120x128xf32, #tpu.memory_space<vmem>> -> memref<1x120x128xf32, #tpu.memory_space<vmem>>
      %dma_wait3A_502 = tpu.memref_squeeze %dma_wait3A_501 : memref<1x120x128xf32, #tpu.memory_space<vmem>> -> memref<120x128xf32, #tpu.memory_space<vmem>>
      %dma_wait3A_503 = arith.constant 0 : i32
      %dma_wait3A_504 = arith.constant 0 : i32
      %dma_wait3A_505 = tpu.memref_slice %arg5[%dma_wait3A_503, %dma_wait3A_504] : memref<10000x128xf32, #tpu.memory_space<hbm>> -> memref<120x128xf32, #tpu.memory_space<hbm>>
      %dma_wait3A_506 = tpu.memref_slice %arg14[%dma_wait3A_498] : memref<3x!tpu.dma_semaphore, #tpu.memory_space<semaphore_mem>> -> memref<1x!tpu.dma_semaphore, #tpu.memory_space<semaphore_mem>>
      %dma_wait3A_507 = tpu.memref_squeeze %dma_wait3A_506 : memref<1x!tpu.dma_semaphore, #tpu.memory_space<semaphore_mem>> -> memref<!tpu.dma_semaphore, #tpu.memory_space<semaphore_mem>>
      %dma_wait3A_508 = arith.constant 0 : i32
      %dma_wait3A_509 = arith.constant 0 : i32
      %dma_wait3A_510 = tpu.memref_slice %arg11[%dma_wait3A_497, %dma_wait3A_508, %dma_wait3A_509] : memref<3x120x128xf32, #tpu.memory_space<vmem>> -> memref<1x120x128xf32, #tpu.memory_space<vmem>>
      %dma_wait3A_511 = tpu.memref_squeeze %dma_wait3A_510 : memref<1x120x128xf32, #tpu.memory_space<vmem>> -> memref<120x128xf32, #tpu.memory_space<vmem>>
      %dma_wait3A_512 = arith.constant 0 : i32
      %dma_wait3A_513 = arith.constant 0 : i32
      %dma_wait3A_514 = tpu.memref_slice %arg5[%dma_wait3A_512, %dma_wait3A_513] : memref<10000x128xf32, #tpu.memory_space<hbm>> -> memref<120x128xf32, #tpu.memory_space<hbm>>
      tpu.wait_dma2 semaphore(%dma_wait3A_507 : memref<!tpu.dma_semaphore, #tpu.memory_space<semaphore_mem>>) src(%dma_wait3A_514 : memref<120x128xf32, #tpu.memory_space<hbm>>) dst(%dma_wait3A_511 : memref<120x128xf32, #tpu.memory_space<vmem>>)
      %parallel_loop3A_515 = arith.constant 0 : i32
      %parallel_loop3A_516 = arith.constant 120 : i32
      %parallel_loop3A_517 = arith.constant 1 : i32
      scf.for %parallel_loop3A_583 = %parallel_loop3A_515 to %parallel_loop3A_516 step %parallel_loop3A_517  : i32 {
        %parallel_loop3A_584 = arith.constant 4 : i32
        %parallel_loop3A_585 = vector.broadcast %parallel_loop3A_584 : i32 to vector<16xi32>
        %parallel_loop3A_586 = arith.constant 0 : i32
        %parallel_loop3A_587 = vector.broadcast %parallel_loop3A_586 : i32 to vector<16xi32>
        %parallel_loop3A_588 = vector.broadcast %parallel_loop3A_583 : i32 to vector<16xi32>
        %parallel_loop3A_589 = arith.addi %parallel_loop3A_587, %parallel_loop3A_588 : vector<16xi32>
        %parallel_loop3A_590 = tpu.vector_load_idx %arg10[%parallel_loop3A_585, %parallel_loop3A_589] : memref<6x120xf32, #tpu.memory_space<vmem>>[vector<16xi32>, vector<16xi32>], vector<16xf32>,
        %parallel_loop3A_591 = arith.constant 1 : i32
        %parallel_loop3A_592 = arith.index_cast %parallel_loop3A_591 : i32 to index
        %parallel_loop3A_593 = arith.index_cast %parallel_loop3A_583 : i32 to index
        %parallel_loop3A_594 = arith.constant 0 : index
        %parallel_loop3A_595 = tpu.vector_load %arg11[%parallel_loop3A_592, %parallel_loop3A_593, %parallel_loop3A_594] {strides = array<i32>} : memref<3x120x128xf32, #tpu.memory_space<vmem>>, vector<16xf32>,
        %parallel_loop3A_596 = arith.mulf %parallel_loop3A_595, %parallel_loop3A_590 : vector<16xf32>
        %parallel_loop3A_597 = arith.constant 1 : i32
        %parallel_loop3A_598 = arith.index_cast %parallel_loop3A_597 : i32 to index
        %parallel_loop3A_599 = arith.index_cast %parallel_loop3A_583 : i32 to index
        %parallel_loop3A_600 = arith.constant 0 : index
        %parallel_loop3A_601 = tpu.vector_load %arg11[%parallel_loop3A_598, %parallel_loop3A_599, %parallel_loop3A_600] {strides = array<i32>} : memref<3x120x128xf32, #tpu.memory_space<vmem>>, vector<16xf32>,
        tpu.vector_store %arg11[%parallel_loop3A_598, %parallel_loop3A_599, %parallel_loop3A_600], %parallel_loop3A_596 {strides = array<i32>} : memref<3x120x128xf32, #tpu.memory_space<vmem>>, vector<16xf32>,
        %parallel_loop3A_602 = arith.constant 1 : i32
        %parallel_loop3A_603 = arith.index_cast %parallel_loop3A_602 : i32 to index
        %parallel_loop3A_604 = arith.index_cast %parallel_loop3A_583 : i32 to index
        %parallel_loop3A_605 = arith.constant 16 : index
        %parallel_loop3A_606 = tpu.vector_load %arg11[%parallel_loop3A_603, %parallel_loop3A_604, %parallel_loop3A_605] {strides = array<i32>} : memref<3x120x128xf32, #tpu.memory_space<vmem>>, vector<16xf32>,
        %parallel_loop3A_607 = arith.mulf %parallel_loop3A_606, %parallel_loop3A_590 : vector<16xf32>
        %parallel_loop3A_608 = arith.constant 1 : i32
        %parallel_loop3A_609 = arith.index_cast %parallel_loop3A_608 : i32 to index
        %parallel_loop3A_610 = arith.index_cast %parallel_loop3A_583 : i32 to index
        %parallel_loop3A_611 = arith.constant 16 : index
        %parallel_loop3A_612 = tpu.vector_load %arg11[%parallel_loop3A_609, %parallel_loop3A_610, %parallel_loop3A_611] {strides = array<i32>} : memref<3x120x128xf32, #tpu.memory_space<vmem>>, vector<16xf32>,
        tpu.vector_store %arg11[%parallel_loop3A_609, %parallel_loop3A_610, %parallel_loop3A_611], %parallel_loop3A_607 {strides = array<i32>} : memref<3x120x128xf32, #tpu.memory_space<vmem>>, vector<16xf32>,
        %parallel_loop3A_613 = arith.constant 1 : i32
        %parallel_loop3A_614 = arith.index_cast %parallel_loop3A_613 : i32 to index
        %parallel_loop3A_615 = arith.index_cast %parallel_loop3A_583 : i32 to index
        %parallel_loop3A_616 = arith.constant 32 : index
        %parallel_loop3A_617 = tpu.vector_load %arg11[%parallel_loop3A_614, %parallel_loop3A_615, %parallel_loop3A_616] {strides = array<i32>} : memref<3x120x128xf32, #tpu.memory_space<vmem>>, vector<16xf32>,
        %parallel_loop3A_618 = arith.mulf %parallel_loop3A_617, %parallel_loop3A_590 : vector<16xf32>
        %parallel_loop3A_619 = arith.constant 1 : i32
        %parallel_loop3A_620 = arith.index_cast %parallel_loop3A_619 : i32 to index
        %parallel_loop3A_621 = arith.index_cast %parallel_loop3A_583 : i32 to index
        %parallel_loop3A_622 = arith.constant 32 : index
        %parallel_loop3A_623 = tpu.vector_load %arg11[%parallel_loop3A_620, %parallel_loop3A_621, %parallel_loop3A_622] {strides = array<i32>} : memref<3x120x128xf32, #tpu.memory_space<vmem>>, vector<16xf32>,
        tpu.vector_store %arg11[%parallel_loop3A_620, %parallel_loop3A_621, %parallel_loop3A_622], %parallel_loop3A_618 {strides = array<i32>} : memref<3x120x128xf32, #tpu.memory_space<vmem>>, vector<16xf32>,
        %parallel_loop3A_624 = arith.constant 1 : i32
        %parallel_loop3A_625 = arith.index_cast %parallel_loop3A_624 : i32 to index
        %parallel_loop3A_626 = arith.index_cast %parallel_loop3A_583 : i32 to index
        %parallel_loop3A_627 = arith.constant 48 : index
        %parallel_loop3A_628 = tpu.vector_load %arg11[%parallel_loop3A_625, %parallel_loop3A_626, %parallel_loop3A_627] {strides = array<i32>} : memref<3x120x128xf32, #tpu.memory_space<vmem>>, vector<16xf32>,
        %parallel_loop3A_629 = arith.mulf %parallel_loop3A_628, %parallel_loop3A_590 : vector<16xf32>
        %parallel_loop3A_630 = arith.constant 1 : i32
        %parallel_loop3A_631 = arith.index_cast %parallel_loop3A_630 : i32 to index
        %parallel_loop3A_632 = arith.index_cast %parallel_loop3A_583 : i32 to index
        %parallel_loop3A_633 = arith.constant 48 : index
        %parallel_loop3A_634 = tpu.vector_load %arg11[%parallel_loop3A_631, %parallel_loop3A_632, %parallel_loop3A_633] {strides = array<i32>} : memref<3x120x128xf32, #tpu.memory_space<vmem>>, vector<16xf32>,
        tpu.vector_store %arg11[%parallel_loop3A_631, %parallel_loop3A_632, %parallel_loop3A_633], %parallel_loop3A_629 {strides = array<i32>} : memref<3x120x128xf32, #tpu.memory_space<vmem>>, vector<16xf32>,
        %parallel_loop3A_635 = arith.constant 1 : i32
        %parallel_loop3A_636 = arith.index_cast %parallel_loop3A_635 : i32 to index
        %parallel_loop3A_637 = arith.index_cast %parallel_loop3A_583 : i32 to index
        %parallel_loop3A_638 = arith.constant 64 : index
        %parallel_loop3A_639 = tpu.vector_load %arg11[%parallel_loop3A_636, %parallel_loop3A_637, %parallel_loop3A_638] {strides = array<i32>} : memref<3x120x128xf32, #tpu.memory_space<vmem>>, vector<16xf32>,
        %parallel_loop3A_640 = arith.mulf %parallel_loop3A_639, %parallel_loop3A_590 : vector<16xf32>
        %parallel_loop3A_641 = arith.constant 1 : i32
        %parallel_loop3A_642 = arith.index_cast %parallel_loop3A_641 : i32 to index
        %parallel_loop3A_643 = arith.index_cast %parallel_loop3A_583 : i32 to index
        %parallel_loop3A_644 = arith.constant 64 : index
        %parallel_loop3A_645 = tpu.vector_load %arg11[%parallel_loop3A_642, %parallel_loop3A_643, %parallel_loop3A_644] {strides = array<i32>} : memref<3x120x128xf32, #tpu.memory_space<vmem>>, vector<16xf32>,
        tpu.vector_store %arg11[%parallel_loop3A_642, %parallel_loop3A_643, %parallel_loop3A_644], %parallel_loop3A_640 {strides = array<i32>} : memref<3x120x128xf32, #tpu.memory_space<vmem>>, vector<16xf32>,
        %parallel_loop3A_646 = arith.constant 1 : i32
        %parallel_loop3A_647 = arith.index_cast %parallel_loop3A_646 : i32 to index
        %parallel_loop3A_648 = arith.index_cast %parallel_loop3A_583 : i32 to index
        %parallel_loop3A_649 = arith.constant 80 : index
        %parallel_loop3A_650 = tpu.vector_load %arg11[%parallel_loop3A_647, %parallel_loop3A_648, %parallel_loop3A_649] {strides = array<i32>} : memref<3x120x128xf32, #tpu.memory_space<vmem>>, vector<16xf32>,
        %parallel_loop3A_651 = arith.mulf %parallel_loop3A_650, %parallel_loop3A_590 : vector<16xf32>
        %parallel_loop3A_652 = arith.constant 1 : i32
        %parallel_loop3A_653 = arith.index_cast %parallel_loop3A_652 : i32 to index
        %parallel_loop3A_654 = arith.index_cast %parallel_loop3A_583 : i32 to index
        %parallel_loop3A_655 = arith.constant 80 : index
        %parallel_loop3A_656 = tpu.vector_load %arg11[%parallel_loop3A_653, %parallel_loop3A_654, %parallel_loop3A_655] {strides = array<i32>} : memref<3x120x128xf32, #tpu.memory_space<vmem>>, vector<16xf32>,
        tpu.vector_store %arg11[%parallel_loop3A_653, %parallel_loop3A_654, %parallel_loop3A_655], %parallel_loop3A_651 {strides = array<i32>} : memref<3x120x128xf32, #tpu.memory_space<vmem>>, vector<16xf32>,
        %parallel_loop3A_657 = arith.constant 1 : i32
        %parallel_loop3A_658 = arith.index_cast %parallel_loop3A_657 : i32 to index
        %parallel_loop3A_659 = arith.index_cast %parallel_loop3A_583 : i32 to index
        %parallel_loop3A_660 = arith.constant 96 : index
        %parallel_loop3A_661 = tpu.vector_load %arg11[%parallel_loop3A_658, %parallel_loop3A_659, %parallel_loop3A_660] {strides = array<i32>} : memref<3x120x128xf32, #tpu.memory_space<vmem>>, vector<16xf32>,
        %parallel_loop3A_662 = arith.mulf %parallel_loop3A_661, %parallel_loop3A_590 : vector<16xf32>
        %parallel_loop3A_663 = arith.constant 1 : i32
        %parallel_loop3A_664 = arith.index_cast %parallel_loop3A_663 : i32 to index
        %parallel_loop3A_665 = arith.index_cast %parallel_loop3A_583 : i32 to index
        %parallel_loop3A_666 = arith.constant 96 : index
        %parallel_loop3A_667 = tpu.vector_load %arg11[%parallel_loop3A_664, %parallel_loop3A_665, %parallel_loop3A_666] {strides = array<i32>} : memref<3x120x128xf32, #tpu.memory_space<vmem>>, vector<16xf32>,
        tpu.vector_store %arg11[%parallel_loop3A_664, %parallel_loop3A_665, %parallel_loop3A_666], %parallel_loop3A_662 {strides = array<i32>} : memref<3x120x128xf32, #tpu.memory_space<vmem>>, vector<16xf32>,
        %parallel_loop3A_668 = arith.constant 1 : i32
        %parallel_loop3A_669 = arith.index_cast %parallel_loop3A_668 : i32 to index
        %parallel_loop3A_670 = arith.index_cast %parallel_loop3A_583 : i32 to index
        %parallel_loop3A_671 = arith.constant 112 : index
        %parallel_loop3A_672 = tpu.vector_load %arg11[%parallel_loop3A_669, %parallel_loop3A_670, %parallel_loop3A_671] {strides = array<i32>} : memref<3x120x128xf32, #tpu.memory_space<vmem>>, vector<16xf32>,
        %parallel_loop3A_673 = arith.mulf %parallel_loop3A_672, %parallel_loop3A_590 : vector<16xf32>
        %parallel_loop3A_674 = arith.constant 1 : i32
        %parallel_loop3A_675 = arith.index_cast %parallel_loop3A_674 : i32 to index
        %parallel_loop3A_676 = arith.index_cast %parallel_loop3A_583 : i32 to index
        %parallel_loop3A_677 = arith.constant 112 : index
        %parallel_loop3A_678 = tpu.vector_load %arg11[%parallel_loop3A_675, %parallel_loop3A_676, %parallel_loop3A_677] {strides = array<i32>} : memref<3x120x128xf32, #tpu.memory_space<vmem>>, vector<16xf32>,
        tpu.vector_store %arg11[%parallel_loop3A_675, %parallel_loop3A_676, %parallel_loop3A_677], %parallel_loop3A_673 {strides = array<i32>} : memref<3x120x128xf32, #tpu.memory_space<vmem>>, vector<16xf32>,
      } {sc.loop_unroll_factor = 4 : i64, sc.parallel_access}
      %dma_start3A_518 = arith.constant 1 : i32
      %dma_start3A_519 = arith.constant 4 : i32
      %dma_start3A_520 = arith.constant 1 : i32
      %dma_start3A_521 = arith.constant 0 : i32
      %dma_start3A_522 = arith.constant 0 : i32
      %dma_start3A_523 = tpu.memref_slice %arg11[%dma_start3A_518, %dma_start3A_521, %dma_start3A_522] : memref<3x120x128xf32, #tpu.memory_space<vmem>> -> memref<1x120x128xf32, #tpu.memory_space<vmem>>
      %dma_start3A_524 = tpu.memref_squeeze %dma_start3A_523 : memref<1x120x128xf32, #tpu.memory_space<vmem>> -> memref<120x128xf32, #tpu.memory_space<vmem>>
      %dma_start3A_525 = arith.constant 0 : i32
      %dma_start3A_526 = tpu.memref_slice %arg9[%dma_start3A_519, %dma_start3A_525] : memref<6x120xi32, #tpu.memory_space<vmem>> -> memref<1x120xi32, #tpu.memory_space<vmem>>
      %dma_start3A_527 = tpu.memref_squeeze %dma_start3A_526 : memref<1x120xi32, #tpu.memory_space<vmem>> -> memref<120xi32, #tpu.memory_space<vmem>>
      %dma_start3A_528 = arith.constant 0 : i32
      %dma_start3A_529 = arith.constant 0 : i32
      %dma_start3A_530 = tpu.memref_slice %arg12[%dma_start3A_528, %dma_start3A_529] : memref<10000x128xf32, #tpu.memory_space<vmem_shared>> -> memref<10000x128xf32, #tpu.memory_space<vmem_shared>>
      %dma_start3A_531 = tpu.memref_slice %arg15[%dma_start3A_520] : memref<3x!tpu.dma_semaphore, #tpu.memory_space<semaphore_mem>> -> memref<1x!tpu.dma_semaphore, #tpu.memory_space<semaphore_mem>>
      %dma_start3A_532 = tpu.memref_squeeze %dma_start3A_531 : memref<1x!tpu.dma_semaphore, #tpu.memory_space<semaphore_mem>> -> memref<!tpu.dma_semaphore, #tpu.memory_space<semaphore_mem>>
      tpu.enqueue_indirect_dma source(%dma_start3A_524 : memref<120x128xf32, #tpu.memory_space<vmem>>) target(%dma_start3A_530 : memref<10000x128xf32, #tpu.memory_space<vmem_shared>>) offsets(%dma_start3A_527 : memref<120xi32, #tpu.memory_space<vmem>>) semaphore(%dma_start3A_532 : memref<!tpu.dma_semaphore, #tpu.memory_space<semaphore_mem>>) {add = true}
      %mul3A_533 = arith.constant 6 : i32
      %mul3A_534 = arith.muli %scan3A_221, %mul3A_533 : i32
      %add3A_535 = arith.constant 5 : i32
      %add3A_536 = arith.addi %mul3A_534, %add3A_535 : i32
      %ge3A_537 = arith.constant 2 : i32
      %ge3A_538 = arith.cmpi sge, %add3A_536, %ge3A_537 : i32
      %add3A_539 = arith.constant 1 : i32
      %add3A_540 = arith.addi %add3A_536, %add3A_539 : i32
      %lt3A_541 = arith.constant 84 : i32
      %lt3A_542 = arith.cmpi slt, %add3A_540, %lt3A_541 : i32
      %and3A_543 = arith.andi %ge3A_538, %lt3A_542 : i1
      %convert_element_type3A_544 = arith.extui %and3A_543 : i1 to i32
      %cond3A_545 = arith.constant 0 : i32
      %cond3A_546 = arith.cmpi ne, %convert_element_type3A_544, %cond3A_545 : i32
      scf.if %cond3A_546 {
        %dma_wait3A_583 = arith.constant 0 : i32
        %dma_wait3A_584 = arith.constant 0 : i32
        %dma_wait3A_585 = arith.constant 0 : i32
        %dma_wait3A_586 = arith.constant 0 : i32
        %dma_wait3A_587 = tpu.memref_slice %arg11[%dma_wait3A_583, %dma_wait3A_585, %dma_wait3A_586] : memref<3x120x128xf32, #tpu.memory_space<vmem>> -> memref<1x120x128xf32, #tpu.memory_space<vmem>>
        %dma_wait3A_588 = tpu.memref_squeeze %dma_wait3A_587 : memref<1x120x128xf32, #tpu.memory_space<vmem>> -> memref<120x128xf32, #tpu.memory_space<vmem>>
        %dma_wait3A_589 = arith.constant 0 : i32
        %dma_wait3A_590 = arith.constant 0 : i32
        %dma_wait3A_591 = tpu.memref_slice %arg5[%dma_wait3A_589, %dma_wait3A_590] : memref<10000x128xf32, #tpu.memory_space<hbm>> -> memref<120x128xf32, #tpu.memory_space<hbm>>
        %dma_wait3A_592 = tpu.memref_slice %arg15[%dma_wait3A_584] : memref<3x!tpu.dma_semaphore, #tpu.memory_space<semaphore_mem>> -> memref<1x!tpu.dma_semaphore, #tpu.memory_space<semaphore_mem>>
        %dma_wait3A_593 = tpu.memref_squeeze %dma_wait3A_592 : memref<1x!tpu.dma_semaphore, #tpu.memory_space<semaphore_mem>> -> memref<!tpu.dma_semaphore, #tpu.memory_space<semaphore_mem>>
        %dma_wait3A_594 = arith.constant 0 : i32
        %dma_wait3A_595 = arith.constant 0 : i32
        %dma_wait3A_596 = tpu.memref_slice %arg11[%dma_wait3A_583, %dma_wait3A_594, %dma_wait3A_595] : memref<3x120x128xf32, #tpu.memory_space<vmem>> -> memref<1x120x128xf32, #tpu.memory_space<vmem>>
        %dma_wait3A_597 = tpu.memref_squeeze %dma_wait3A_596 : memref<1x120x128xf32, #tpu.memory_space<vmem>> -> memref<120x128xf32, #tpu.memory_space<vmem>>
        %dma_wait3A_598 = arith.constant 0 : i32
        %dma_wait3A_599 = arith.constant 0 : i32
        %dma_wait3A_600 = tpu.memref_slice %arg5[%dma_wait3A_598, %dma_wait3A_599] : memref<10000x128xf32, #tpu.memory_space<hbm>> -> memref<120x128xf32, #tpu.memory_space<hbm>>
        tpu.wait_dma2 semaphore(%dma_wait3A_593 : memref<!tpu.dma_semaphore, #tpu.memory_space<semaphore_mem>>) src(%dma_wait3A_600 : memref<120x128xf32, #tpu.memory_space<hbm>>) dst(%dma_wait3A_597 : memref<120x128xf32, #tpu.memory_space<vmem>>)
        %dma_wait3A_601 = arith.constant 0 : i32
        %dma_wait3A_602 = arith.constant 0 : i32
        %dma_wait3A_603 = arith.constant 0 : i32
        %dma_wait3A_604 = arith.constant 0 : i32
        %dma_wait3A_605 = tpu.memref_slice %arg8[%dma_wait3A_603, %dma_wait3A_604] : memref<6x120xi32, #tpu.memory_space<vmem>> -> memref<3x120xi32, #tpu.memory_space<vmem>>
        %dma_wait3A_606 = arith.constant 0 : i32
        %dma_wait3A_607 = arith.constant 0 : i32
        %dma_wait3A_608 = tpu.memref_slice %arg2[%add3A, %dma_wait3A_601, %dma_wait3A_606, %dma_wait3A_607] : memref<32x28x3x120xi32, #tpu.memory_space<hbm>> -> memref<1x1x3x120xi32, #tpu.memory_space<hbm>>
        %dma_wait3A_609 = tpu.memref_squeeze %dma_wait3A_608 : memref<1x1x3x120xi32, #tpu.memory_space<hbm>> -> memref<3x120xi32, #tpu.memory_space<hbm>>
        %dma_wait3A_610 = tpu.memref_slice %arg13[%dma_wait3A_602] : memref<2x!tpu.dma_semaphore, #tpu.memory_space<semaphore_mem>> -> memref<1x!tpu.dma_semaphore, #tpu.memory_space<semaphore_mem>>
        %dma_wait3A_611 = tpu.memref_squeeze %dma_wait3A_610 : memref<1x!tpu.dma_semaphore, #tpu.memory_space<semaphore_mem>> -> memref<!tpu.dma_semaphore, #tpu.memory_space<semaphore_mem>>
        %dma_wait3A_612 = arith.constant 0 : i32
        %dma_wait3A_613 = arith.constant 0 : i32
        %dma_wait3A_614 = tpu.memref_slice %arg8[%dma_wait3A_612, %dma_wait3A_613] : memref<6x120xi32, #tpu.memory_space<vmem>> -> memref<3x120xi32, #tpu.memory_space<vmem>>
        %dma_wait3A_615 = arith.constant 0 : i32
        %dma_wait3A_616 = arith.constant 0 : i32
        %dma_wait3A_617 = tpu.memref_slice %arg2[%add3A, %dma_wait3A_601, %dma_wait3A_615, %dma_wait3A_616] : memref<32x28x3x120xi32, #tpu.memory_space<hbm>> -> memref<1x1x3x120xi32, #tpu.memory_space<hbm>>
        %dma_wait3A_618 = tpu.memref_squeeze %dma_wait3A_617 : memref<1x1x3x120xi32, #tpu.memory_space<hbm>> -> memref<3x120xi32, #tpu.memory_space<hbm>>
        tpu.wait_dma2 semaphore(%dma_wait3A_611 : memref<!tpu.dma_semaphore, #tpu.memory_space<semaphore_mem>>) src(%dma_wait3A_618 : memref<3x120xi32, #tpu.memory_space<hbm>>) dst(%dma_wait3A_614 : memref<3x120xi32, #tpu.memory_space<vmem>>)
        %dma_wait3A_619 = arith.constant 0 : i32
        %dma_wait3A_620 = arith.constant 0 : i32
        %dma_wait3A_621 = arith.constant 0 : i32
        %dma_wait3A_622 = arith.constant 0 : i32
        %dma_wait3A_623 = tpu.memref_slice %arg9[%dma_wait3A_621, %dma_wait3A_622] : memref<6x120xi32, #tpu.memory_space<vmem>> -> memref<3x120xi32, #tpu.memory_space<vmem>>
        %dma_wait3A_624 = arith.constant 0 : i32
        %dma_wait3A_625 = arith.constant 0 : i32
        %dma_wait3A_626 = tpu.memref_slice %arg2[%add3A, %dma_wait3A_619, %dma_wait3A_624, %dma_wait3A_625] : memref<32x28x3x120xi32, #tpu.memory_space<hbm>> -> memref<1x1x3x120xi32, #tpu.memory_space<hbm>>
        %dma_wait3A_627 = tpu.memref_squeeze %dma_wait3A_626 : memref<1x1x3x120xi32, #tpu.memory_space<hbm>> -> memref<3x120xi32, #tpu.memory_space<hbm>>
        %dma_wait3A_628 = tpu.memref_slice %arg13[%dma_wait3A_620] : memref<2x!tpu.dma_semaphore, #tpu.memory_space<semaphore_mem>> -> memref<1x!tpu.dma_semaphore, #tpu.memory_space<semaphore_mem>>
        %dma_wait3A_629 = tpu.memref_squeeze %dma_wait3A_628 : memref<1x!tpu.dma_semaphore, #tpu.memory_space<semaphore_mem>> -> memref<!tpu.dma_semaphore, #tpu.memory_space<semaphore_mem>>
        %dma_wait3A_630 = arith.constant 0 : i32
        %dma_wait3A_631 = arith.constant 0 : i32
        %dma_wait3A_632 = tpu.memref_slice %arg9[%dma_wait3A_630, %dma_wait3A_631] : memref<6x120xi32, #tpu.memory_space<vmem>> -> memref<3x120xi32, #tpu.memory_space<vmem>>
        %dma_wait3A_633 = arith.constant 0 : i32
        %dma_wait3A_634 = arith.constant 0 : i32
        %dma_wait3A_635 = tpu.memref_slice %arg2[%add3A, %dma_wait3A_619, %dma_wait3A_633, %dma_wait3A_634] : memref<32x28x3x120xi32, #tpu.memory_space<hbm>> -> memref<1x1x3x120xi32, #tpu.memory_space<hbm>>
        %dma_wait3A_636 = tpu.memref_squeeze %dma_wait3A_635 : memref<1x1x3x120xi32, #tpu.memory_space<hbm>> -> memref<3x120xi32, #tpu.memory_space<hbm>>
        tpu.wait_dma2 semaphore(%dma_wait3A_629 : memref<!tpu.dma_semaphore, #tpu.memory_space<semaphore_mem>>) src(%dma_wait3A_636 : memref<3x120xi32, #tpu.memory_space<hbm>>) dst(%dma_wait3A_632 : memref<3x120xi32, #tpu.memory_space<vmem>>)
        %dma_wait3A_637 = arith.constant 0 : i32
        %dma_wait3A_638 = arith.constant 0 : i32
        %dma_wait3A_639 = arith.constant 0 : i32
        %dma_wait3A_640 = arith.constant 0 : i32
        %dma_wait3A_641 = tpu.memref_slice %arg10[%dma_wait3A_639, %dma_wait3A_640] : memref<6x120xf32, #tpu.memory_space<vmem>> -> memref<3x120xf32, #tpu.memory_space<vmem>>
        %dma_wait3A_642 = arith.constant 0 : i32
        %dma_wait3A_643 = arith.constant 0 : i32
        %dma_wait3A_644 = tpu.memref_slice %arg2[%add3A, %dma_wait3A_637, %dma_wait3A_642, %dma_wait3A_643] : memref<32x28x3x120xi32, #tpu.memory_space<hbm>> -> memref<1x1x3x120xi32, #tpu.memory_space<hbm>>
        %dma_wait3A_645 = tpu.memref_squeeze %dma_wait3A_644 : memref<1x1x3x120xi32, #tpu.memory_space<hbm>> -> memref<3x120xi32, #tpu.memory_space<hbm>>
        %dma_wait3A_646 = tpu.memref_slice %arg13[%dma_wait3A_638] : memref<2x!tpu.dma_semaphore, #tpu.memory_space<semaphore_mem>> -> memref<1x!tpu.dma_semaphore, #tpu.memory_space<semaphore_mem>>
        %dma_wait3A_647 = tpu.memref_squeeze %dma_wait3A_646 : memref<1x!tpu.dma_semaphore, #tpu.memory_space<semaphore_mem>> -> memref<!tpu.dma_semaphore, #tpu.memory_space<semaphore_mem>>
        %dma_wait3A_648 = arith.constant 0 : i32
        %dma_wait3A_649 = arith.constant 0 : i32
        %dma_wait3A_650 = tpu.memref_slice %arg10[%dma_wait3A_648, %dma_wait3A_649] : memref<6x120xf32, #tpu.memory_space<vmem>> -> memref<3x120xf32, #tpu.memory_space<vmem>>
        %dma_wait3A_651 = arith.constant 0 : i32
        %dma_wait3A_652 = arith.constant 0 : i32
        %dma_wait3A_653 = tpu.memref_slice %arg2[%add3A, %dma_wait3A_637, %dma_wait3A_651, %dma_wait3A_652] : memref<32x28x3x120xi32, #tpu.memory_space<hbm>> -> memref<1x1x3x120xi32, #tpu.memory_space<hbm>>
        %dma_wait3A_654 = tpu.memref_squeeze %dma_wait3A_653 : memref<1x1x3x120xi32, #tpu.memory_space<hbm>> -> memref<3x120xi32, #tpu.memory_space<hbm>>
        tpu.wait_dma2 semaphore(%dma_wait3A_647 : memref<!tpu.dma_semaphore, #tpu.memory_space<semaphore_mem>>) src(%dma_wait3A_654 : memref<3x120xi32, #tpu.memory_space<hbm>>) dst(%dma_wait3A_650 : memref<3x120xf32, #tpu.memory_space<vmem>>)
        %dma_start3A_655 = arith.constant 0 : i32
        %dma_start3A_656 = arith.constant 0 : i32
        %dma_start3A_657 = arith.constant 0 : i32
        %dma_start3A_658 = arith.constant 0 : i32
        %dma_start3A_659 = arith.constant 0 : i32
        %dma_start3A_660 = tpu.memref_slice %arg11[%dma_start3A_656, %dma_start3A_658, %dma_start3A_659] : memref<3x120x128xf32, #tpu.memory_space<vmem>> -> memref<1x120x128xf32, #tpu.memory_space<vmem>>
        %dma_start3A_661 = tpu.memref_squeeze %dma_start3A_660 : memref<1x120x128xf32, #tpu.memory_space<vmem>> -> memref<120x128xf32, #tpu.memory_space<vmem>>
        %dma_start3A_662 = arith.constant 0 : i32
        %dma_start3A_663 = tpu.memref_slice %arg8[%dma_start3A_655, %dma_start3A_662] : memref<6x120xi32, #tpu.memory_space<vmem>> -> memref<1x120xi32, #tpu.memory_space<vmem>>
        %dma_start3A_664 = tpu.memref_squeeze %dma_start3A_663 : memref<1x120xi32, #tpu.memory_space<vmem>> -> memref<120xi32, #tpu.memory_space<vmem>>
        %dma_start3A_665 = arith.constant 0 : i32
        %dma_start3A_666 = arith.constant 0 : i32
        %dma_start3A_667 = tpu.memref_slice %arg5[%dma_start3A_665, %dma_start3A_666] : memref<10000x128xf32, #tpu.memory_space<hbm>> -> memref<10000x128xf32, #tpu.memory_space<hbm>>
        %dma_start3A_668 = tpu.memref_slice %arg14[%dma_start3A_657] : memref<3x!tpu.dma_semaphore, #tpu.memory_space<semaphore_mem>> -> memref<1x!tpu.dma_semaphore, #tpu.memory_space<semaphore_mem>>
        %dma_start3A_669 = tpu.memref_squeeze %dma_start3A_668 : memref<1x!tpu.dma_semaphore, #tpu.memory_space<semaphore_mem>> -> memref<!tpu.dma_semaphore, #tpu.memory_space<semaphore_mem>>
        tpu.enqueue_indirect_dma source(%dma_start3A_667 : memref<10000x128xf32, #tpu.memory_space<hbm>>) target(%dma_start3A_661 : memref<120x128xf32, #tpu.memory_space<vmem>>) offsets(%dma_start3A_664 : memref<120xi32, #tpu.memory_space<vmem>>) semaphore(%dma_start3A_669 : memref<!tpu.dma_semaphore, #tpu.memory_space<semaphore_mem>>)
      } else {
      }
      %dma_wait3A_547 = arith.constant 2 : i32
      %dma_wait3A_548 = arith.constant 2 : i32
      %dma_wait3A_549 = arith.constant 0 : i32
      %dma_wait3A_550 = arith.constant 0 : i32
      %dma_wait3A_551 = tpu.memref_slice %arg11[%dma_wait3A_547, %dma_wait3A_549, %dma_wait3A_550] : memref<3x120x128xf32, #tpu.memory_space<vmem>> -> memref<1x120x128xf32, #tpu.memory_space<vmem>>
      %dma_wait3A_552 = tpu.memref_squeeze %dma_wait3A_551 : memref<1x120x128xf32, #tpu.memory_space<vmem>> -> memref<120x128xf32, #tpu.memory_space<vmem>>
      %dma_wait3A_553 = arith.constant 0 : i32
      %dma_wait3A_554 = arith.constant 0 : i32
      %dma_wait3A_555 = tpu.memref_slice %arg5[%dma_wait3A_553, %dma_wait3A_554] : memref<10000x128xf32, #tpu.memory_space<hbm>> -> memref<120x128xf32, #tpu.memory_space<hbm>>
      %dma_wait3A_556 = tpu.memref_slice %arg14[%dma_wait3A_548] : memref<3x!tpu.dma_semaphore, #tpu.memory_space<semaphore_mem>> -> memref<1x!tpu.dma_semaphore, #tpu.memory_space<semaphore_mem>>
      %dma_wait3A_557 = tpu.memref_squeeze %dma_wait3A_556 : memref<1x!tpu.dma_semaphore, #tpu.memory_space<semaphore_mem>> -> memref<!tpu.dma_semaphore, #tpu.memory_space<semaphore_mem>>
      %dma_wait3A_558 = arith.constant 0 : i32
      %dma_wait3A_559 = arith.constant 0 : i32
      %dma_wait3A_560 = tpu.memref_slice %arg11[%dma_wait3A_547, %dma_wait3A_558, %dma_wait3A_559] : memref<3x120x128xf32, #tpu.memory_space<vmem>> -> memref<1x120x128xf32, #tpu.memory_space<vmem>>
      %dma_wait3A_561 = tpu.memref_squeeze %dma_wait3A_560 : memref<1x120x128xf32, #tpu.memory_space<vmem>> -> memref<120x128xf32, #tpu.memory_space<vmem>>
      %dma_wait3A_562 = arith.constant 0 : i32
      %dma_wait3A_563 = arith.constant 0 : i32
      %dma_wait3A_564 = tpu.memref_slice %arg5[%dma_wait3A_562, %dma_wait3A_563] : memref<10000x128xf32, #tpu.memory_space<hbm>> -> memref<120x128xf32, #tpu.memory_space<hbm>>
      tpu.wait_dma2 semaphore(%dma_wait3A_557 : memref<!tpu.dma_semaphore, #tpu.memory_space<semaphore_mem>>) src(%dma_wait3A_564 : memref<120x128xf32, #tpu.memory_space<hbm>>) dst(%dma_wait3A_561 : memref<120x128xf32, #tpu.memory_space<vmem>>)
      %parallel_loop3A_565 = arith.constant 0 : i32
      %parallel_loop3A_566 = arith.constant 120 : i32
      %parallel_loop3A_567 = arith.constant 1 : i32
      scf.for %parallel_loop3A_583 = %parallel_loop3A_565 to %parallel_loop3A_566 step %parallel_loop3A_567  : i32 {
        %parallel_loop3A_584 = arith.constant 5 : i32
        %parallel_loop3A_585 = vector.broadcast %parallel_loop3A_584 : i32 to vector<16xi32>
        %parallel_loop3A_586 = arith.constant 0 : i32
        %parallel_loop3A_587 = vector.broadcast %parallel_loop3A_586 : i32 to vector<16xi32>
        %parallel_loop3A_588 = vector.broadcast %parallel_loop3A_583 : i32 to vector<16xi32>
        %parallel_loop3A_589 = arith.addi %parallel_loop3A_587, %parallel_loop3A_588 : vector<16xi32>
        %parallel_loop3A_590 = tpu.vector_load_idx %arg10[%parallel_loop3A_585, %parallel_loop3A_589] : memref<6x120xf32, #tpu.memory_space<vmem>>[vector<16xi32>, vector<16xi32>], vector<16xf32>,
        %parallel_loop3A_591 = arith.constant 2 : i32
        %parallel_loop3A_592 = arith.index_cast %parallel_loop3A_591 : i32 to index
        %parallel_loop3A_593 = arith.index_cast %parallel_loop3A_583 : i32 to index
        %parallel_loop3A_594 = arith.constant 0 : index
        %parallel_loop3A_595 = tpu.vector_load %arg11[%parallel_loop3A_592, %parallel_loop3A_593, %parallel_loop3A_594] {strides = array<i32>} : memref<3x120x128xf32, #tpu.memory_space<vmem>>, vector<16xf32>,
        %parallel_loop3A_596 = arith.mulf %parallel_loop3A_595, %parallel_loop3A_590 : vector<16xf32>
        %parallel_loop3A_597 = arith.constant 2 : i32
        %parallel_loop3A_598 = arith.index_cast %parallel_loop3A_597 : i32 to index
        %parallel_loop3A_599 = arith.index_cast %parallel_loop3A_583 : i32 to index
        %parallel_loop3A_600 = arith.constant 0 : index
        %parallel_loop3A_601 = tpu.vector_load %arg11[%parallel_loop3A_598, %parallel_loop3A_599, %parallel_loop3A_600] {strides = array<i32>} : memref<3x120x128xf32, #tpu.memory_space<vmem>>, vector<16xf32>,
        tpu.vector_store %arg11[%parallel_loop3A_598, %parallel_loop3A_599, %parallel_loop3A_600], %parallel_loop3A_596 {strides = array<i32>} : memref<3x120x128xf32, #tpu.memory_space<vmem>>, vector<16xf32>,
        %parallel_loop3A_602 = arith.constant 2 : i32
        %parallel_loop3A_603 = arith.index_cast %parallel_loop3A_602 : i32 to index
        %parallel_loop3A_604 = arith.index_cast %parallel_loop3A_583 : i32 to index
        %parallel_loop3A_605 = arith.constant 16 : index
        %parallel_loop3A_606 = tpu.vector_load %arg11[%parallel_loop3A_603, %parallel_loop3A_604, %parallel_loop3A_605] {strides = array<i32>} : memref<3x120x128xf32, #tpu.memory_space<vmem>>, vector<16xf32>,
        %parallel_loop3A_607 = arith.mulf %parallel_loop3A_606, %parallel_loop3A_590 : vector<16xf32>
        %parallel_loop3A_608 = arith.constant 2 : i32
        %parallel_loop3A_609 = arith.index_cast %parallel_loop3A_608 : i32 to index
        %parallel_loop3A_610 = arith.index_cast %parallel_loop3A_583 : i32 to index
        %parallel_loop3A_611 = arith.constant 16 : index
        %parallel_loop3A_612 = tpu.vector_load %arg11[%parallel_loop3A_609, %parallel_loop3A_610, %parallel_loop3A_611] {strides = array<i32>} : memref<3x120x128xf32, #tpu.memory_space<vmem>>, vector<16xf32>,
        tpu.vector_store %arg11[%parallel_loop3A_609, %parallel_loop3A_610, %parallel_loop3A_611], %parallel_loop3A_607 {strides = array<i32>} : memref<3x120x128xf32, #tpu.memory_space<vmem>>, vector<16xf32>,
        %parallel_loop3A_613 = arith.constant 2 : i32
        %parallel_loop3A_614 = arith.index_cast %parallel_loop3A_613 : i32 to index
        %parallel_loop3A_615 = arith.index_cast %parallel_loop3A_583 : i32 to index
        %parallel_loop3A_616 = arith.constant 32 : index
        %parallel_loop3A_617 = tpu.vector_load %arg11[%parallel_loop3A_614, %parallel_loop3A_615, %parallel_loop3A_616] {strides = array<i32>} : memref<3x120x128xf32, #tpu.memory_space<vmem>>, vector<16xf32>,
        %parallel_loop3A_618 = arith.mulf %parallel_loop3A_617, %parallel_loop3A_590 : vector<16xf32>
        %parallel_loop3A_619 = arith.constant 2 : i32
        %parallel_loop3A_620 = arith.index_cast %parallel_loop3A_619 : i32 to index
        %parallel_loop3A_621 = arith.index_cast %parallel_loop3A_583 : i32 to index
        %parallel_loop3A_622 = arith.constant 32 : index
        %parallel_loop3A_623 = tpu.vector_load %arg11[%parallel_loop3A_620, %parallel_loop3A_621, %parallel_loop3A_622] {strides = array<i32>} : memref<3x120x128xf32, #tpu.memory_space<vmem>>, vector<16xf32>,
        tpu.vector_store %arg11[%parallel_loop3A_620, %parallel_loop3A_621, %parallel_loop3A_622], %parallel_loop3A_618 {strides = array<i32>} : memref<3x120x128xf32, #tpu.memory_space<vmem>>, vector<16xf32>,
        %parallel_loop3A_624 = arith.constant 2 : i32
        %parallel_loop3A_625 = arith.index_cast %parallel_loop3A_624 : i32 to index
        %parallel_loop3A_626 = arith.index_cast %parallel_loop3A_583 : i32 to index
        %parallel_loop3A_627 = arith.constant 48 : index
        %parallel_loop3A_628 = tpu.vector_load %arg11[%parallel_loop3A_625, %parallel_loop3A_626, %parallel_loop3A_627] {strides = array<i32>} : memref<3x120x128xf32, #tpu.memory_space<vmem>>, vector<16xf32>,
        %parallel_loop3A_629 = arith.mulf %parallel_loop3A_628, %parallel_loop3A_590 : vector<16xf32>
        %parallel_loop3A_630 = arith.constant 2 : i32
        %parallel_loop3A_631 = arith.index_cast %parallel_loop3A_630 : i32 to index
        %parallel_loop3A_632 = arith.index_cast %parallel_loop3A_583 : i32 to index
        %parallel_loop3A_633 = arith.constant 48 : index
        %parallel_loop3A_634 = tpu.vector_load %arg11[%parallel_loop3A_631, %parallel_loop3A_632, %parallel_loop3A_633] {strides = array<i32>} : memref<3x120x128xf32, #tpu.memory_space<vmem>>, vector<16xf32>,
        tpu.vector_store %arg11[%parallel_loop3A_631, %parallel_loop3A_632, %parallel_loop3A_633], %parallel_loop3A_629 {strides = array<i32>} : memref<3x120x128xf32, #tpu.memory_space<vmem>>, vector<16xf32>,
        %parallel_loop3A_635 = arith.constant 2 : i32
        %parallel_loop3A_636 = arith.index_cast %parallel_loop3A_635 : i32 to index
        %parallel_loop3A_637 = arith.index_cast %parallel_loop3A_583 : i32 to index
        %parallel_loop3A_638 = arith.constant 64 : index
        %parallel_loop3A_639 = tpu.vector_load %arg11[%parallel_loop3A_636, %parallel_loop3A_637, %parallel_loop3A_638] {strides = array<i32>} : memref<3x120x128xf32, #tpu.memory_space<vmem>>, vector<16xf32>,
        %parallel_loop3A_640 = arith.mulf %parallel_loop3A_639, %parallel_loop3A_590 : vector<16xf32>
        %parallel_loop3A_641 = arith.constant 2 : i32
        %parallel_loop3A_642 = arith.index_cast %parallel_loop3A_641 : i32 to index
        %parallel_loop3A_643 = arith.index_cast %parallel_loop3A_583 : i32 to index
        %parallel_loop3A_644 = arith.constant 64 : index
        %parallel_loop3A_645 = tpu.vector_load %arg11[%parallel_loop3A_642, %parallel_loop3A_643, %parallel_loop3A_644] {strides = array<i32>} : memref<3x120x128xf32, #tpu.memory_space<vmem>>, vector<16xf32>,
        tpu.vector_store %arg11[%parallel_loop3A_642, %parallel_loop3A_643, %parallel_loop3A_644], %parallel_loop3A_640 {strides = array<i32>} : memref<3x120x128xf32, #tpu.memory_space<vmem>>, vector<16xf32>,
        %parallel_loop3A_646 = arith.constant 2 : i32
        %parallel_loop3A_647 = arith.index_cast %parallel_loop3A_646 : i32 to index
        %parallel_loop3A_648 = arith.index_cast %parallel_loop3A_583 : i32 to index
        %parallel_loop3A_649 = arith.constant 80 : index
        %parallel_loop3A_650 = tpu.vector_load %arg11[%parallel_loop3A_647, %parallel_loop3A_648, %parallel_loop3A_649] {strides = array<i32>} : memref<3x120x128xf32, #tpu.memory_space<vmem>>, vector<16xf32>,
        %parallel_loop3A_651 = arith.mulf %parallel_loop3A_650, %parallel_loop3A_590 : vector<16xf32>
        %parallel_loop3A_652 = arith.constant 2 : i32
        %parallel_loop3A_653 = arith.index_cast %parallel_loop3A_652 : i32 to index
        %parallel_loop3A_654 = arith.index_cast %parallel_loop3A_583 : i32 to index
        %parallel_loop3A_655 = arith.constant 80 : index
        %parallel_loop3A_656 = tpu.vector_load %arg11[%parallel_loop3A_653, %parallel_loop3A_654, %parallel_loop3A_655] {strides = array<i32>} : memref<3x120x128xf32, #tpu.memory_space<vmem>>, vector<16xf32>,
        tpu.vector_store %arg11[%parallel_loop3A_653, %parallel_loop3A_654, %parallel_loop3A_655], %parallel_loop3A_651 {strides = array<i32>} : memref<3x120x128xf32, #tpu.memory_space<vmem>>, vector<16xf32>,
        %parallel_loop3A_657 = arith.constant 2 : i32
        %parallel_loop3A_658 = arith.index_cast %parallel_loop3A_657 : i32 to index
        %parallel_loop3A_659 = arith.index_cast %parallel_loop3A_583 : i32 to index
        %parallel_loop3A_660 = arith.constant 96 : index
        %parallel_loop3A_661 = tpu.vector_load %arg11[%parallel_loop3A_658, %parallel_loop3A_659, %parallel_loop3A_660] {strides = array<i32>} : memref<3x120x128xf32, #tpu.memory_space<vmem>>, vector<16xf32>,
        %parallel_loop3A_662 = arith.mulf %parallel_loop3A_661, %parallel_loop3A_590 : vector<16xf32>
        %parallel_loop3A_663 = arith.constant 2 : i32
        %parallel_loop3A_664 = arith.index_cast %parallel_loop3A_663 : i32 to index
        %parallel_loop3A_665 = arith.index_cast %parallel_loop3A_583 : i32 to index
        %parallel_loop3A_666 = arith.constant 96 : index
        %parallel_loop3A_667 = tpu.vector_load %arg11[%parallel_loop3A_664, %parallel_loop3A_665, %parallel_loop3A_666] {strides = array<i32>} : memref<3x120x128xf32, #tpu.memory_space<vmem>>, vector<16xf32>,
        tpu.vector_store %arg11[%parallel_loop3A_664, %parallel_loop3A_665, %parallel_loop3A_666], %parallel_loop3A_662 {strides = array<i32>} : memref<3x120x128xf32, #tpu.memory_space<vmem>>, vector<16xf32>,
        %parallel_loop3A_668 = arith.constant 2 : i32
        %parallel_loop3A_669 = arith.index_cast %parallel_loop3A_668 : i32 to index
        %parallel_loop3A_670 = arith.index_cast %parallel_loop3A_583 : i32 to index
        %parallel_loop3A_671 = arith.constant 112 : index
        %parallel_loop3A_672 = tpu.vector_load %arg11[%parallel_loop3A_669, %parallel_loop3A_670, %parallel_loop3A_671] {strides = array<i32>} : memref<3x120x128xf32, #tpu.memory_space<vmem>>, vector<16xf32>,
        %parallel_loop3A_673 = arith.mulf %parallel_loop3A_672, %parallel_loop3A_590 : vector<16xf32>
        %parallel_loop3A_674 = arith.constant 2 : i32
        %parallel_loop3A_675 = arith.index_cast %parallel_loop3A_674 : i32 to index
        %parallel_loop3A_676 = arith.index_cast %parallel_loop3A_583 : i32 to index
        %parallel_loop3A_677 = arith.constant 112 : index
        %parallel_loop3A_678 = tpu.vector_load %arg11[%parallel_loop3A_675, %parallel_loop3A_676, %parallel_loop3A_677] {strides = array<i32>} : memref<3x120x128xf32, #tpu.memory_space<vmem>>, vector<16xf32>,
        tpu.vector_store %arg11[%parallel_loop3A_675, %parallel_loop3A_676, %parallel_loop3A_677], %parallel_loop3A_673 {strides = array<i32>} : memref<3x120x128xf32, #tpu.memory_space<vmem>>, vector<16xf32>,
      } {sc.loop_unroll_factor = 4 : i64, sc.parallel_access}
      %dma_start3A_568 = arith.constant 2 : i32
      %dma_start3A_569 = arith.constant 5 : i32
      %dma_start3A_570 = arith.constant 2 : i32
      %dma_start3A_571 = arith.constant 0 : i32
      %dma_start3A_572 = arith.constant 0 : i32
      %dma_start3A_573 = tpu.memref_slice %arg11[%dma_start3A_568, %dma_start3A_571, %dma_start3A_572] : memref<3x120x128xf32, #tpu.memory_space<vmem>> -> memref<1x120x128xf32, #tpu.memory_space<vmem>>
      %dma_start3A_574 = tpu.memref_squeeze %dma_start3A_573 : memref<1x120x128xf32, #tpu.memory_space<vmem>> -> memref<120x128xf32, #tpu.memory_space<vmem>>
      %dma_start3A_575 = arith.constant 0 : i32
      %dma_start3A_576 = tpu.memref_slice %arg9[%dma_start3A_569, %dma_start3A_575] : memref<6x120xi32, #tpu.memory_space<vmem>> -> memref<1x120xi32, #tpu.memory_space<vmem>>
      %dma_start3A_577 = tpu.memref_squeeze %dma_start3A_576 : memref<1x120xi32, #tpu.memory_space<vmem>> -> memref<120xi32, #tpu.memory_space<vmem>>
      %dma_start3A_578 = arith.constant 0 : i32
      %dma_start3A_579 = arith.constant 0 : i32
      %dma_start3A_580 = tpu.memref_slice %arg12[%dma_start3A_578, %dma_start3A_579] : memref<10000x128xf32, #tpu.memory_space<vmem_shared>> -> memref<10000x128xf32, #tpu.memory_space<vmem_shared>>
      %dma_start3A_581 = tpu.memref_slice %arg15[%dma_start3A_570] : memref<3x!tpu.dma_semaphore, #tpu.memory_space<semaphore_mem>> -> memref<1x!tpu.dma_semaphore, #tpu.memory_space<semaphore_mem>>
      %dma_start3A_582 = tpu.memref_squeeze %dma_start3A_581 : memref<1x!tpu.dma_semaphore, #tpu.memory_space<semaphore_mem>> -> memref<!tpu.dma_semaphore, #tpu.memory_space<semaphore_mem>>
      tpu.enqueue_indirect_dma source(%dma_start3A_574 : memref<120x128xf32, #tpu.memory_space<vmem>>) target(%dma_start3A_580 : memref<10000x128xf32, #tpu.memory_space<vmem_shared>>) offsets(%dma_start3A_577 : memref<120xi32, #tpu.memory_space<vmem>>) semaphore(%dma_start3A_582 : memref<!tpu.dma_semaphore, #tpu.memory_space<semaphore_mem>>) {add = true}
    }
    %scan3A_160 = arith.constant 14 : i32
    %dma_wait3A_161 = arith.constant 0 : i32
    %dma_wait3A_162 = arith.constant 0 : i32
    %dma_wait3A_163 = arith.constant 0 : i32
    %dma_wait3A_164 = arith.constant 0 : i32
    %dma_wait3A_165 = tpu.memref_slice %arg11[%dma_wait3A_161, %dma_wait3A_163, %dma_wait3A_164] : memref<3x120x128xf32, #tpu.memory_space<vmem>> -> memref<1x120x128xf32, #tpu.memory_space<vmem>>
    %dma_wait3A_166 = tpu.memref_squeeze %dma_wait3A_165 : memref<1x120x128xf32, #tpu.memory_space<vmem>> -> memref<120x128xf32, #tpu.memory_space<vmem>>
    %dma_wait3A_167 = arith.constant 0 : i32
    %dma_wait3A_168 = arith.constant 0 : i32
    %dma_wait3A_169 = tpu.memref_slice %arg5[%dma_wait3A_167, %dma_wait3A_168] : memref<10000x128xf32, #tpu.memory_space<hbm>> -> memref<120x128xf32, #tpu.memory_space<hbm>>
    %dma_wait3A_170 = tpu.memref_slice %arg15[%dma_wait3A_162] : memref<3x!tpu.dma_semaphore, #tpu.memory_space<semaphore_mem>> -> memref<1x!tpu.dma_semaphore, #tpu.memory_space<semaphore_mem>>
    %dma_wait3A_171 = tpu.memref_squeeze %dma_wait3A_170 : memref<1x!tpu.dma_semaphore, #tpu.memory_space<semaphore_mem>> -> memref<!tpu.dma_semaphore, #tpu.memory_space<semaphore_mem>>
    %dma_wait3A_172 = arith.constant 0 : i32
    %dma_wait3A_173 = arith.constant 0 : i32
    %dma_wait3A_174 = tpu.memref_slice %arg11[%dma_wait3A_161, %dma_wait3A_172, %dma_wait3A_173] : memref<3x120x128xf32, #tpu.memory_space<vmem>> -> memref<1x120x128xf32, #tpu.memory_space<vmem>>
    %dma_wait3A_175 = tpu.memref_squeeze %dma_wait3A_174 : memref<1x120x128xf32, #tpu.memory_space<vmem>> -> memref<120x128xf32, #tpu.memory_space<vmem>>
    %dma_wait3A_176 = arith.constant 0 : i32
    %dma_wait3A_177 = arith.constant 0 : i32
    %dma_wait3A_178 = tpu.memref_slice %arg5[%dma_wait3A_176, %dma_wait3A_177] : memref<10000x128xf32, #tpu.memory_space<hbm>> -> memref<120x128xf32, #tpu.memory_space<hbm>>
    tpu.wait_dma2 semaphore(%dma_wait3A_171 : memref<!tpu.dma_semaphore, #tpu.memory_space<semaphore_mem>>) src(%dma_wait3A_178 : memref<120x128xf32, #tpu.memory_space<hbm>>) dst(%dma_wait3A_175 : memref<120x128xf32, #tpu.memory_space<vmem>>)
    %dma_wait3A_179 = arith.constant 1 : i32
    %dma_wait3A_180 = arith.constant 1 : i32
    %dma_wait3A_181 = arith.constant 0 : i32
    %dma_wait3A_182 = arith.constant 0 : i32
    %dma_wait3A_183 = tpu.memref_slice %arg11[%dma_wait3A_179, %dma_wait3A_181, %dma_wait3A_182] : memref<3x120x128xf32, #tpu.memory_space<vmem>> -> memref<1x120x128xf32, #tpu.memory_space<vmem>>
    %dma_wait3A_184 = tpu.memref_squeeze %dma_wait3A_183 : memref<1x120x128xf32, #tpu.memory_space<vmem>> -> memref<120x128xf32, #tpu.memory_space<vmem>>
    %dma_wait3A_185 = arith.constant 0 : i32
    %dma_wait3A_186 = arith.constant 0 : i32
    %dma_wait3A_187 = tpu.memref_slice %arg5[%dma_wait3A_185, %dma_wait3A_186] : memref<10000x128xf32, #tpu.memory_space<hbm>> -> memref<120x128xf32, #tpu.memory_space<hbm>>
    %dma_wait3A_188 = tpu.memref_slice %arg15[%dma_wait3A_180] : memref<3x!tpu.dma_semaphore, #tpu.memory_space<semaphore_mem>> -> memref<1x!tpu.dma_semaphore, #tpu.memory_space<semaphore_mem>>
    %dma_wait3A_189 = tpu.memref_squeeze %dma_wait3A_188 : memref<1x!tpu.dma_semaphore, #tpu.memory_space<semaphore_mem>> -> memref<!tpu.dma_semaphore, #tpu.memory_space<semaphore_mem>>
    %dma_wait3A_190 = arith.constant 0 : i32
    %dma_wait3A_191 = arith.constant 0 : i32
    %dma_wait3A_192 = tpu.memref_slice %arg11[%dma_wait3A_179, %dma_wait3A_190, %dma_wait3A_191] : memref<3x120x128xf32, #tpu.memory_space<vmem>> -> memref<1x120x128xf32, #tpu.memory_space<vmem>>
    %dma_wait3A_193 = tpu.memref_squeeze %dma_wait3A_192 : memref<1x120x128xf32, #tpu.memory_space<vmem>> -> memref<120x128xf32, #tpu.memory_space<vmem>>
    %dma_wait3A_194 = arith.constant 0 : i32
    %dma_wait3A_195 = arith.constant 0 : i32
    %dma_wait3A_196 = tpu.memref_slice %arg5[%dma_wait3A_194, %dma_wait3A_195] : memref<10000x128xf32, #tpu.memory_space<hbm>> -> memref<120x128xf32, #tpu.memory_space<hbm>>
    tpu.wait_dma2 semaphore(%dma_wait3A_189 : memref<!tpu.dma_semaphore, #tpu.memory_space<semaphore_mem>>) src(%dma_wait3A_196 : memref<120x128xf32, #tpu.memory_space<hbm>>) dst(%dma_wait3A_193 : memref<120x128xf32, #tpu.memory_space<vmem>>)
    %dma_wait3A_197 = arith.constant 2 : i32
    %dma_wait3A_198 = arith.constant 2 : i32
    %dma_wait3A_199 = arith.constant 0 : i32
    %dma_wait3A_200 = arith.constant 0 : i32
    %dma_wait3A_201 = tpu.memref_slice %arg11[%dma_wait3A_197, %dma_wait3A_199, %dma_wait3A_200] : memref<3x120x128xf32, #tpu.memory_space<vmem>> -> memref<1x120x128xf32, #tpu.memory_space<vmem>>
    %dma_wait3A_202 = tpu.memref_squeeze %dma_wait3A_201 : memref<1x120x128xf32, #tpu.memory_space<vmem>> -> memref<120x128xf32, #tpu.memory_space<vmem>>
    %dma_wait3A_203 = arith.constant 0 : i32
    %dma_wait3A_204 = arith.constant 0 : i32
    %dma_wait3A_205 = tpu.memref_slice %arg5[%dma_wait3A_203, %dma_wait3A_204] : memref<10000x128xf32, #tpu.memory_space<hbm>> -> memref<120x128xf32, #tpu.memory_space<hbm>>
    %dma_wait3A_206 = tpu.memref_slice %arg15[%dma_wait3A_198] : memref<3x!tpu.dma_semaphore, #tpu.memory_space<semaphore_mem>> -> memref<1x!tpu.dma_semaphore, #tpu.memory_space<semaphore_mem>>
    %dma_wait3A_207 = tpu.memref_squeeze %dma_wait3A_206 : memref<1x!tpu.dma_semaphore, #tpu.memory_space<semaphore_mem>> -> memref<!tpu.dma_semaphore, #tpu.memory_space<semaphore_mem>>
    %dma_wait3A_208 = arith.constant 0 : i32
    %dma_wait3A_209 = arith.constant 0 : i32
    %dma_wait3A_210 = tpu.memref_slice %arg11[%dma_wait3A_197, %dma_wait3A_208, %dma_wait3A_209] : memref<3x120x128xf32, #tpu.memory_space<vmem>> -> memref<1x120x128xf32, #tpu.memory_space<vmem>>
    %dma_wait3A_211 = tpu.memref_squeeze %dma_wait3A_210 : memref<1x120x128xf32, #tpu.memory_space<vmem>> -> memref<120x128xf32, #tpu.memory_space<vmem>>
    %dma_wait3A_212 = arith.constant 0 : i32
    %dma_wait3A_213 = arith.constant 0 : i32
    %dma_wait3A_214 = tpu.memref_slice %arg5[%dma_wait3A_212, %dma_wait3A_213] : memref<10000x128xf32, #tpu.memory_space<hbm>> -> memref<120x128xf32, #tpu.memory_space<hbm>>
    tpu.wait_dma2 semaphore(%dma_wait3A_207 : memref<!tpu.dma_semaphore, #tpu.memory_space<semaphore_mem>>) src(%dma_wait3A_214 : memref<120x128xf32, #tpu.memory_space<hbm>>) dst(%dma_wait3A_211 : memref<120x128xf32, #tpu.memory_space<vmem>>)
    %barrier3A_215 = arith.constant 0 : index
    tpu.barrier barrier_id(%barrier3A_215)
    %lt3A_216 = arith.constant 10 : i32
    %lt3A_217 = arith.cmpi slt, %arg1, %lt3A_216 : i32
    %convert_element_type3A_218 = arith.extui %lt3A_217 : i1 to i32
    %cond3A_219 = arith.constant 0 : i32
    %cond3A_220 = arith.cmpi ne, %convert_element_type3A_218, %cond3A_219 : i32
    scf.if %cond3A_220 {
      "tpu.region"() ({
        %run_scoped3A = tpu.sem_alloc : memref<!tpu.dma_semaphore, #tpu.memory_space<semaphore_mem>>
        %dma_start3A_221 = arith.constant 0 : i32
        %dma_start3A_222 = tpu.memref_slice %arg7[%arg0, %mul3A_2, %dma_start3A_221] : memref<2x10000x128xf32, #tpu.memory_space<hbm>> -> memref<1x1000x128xf32, #tpu.memory_space<hbm>>
        %dma_start3A_223 = tpu.memref_squeeze %dma_start3A_222 : memref<1x1000x128xf32, #tpu.memory_space<hbm>> -> memref<1000x128xf32, #tpu.memory_space<hbm>>
        %dma_start3A_224 = arith.constant 0 : i32
        %dma_start3A_225 = tpu.memref_slice %arg12[%mul3A_2, %dma_start3A_224] : memref<10000x128xf32, #tpu.memory_space<vmem_shared>> -> memref<1000x128xf32, #tpu.memory_space<vmem_shared>>
        tpu.enqueue_dma source(%dma_start3A_225 : memref<1000x128xf32, #tpu.memory_space<vmem_shared>>) target(%dma_start3A_223 : memref<1000x128xf32, #tpu.memory_space<hbm>>) target_semaphore(%run_scoped3A : memref<!tpu.dma_semaphore, #tpu.memory_space<semaphore_mem>>)
        %dma_wait3A_226 = arith.constant 0 : i32
        %dma_wait3A_227 = tpu.memref_slice %arg7[%arg0, %mul3A_2, %dma_wait3A_226] : memref<2x10000x128xf32, #tpu.memory_space<hbm>> -> memref<1x1000x128xf32, #tpu.memory_space<hbm>>
        %dma_wait3A_228 = tpu.memref_squeeze %dma_wait3A_227 : memref<1x1000x128xf32, #tpu.memory_space<hbm>> -> memref<1000x128xf32, #tpu.memory_space<hbm>>
        %dma_wait3A_229 = arith.constant 0 : i32
        %dma_wait3A_230 = tpu.memref_slice %arg12[%mul3A_2, %dma_wait3A_229] : memref<10000x128xf32, #tpu.memory_space<vmem_shared>> -> memref<1000x128xf32, #tpu.memory_space<vmem_shared>>
        tpu.wait_dma2 semaphore(%run_scoped3A : memref<!tpu.dma_semaphore, #tpu.memory_space<semaphore_mem>>) src(%dma_wait3A_230 : memref<1000x128xf32, #tpu.memory_space<vmem_shared>>) dst(%dma_wait3A_228 : memref<1000x128xf32, #tpu.memory_space<hbm>>)
        tpu.yield
      }) : () -> ()
    } else {
    }
    return
  }
}

module attributes {stable_mosaic.version = 14 : i64} {
  func.func @mm_body(%arg0: i32, %arg1: memref<2000x128xf32, #tpu.memory_space<vmem>>, %arg2: memref<128x128xf32, #tpu.memory_space<vmem>>, %arg3: memref<2000x128xf32, #tpu.memory_space<vmem>>) attributes {dimension_semantics = [#tpu.dimension_semantics<arbitrary>], iteration_bounds = array<i64: 5>, scalar_prefetch = 0 : i64, scratch_operands = 0 : i64, tpu.core_type = #tpu.core_type<tc>, window_params = [{transform_indices = @transform_0, window_bounds = array<i64: 2000, 128>}, {pipeline_mode = #tpu.pipeline_mode<synchronous>, transform_indices = @transform_1, window_bounds = array<i64: 128, 128>}, {transform_indices = @transform_2, window_bounds = array<i64: 2000, 128>}]} {
    %get3A = arith.constant 0 : index
    %get3A_0 = arith.constant 0 : index
    %get3A_1 = vector.load %arg1[%get3A, %get3A_0] : memref<2000x128xf32, #tpu.memory_space<vmem>>, vector<2000x128xf32>
    %get3A_2 = arith.constant 0 : index
    %get3A_3 = arith.constant 0 : index
    %get3A_4 = vector.load %arg2[%get3A_2, %get3A_3] : memref<128x128xf32, #tpu.memory_space<vmem>>, vector<128x128xf32>
    %dot_general3A = arith.constant dense<0.000000e+00> : vector<2000x128xf32>
    %dot_general3A_5 = tpu.matmul %get3A_1, %get3A_4, %dot_general3A {dimension_numbers = #tpu.dot_dimension_numbers<[1], [0], [0], [1], [0, 0, 1, 1], [], []>, transpose_lhs_hint = false} : vector<2000x128xf32>, vector<128x128xf32>, vector<2000x128xf32> -> vector<2000x128xf32>
    %swap3A = arith.constant 0 : index
    %swap3A_6 = arith.constant 0 : index
    %swap3A_7 = vector.load %arg3[%swap3A, %swap3A_6] : memref<2000x128xf32, #tpu.memory_space<vmem>>, vector<2000x128xf32>
    tpu.vector_store %arg3[%swap3A, %swap3A_6], %dot_general3A_5 {strides = array<i32>} : memref<2000x128xf32, #tpu.memory_space<vmem>>, vector<2000x128xf32>,
    return
  }
  func.func @transform_0(%arg0: i32) -> (i32, i32) {
    %c0_i32 = arith.constant 0 : i32
    %c0_i32_0 = arith.constant 0 : i32
    return %arg0, %c0_i32 : i32, i32
  }
  func.func @transform_1(%arg0: i32) -> (i32, i32) {
    %c0_i32 = arith.constant 0 : i32
    %c0_i32_0 = arith.constant 0 : i32
    %c0_i32_1 = arith.constant 0 : i32
    return %c0_i32, %c0_i32_0 : i32, i32
  }
  func.func @transform_2(%arg0: i32) -> (i32, i32) {
    %c0_i32 = arith.constant 0 : i32
    %c0_i32_0 = arith.constant 0 : i32
    return %arg0, %c0_i32 : i32, i32
  }
}

module attributes {stable_mosaic.version = 14 : i64} {
  func.func @fin_body(%arg0: i32, %arg1: memref<2x2000x128xf32, #tpu.memory_space<vmem>>, %arg2: memref<1x128xf32, #tpu.memory_space<vmem>>, %arg3: memref<2000x128xf32, #tpu.memory_space<vmem>>) attributes {dimension_semantics = [#tpu.dimension_semantics<arbitrary>], iteration_bounds = array<i64: 5>, scalar_prefetch = 0 : i64, scratch_operands = 0 : i64, tpu.core_type = #tpu.core_type<tc>, window_params = [{transform_indices = @transform_0, window_bounds = array<i64: 2, 2000, 128>}, {pipeline_mode = #tpu.pipeline_mode<synchronous>, transform_indices = @transform_1, window_bounds = array<i64: 1, 128>}, {transform_indices = @transform_2, window_bounds = array<i64: 2000, 128>}]} {
    %get3A = arith.constant 0 : index
    %get3A_0 = arith.constant 0 : index
    %get3A_1 = arith.constant 0 : index
    %get3A_2 = vector.load %arg1[%get3A, %get3A_0, %get3A_1] : memref<2x2000x128xf32, #tpu.memory_space<vmem>>, vector<1x2000x128xf32>
    %get3A_3 = vector.shape_cast %get3A_2 : vector<1x2000x128xf32> to vector<2000x128xf32>
    %get3A_4 = arith.constant 1 : index
    %get3A_5 = arith.constant 0 : index
    %get3A_6 = arith.constant 0 : index
    %get3A_7 = vector.load %arg1[%get3A_4, %get3A_5, %get3A_6] : memref<2x2000x128xf32, #tpu.memory_space<vmem>>, vector<1x2000x128xf32>
    %get3A_8 = vector.shape_cast %get3A_7 : vector<1x2000x128xf32> to vector<2000x128xf32>
    %add3A = arith.addf %get3A_3, %get3A_8 : vector<2000x128xf32>
    %get3A_9 = arith.constant 0 : index
    %get3A_10 = arith.constant 0 : index
    %get3A_11 = vector.load %arg2[%get3A_9, %get3A_10] : memref<1x128xf32, #tpu.memory_space<vmem>>, vector<1x128xf32>
    %add3A_12 = vector.broadcast %get3A_11 : vector<1x128xf32> to vector<2000x128xf32>
    %add3A_13 = arith.addf %add3A, %add3A_12 : vector<2000x128xf32>
    %max3A = arith.constant 0.000000e+00 : f32
    %max3A_14 = vector.broadcast %max3A : f32 to vector<2000x128xf32>
    %max3A_15 = arith.maximumf %add3A_13, %max3A_14 : vector<2000x128xf32>
    %swap3A = arith.constant 0 : index
    %swap3A_16 = arith.constant 0 : index
    %swap3A_17 = vector.load %arg3[%swap3A, %swap3A_16] : memref<2000x128xf32, #tpu.memory_space<vmem>>, vector<2000x128xf32>
    tpu.vector_store %arg3[%swap3A, %swap3A_16], %max3A_15 {strides = array<i32>} : memref<2000x128xf32, #tpu.memory_space<vmem>>, vector<2000x128xf32>,
    return
  }
  func.func @transform_0(%arg0: i32) -> (i32, i32, i32) {
    %c0_i32 = arith.constant 0 : i32
    %c0_i32_0 = arith.constant 0 : i32
    %c0_i32_1 = arith.constant 0 : i32
    return %c0_i32, %arg0, %c0_i32_0 : i32, i32, i32
  }
  func.func @transform_1(%arg0: i32) -> (i32, i32) {
    %c0_i32 = arith.constant 0 : i32
    %c0_i32_0 = arith.constant 0 : i32
    %c0_i32_1 = arith.constant 0 : i32
    return %c0_i32, %c0_i32_0 : i32, i32
  }
  func.func @transform_2(%arg0: i32) -> (i32, i32) {
    %c0_i32 = arith.constant 0 : i32
    %c0_i32_0 = arith.constant 0 : i32
    return %arg0, %c0_i32 : i32, i32
  }
}

</mosaic_0001>

<sc_bundles>
// kernel: kernel.5.cloned.1.call-start
scs
__scs_entry_jumppad:
0x0: {  	(pc) =	sbr.rel $0x88, $3  }
0x1: {  	(tag) =	ssettag $0x0;
	lr =	simm.s32 $0x1  }
0x2: {  	[smem:$0x3F9C] =	sst lr;
	_ =	strace $0xD0000000  }
0x3: {  	_ = 	snop  }
0x4: {  	_ = 	snop  }
0x5: {  	_ = 	snop  }
0x6: {  	_ = 	snop  }
0x7: {  	_ = 	snop  }
__scs_overlays_trampoline_lowered:
0x8: {  	[smem:$0x3FAB] =	sst s0  }
0x9: {  	[smem:$0x3FAC] =	sst s1  }
0xa: {  	[smem:$0x3FAD] =	sst s2  }
0xb: {  	[smem:$0x3FAE] =	sst s3  }
0xc: {  	[smem:$0x3FAF] =	sst s4  }
0xd: {  	[smem:$0x3FB0] =	sst s5  }
0xe: {  	[smem:$0x3FB1] =	sst s6  }
0xf: {  	[smem:$0x3FB2] =	sst s7  }
0x10: {  	[smem:$0x3FB3] =	sst s8  }
0x11: {  	[smem:$0x3FB4] =	sst s9;
	s0 =	simm.s32 @!p0 $0x0  }
0x12: {  	s1 =	sld [smem:$0x3F9A];
	s0 =	simm.s32 @p0 $0x1  }
0x13: {  	[smem:$0x3FB5] =	sst s0;
	s0 =	simm.s32 @!p1 $0x0  }
0x14: {  	s2 =	sld [smem:$0x3F99];
	s0 =	simm.s32 @p1 $0x1  }
0x15: {  	[smem:$0x3FB6] =	sst s0;
	s0 =	simm.s32 @!p2 $0x0  }
0x16: {  	s3 =	sld [smem:$0x3FDB];
	s0 =	simm.s32 @p2 $0x1  }
0x17: {  	s4 =	simm.s32 $0x1BF5;
	[smem:$0x3FB8] =	sst s0  }
0x18: {  	s0 =	sld [smem:$0x3F9B];
	_ =	swait.ge [sflag:s4], $0x0  }
0x19: {  	s7 =	sld [smem:$0x3F9C]  }
0x1a: {  	s8 =	sadd.s32 $0xFFFFE003, lr  }
0x1b: {  	s9 =	sadd.s32 $0xFFFFFEF7, lr;
	s5 =	simm.s32 $0xFFFFFFFF;
	p2 =	slt.u32 s8, $0xFFFFF086  }
0x1c: {  	p1 =	slt.u32 s9, $0xF7A;
	s5 =	simm.s32 @!p2 $0x0  }
0x1d: {  	s5 =	simm.s32 @p1 $0x1;
	p0 =	seq.s32 s7, s2  }
0x1e: {  	s7 =	smul.u32 @!p0 $0xF7A, s2;
	p2 =	seq.s32 @!p0 s5, $0x0  }
0x1f: {  	s9 =	smul.u32 $0xF7A, s1;
	s8 =	simm.s32 @!p0 $0x1BF5;
	p2 =	por !p2, p0  }
0x20: {  	[sflag:s8] =	ssyncset.s32 @!p0 $0xFFFFF086;
	s6 =	sadd.s32 @!p0 s3, s7;
	s7 =	simm.s32 @!p0 $0x108  }
0x21: {  	s3 =	sadd.s32 s3, s9;
	s6 =	sadd.s32 @!p0 $0x88, s6;
	s7 =	simm.s32 @p2 $0x1082  }
0x22: {  	[simem:s7], [sflag:s8] =	dma.local @!p0 [hbm:s6], $0xF7A  }
0x23: {  	s9 =	sor.u32 $0xD0000000, s2;
	s6 =	simm.s32 $0x108;
	_ =	swait.ge @!p0 [sflag:s8], $0x0  }
0x24: {  	s3 =	sadd.s32 $0x88, s3;
	s6 =	simm.s32 @!p1 $0x1082;
	[sflag:s4] =	ssyncset.s32 $0xFFFFF086  }
0x25: {  	[simem:s6], [sflag:s4] =	dma.local [hbm:s3], $0xF7A  }
0x26: {  	[smem:$0x3F9C] =	sst s1;
	(tag) =	ssettag s2;
	_ =	strace s9  }
0x27: {  	s1 =	sld [smem:$0x3FAC]  }
0x28: {  	s2 =	sld [smem:$0x3FAD]  }
0x29: {  	s4 =	sld [smem:$0x3FAF]  }
0x2a: {  	p0 =	seq.s32 s5, $0x0;
	s5 =	sld [smem:$0x3FB0]  }
0x2b: {  	s6 =	sld [smem:$0x3FB1]  }
0x2c: {  	s7 =	sld [smem:$0x3FB2]  }
0x2d: {  	s3 =	simm.s32 $0x108;
	s8 =	sld [smem:$0x3FB3]  }
0x2e: {  	s3 =	simm.s32 @!p0 $0x1082;
	s9 =	sld [smem:$0x3FB4]  }
0x2f: {  	lr =	sadd.s32 s0, s3;
	s0 =	sld [smem:$0x3FAB]  }
0x30: {  	s3 =	sld [smem:$0x3FAE]  }
0x31: {  	[smem:$0x3FB7] =	sst s10  }
0x32: {  	s10 =	sld [smem:$0x3FB5];
	_ =	sdelay $0x3  }
0x33: {  	p0 =	seq.s32 s10, $0x1;
	s10 =	sld [smem:$0x3FB7];
	_ =	sdelay $0x3  }
0x34: {  	[smem:$0x3FB7] =	sst s10  }
0x35: {  	s10 =	sld [smem:$0x3FB6];
	_ =	sdelay $0x3  }
0x36: {  	p1 =	seq.s32 s10, $0x1;
	s10 =	sld [smem:$0x3FB7];
	_ =	sdelay $0x3  }
0x37: {  	[smem:$0x3FB7] =	sst s10  }
0x38: {  	s10 =	sld [smem:$0x3FB8]  }
0x39: {  	_ = 	snop;
	(pc) =	sbr.ind lr, $3  }
0x3a: {  	_ = 	snop  }
0x3b: {  	_ = 	snop  }
0x3c: {  	p2 =	seq.s32 s10, $0x1;
	s10 =	sld [smem:$0x3FB7]  }
0x3d: {  	_ =	shalt  }
0x3e: {  	_ =	shalt  }
0x3f: {  	_ =	shalt  }
0x40: {  	_ =	shalt  }
0x41: {  	_ =	shalt  }
0x42: {  	_ =	shalt  }
0x43: {  	_ =	shalt  }
0x44: {  	_ =	shalt  }
0x45: {  	_ =	shalt  }
0x46: {  	_ =	shalt  }
0x47: {  	_ =	shalt  }
0x48: {  	_ =	shalt  }
0x49: {  	_ =	shalt  }
0x4a: {  	_ =	shalt  }
0x4b: {  	_ =	shalt  }
0x4c: {  	_ =	shalt  }
0x4d: {  	_ =	shalt  }
0x4e: {  	_ =	shalt  }
0x4f: {  	_ =	shalt  }
0x50: {  	_ =	shalt  }
0x51: {  	_ =	shalt  }
0x52: {  	_ =	shalt  }
0x53: {  	_ =	shalt  }
0x54: {  	_ =	shalt  }
0x55: {  	_ =	shalt  }
0x56: {  	_ =	shalt  }
0x57: {  	_ =	shalt  }
0x58: {  	_ =	shalt  }
0x59: {  	_ =	shalt  }
0x5a: {  	_ =	shalt  }
0x5b: {  	_ =	shalt  }
0x5c: {  	_ =	shalt  }
0x5d: {  	_ =	shalt  }
0x5e: {  	_ =	shalt  }
0x5f: {  	_ =	shalt  }
0x60: {  	_ =	shalt  }
0x61: {  	_ =	shalt  }
0x62: {  	_ =	shalt  }
0x63: {  	_ =	shalt  }
0x64: {  	_ =	shalt  }
0x65: {  	_ =	shalt  }
0x66: {  	_ =	shalt  }
0x67: {  	_ =	shalt  }
0x68: {  	_ =	shalt  }
0x69: {  	_ =	shalt  }
0x6a: {  	_ =	shalt  }
0x6b: {  	_ =	shalt  }
0x6c: {  	_ =	shalt  }
0x6d: {  	_ =	shalt  }
0x6e: {  	_ =	shalt  }
0x6f: {  	_ =	shalt  }
0x70: {  	_ =	shalt  }
0x71: {  	_ =	shalt  }
0x72: {  	_ =	shalt  }
0x73: {  	_ =	shalt  }
0x74: {  	_ =	shalt  }
0x75: {  	_ =	shalt  }
0x76: {  	_ =	shalt  }
0x77: {  	_ =	shalt  }
0x78: {  	_ =	shalt  }
0x79: {  	_ =	shalt  }
0x7a: {  	_ =	shalt  }
0x7b: {  	_ =	shalt  }
0x7c: {  	_ =	shalt  }
0x7d: {  	_ =	shalt  }
0x7e: {  	_ =	shalt  }
0x7f: {  	_ =	shalt  }
0x80: {  	_ =	shalt  }
0x81: {  	_ =	shalt  }
0x82: {  	_ =	shalt  }
0x83: {  	_ =	shalt  }
0x84: {  	_ =	shalt  }
0x85: {  	_ =	shalt  }
0x86: {  	_ =	shalt  }
0x87: {  	_ =	shalt  }
.Lfunc_end0:
.L_simem_size_0:
called_computation_lowered:
.L_overlay_start_0:
0x88: {  	s2 =	sld [smem:$0x3FD9]  }
0x89: {  	s3 =	sld [smem:$0x3FFE];
	_ =	sdelay $0x1  }
0x8a: {  	s1 =	srdreg.scid  }
0x8b: {  	s0 =	sand.u32 $0x1, s1  }
0x8c: {  	s17 =	sshll.u32 s0, $0xA;
	s2 =	sadd.s32 s3, s2  }
0x8d: {  	s2 =	sadd.s32 s2, s17  }
0x8e: {  	[smem:$0x3FC3] =	sst s2  }
0x8f: {  	_ = 	snop  }
0x90: {  	s2 =	sld [smem:$0x3FD0];
	(tm) =	ssettm $0x1  }
0x91: {  	s18 =	sld [smem:$0x3FFB];
	_ =	sdelay $0x3  }
0x92: {  	_ =	strace s18  }
0x93: {  	s3 =	sld [smem:$0x3FFC];
	_ =	sdelay $0x3  }
0x94: {  	_ =	strace s3  }
0x95: {  	s3 =	sld [smem:$0x3FFD];
	_ =	sdelay $0x3  }
0x96: {  	_ =	strace s3  }
0x97: {  	_ =	strace $0x8FFFFFFF  }
0x98: {  	s19 =	sld [smem:$0x3FDB];
	_ =	sdelay $0x1  }
0x99: {  	s4 =	simm.s32 $_scs_section_size  }
0x9a: {  	s5 =	simm.s32 $_size__tile_overlayer_lowered;
	s6 =	simm.s32 $_tile_overlayer_lowered  }
0x9b: {  	s22 =	simm.s32 $0x1BFF;
	s21 =	sshll.u32 s6, $0x1;
	s3 =	sadd.s32 s4, s19  }
0x9c: {  	s7 =	simm.s32 $0x0;
	s20 =	sshll.u32 s5, $0x1;
	s5 =	sadd.s32 s21, s3  }
0x9d: {  	[timem:s7], [sflag:s22] =	dma.local [hbm:s5], s20  }
0x9e: {  	_ =	swait.ge [sflag:s22], s20  }
0x9f: {  	s4 =	ssub.s32 $0x0, s20;
	[sflag:s22] =	ssyncset.done $0x0  }
0xa0: {  	[sflag:s22] =	ssyncadd.s32 s4;
	_ =	sdelay $0x1  }
0xa1: {  	s23 =	simm.s32 $0x1B8B  }
0xa2: {  	_ =	swait.ge [sflag:s23], $0x1  }
0xa3: {  	[sflag:s23] =	ssyncset.done $0x0  }
0xa4: {  	s25 =	simm.s32 $0x1B8E;
	s24 =	sld [smem:$0x3FFE];
	[sflag:s23] =	ssyncadd.s32 $0xFFFFFFFF  }
0xa5: {  	s26 =	simm.s32 $execute0_lowered;
	[smem:$0x3FD2] =	sst s25  }
0xa6: {  	s5 =	sshll.u32 s26, $0x1;
	_ =	strace $0x80000046;
	[dreg:$0x1] =	wrdreg $0xFFFFFFFF  }
0xa7: {  	s28 =	simm.s32 $_size_execute0_lowered;
	s3 =	sadd.s32 s3, s5;
	[dreg:$0x0] =	wrdreg $0x0  }
0xa8: {  	s5 =	sshll.u32 s28, $0x1;
	[dreg:$0x2] =	wrdreg s3  }
0xa9: {  	[dreg:$0x3] =	wrdreg s5  }
0xaa: {  	[dreg:$0x4] =	wrdreg $0xC0  }
0xab: {  	_ =	task [dreg:s7], $0x5FFFF  }
0xac: {  	[dreg:$0x1] =	wrdreg $0xFFFFFFFF  }
0xad: {  	[dreg:$0x0] =	wrdreg $0x60  }
0xae: {  	[dreg:$0x2] =	wrdreg s24  }
0xaf: {  	[dreg:$0x3] =	wrdreg s2  }
0xb0: {  	[dreg:$0x4] =	wrdreg $0xC0000  }
0xb1: {  	[dreg:$0x5] =	wrdreg $0x9  }
0xb2: {  	_ =	task.clear_ibuf [dreg:s7], $0x6FFFF;
	_ =	strace $0x90000046  }
0xb3: {  	s29 =	simm.s32 $0x9;
	_ =	strace $0x80000048  }
0xb4: {  	_ =	swait.ge [sflag:s29], $0x1  }
0xb5: {  	[sflag:s29] =	ssyncadd.s32 $0xFFFFFFFF  }
0xb6: {  	_ =	strace $0x90000048  }
0xb7: {  	_ =	sfence  }
0xb8: {  	s30 =	sld [smem:$0x0];
	_ =	sdelay $0x2  }
0xb9: {  	s31 =	sshll.u32 s1, $0xD;
	s1 =	sshrl.u32 s1, $0x2  }
0xba: {  	s3 =	sand.u32 $0x4000, s31;
	s1 =	sadd.s32 s1, s30  }
0xbb: {  	s0 =	sor.u32 s3, s0;
	s1 =	sshll.u32 s1, $0x11  }
0xbc: {  	s0 =	sor.u32 s1, s0  }
0xbd: {  	s0 =	sadd.s32 $0x8F2B, s0  }
0xbe: {  	[sflag:s0] =	ssyncadd.remote.s32 $0x1  }
0xbf: {  	_ =	sfence.sel $0xFFFF  }
0xc0: {  	[dreg:$0x0] =	wrdreg $0xFFFFFFFF;
	(pc) =	sbr.abs _section_cstart, $3  }
0xc1: {  	[dreg:$0x1] =	wrdreg $0xFFFFFFFF  }
0xc2: {  	_ =	task.clear_ibuf [dreg:s7], $0x2FFFF;
	_ =	strace $0x9FFFFFFF  }
0xc3: {  	(tm) =	ssettm $0x7FFFFFFF  }
tec
execute0_lowered:
.L_overlay_start_1:
0x0: {  	(tag) =	ssettag $0x1  }
0x1: {  	s0 =	rddreg [dreg:$0x0]  }
0x2: {  	s1 =	rddreg [dreg:$0x1]  }
0x3: {  	s2 =	rddreg [dreg:$0x2];
	s4 =	simm.s32 $0x0;
	s3 =	srdreg.scid  }
0x4: {  	s11 =	stileid.u32;
	s28 =	simm.s32 $0x3;
	s29 =	simm.s32 $0x180  }
0x5: {  	s30 =	simm.s32 $0x580;
	s14 =	simm.s32 $0x8;
	s15 =	simm.s32 $0x280  }
0x6: {  	s16 =	simm.s32 $0x680;
	[smem:$0x7FF] =	sst s4;
	s8 =	smul.u32 $0x1F400, s11  }
0x7: {  	s3 =	sand.u32 $0x1, s3;
	s5 =	sadd.s32 $0x1D000, s0;
	s9 =	smul.u32 $0x3E80, s11  }
0x8: {  	s6 =	sadd.s32 $0xF000, s0;
	s7 =	sadd.s32 $0x1000, s0;
	s20 =	smul.u32 $0x7D000, s11  }
0x9: {  	p0 =	sgt.u32 s11, $0x9;
	_ =	strace $0x80000047;
	s10 =	sshll.u32 s3, $0x4  }
0xa: {  	s18 =	smul.u32 $0x138800, s3;
	s3 =	ssub.s32 $0x2, s3;
	s19 =	sor.u32 s11, s10  }
0xb: {  	s9 =	sadd.s32 s9, s0;
	s21 =	sshrl.u32 s3, $0x1;
	s22 =	sshrl.u32 s20, $0x2  }
0xc: {  	s10 =	simm.s32 $0x7;
	s20 =	simm.s32 $0x0;
	s4 =	sadd.s32 s8, s18  }
0xd: {  	s8 =	smul.u32 $0x3800, s19;
	s3 =	ssub.s32 s3, s21;
	s9 =	sadd.s32 $0x2B000, s9  }
0xe: {  	s18 =	simm.s32 $0x400;
	s19 =	simm.s32 $0x800;
	s21 =	simm.s32 $0x78  }
0xf: {  	s4 =	sshrl.u32 s4, $0x3;
	[dreg:$0x4] =	wrdreg s9;
	s31 =	smax.u32 s3, $0x1  }
0x10: {  	s3 =	simm.s32 $0x600;
	s0 =	sadd.s32 s4, s0;
	s23 =	sshrl.u32 s8, $0x3  }
0x11: {  	s4 =	sadd.s32 s22, s2;
	s12 =	sor.u32 $0x200, s8;
	s13 =	sor.u32 $0x400, s8  }
0x12: {  	s8 =	sshll.u32 @!p0 s11, $0x6;
	[dreg:$0x9] =	wrdreg s31;
	s24 =	sadd.s32 s5, s23  }
0x13: {  	s22 =	simm.s32 $0xC00;
	s25 =	sadd.s32 s6, s23;
	[dreg:$0x5] =	wrdreg s24  }
0x14: {  	s26 =	sadd.s32 s7, s23;
	s0 =	sadd.s32 $0x52200, s0;
	[dreg:$0x6] =	wrdreg s25  }
0x15: {  	s11 =	sor.u32 @!p0 $0x1C09, s8;
	s17 =	sshrl.u32 @!p0 s4, $0x3;
	[dreg:$0x7] =	wrdreg s26  }
0x16: {  	s23 =	simm.s32 $0x6;
	s8 =	simm.s32 $0x5;
	[dreg:$0x8] =	wrdreg s0  }
0x17: {  	s24 =	simm.s32 $0x4800;
	s26 =	simm.s32 $0x8400;
	[dreg:$0xa] =	wrdreg s11  }
0x18: {  	s0 =	simm.s32 $0x4;
	s25 =	simm.s32 $0x2;
	[dreg:$0xb] =	wrdreg s17  }
.LBB2_1:
0x19: {  	[dreg:$0xc] =	wrdreg s20  }
0x1a: {  	s4 =	rddreg [dreg:$0x4]  }
0x1b: {  	[spmem:s17], [sflag:s11] =	dma.local @!p0 [hbm:s4], $0x3E80  }
0x1c: {  	s4 =	simm.s32 @!p0 $0x9  }
0x1d: {  	_ =	swait.ge @!p0 [sflag:s4], $0x3E80  }
0x1e: {  	[sflag:s4] =	ssyncset.done @!p0 $0x0  }
0x1f: {  	[sflag:s4] =	ssyncadd.s32 @!p0 $0xFFFFC180  }
0x20: {  	[bflag:$0x0] =	sbarrier.arrive $0xFFFF  }
0x21: {  	s20 =	simm.s32 $0x0;
	s9 =	rddreg [dreg:$0x5]  }
0x22: {  	[tilespmem:s20], [sflag:$0x1] =	stream.linear.gather [hbm4b:s9+s20], $0x180, $0x38;
	[tilespmem:$0x1F880] =	vst v63  }
0x23: {  	s31 =	rddreg [dreg:$0x6]  }
0x24: {  	[tilespmem:s18], [sflag:$0x1] =	stream.linear.gather [hbm4b:s31+s20], $0x180, $0x38;
	[tilespmem:$0x1F880] =	vst v63  }
0x25: {  	s17 =	simm.s32 $0x1;
	s11 =	rddreg [dreg:$0x7]  }
0x26: {  	[tilespmem:s19], [sflag:$0x1] =	stream.linear.gather [hbm4b:s11+s20], $0x180, $0x38;
	[tilespmem:$0x1F880] =	vst v63  }
0x27: {  	_ =	swait.ge [sflag:s17], $0x180  }
0x28: {  	[sflag:s17] =	ssyncset.done $0x0  }
0x29: {  	[sflag:s17] =	ssyncadd.s32 $0xFFFFFE80  }
0x2a: {  	_ =	swait.ge [sflag:s17], $0x180  }
0x2b: {  	[sflag:s17] =	ssyncset.done $0x0  }
0x2c: {  	[sflag:s17] =	ssyncadd.s32 $0xFFFFFE80  }
0x2d: {  	_ =	swait.ge [sflag:s17], $0x180  }
0x2e: {  	[sflag:s17] =	ssyncset.done $0x0  }
0x2f: {  	[sflag:s17] =	ssyncadd.s32 $0xFFFFFE80  }
0x30: {  	[tilespmem:s22], [sflag:$0x3] =	stream.indirect.gather [hbm4b:s1+s21], $0x80, s20, s21, $0xb8;
	[tilespmem:$0x1F880] =	vst v63  }
0x31: {  	s20 =	simm.s32 $0x80  }
0x32: {  	[tilespmem:s24], [sflag:$0x4] =	stream.indirect.gather [hbm4b:s1+s21], $0x80, s20, s21, $0xb8;
	[tilespmem:$0x1F880] =	vst v63  }
0x33: {  	s31 =	simm.s32 $0x100;
	s20 =	simm.s32 $0x0  }
0x34: {  	[tilespmem:s26], [sflag:$0x5] =	stream.indirect.gather [hbm4b:s1+s21], $0x80, s31, s21, $0xb8;
	[tilespmem:$0x1F880] =	vst v63  }
.LBB2_2:
0x35: {  	p1 =	seq.s32 s20, $0x0;
	s9 =	simm.s32 $0x0  }
0x36: {  	s17 =	simm.s32 $0x2;
	s4 =	simm.s32 @!p1 $0x7;
	v0 =	vmov s9  }
0x37: {  	v1 =	vmov s17;
	_ =	swait.ge @!p1 [sflag:s4], $0x3C00;
	v0 =	vand.u32 $0xFFFFFFFC, v0  }
0x38: {  	s9 =	simm.s32 @!p1 $0x80;
	v1 =	vand.u32 $0xFFFFFFFE, v1;
	[sflag:s4] =	ssyncset.done @!p1 $0x0;
	v0 =	vbroadcast v0, $0x0  }
0x39: {  	s11 =	simm.s32 @!p1 $0x4800;
	v1 =	vbroadcast v1, $0x0;
	[sflag:s4] =	ssyncadd.s32 @!p1 $0xFFFFC400;
	s4 =	simm.s32 @!p1 $0x78  }
0x3a: {  	[tilespmem:s11], [sflag:$0x4] =	stream.indirect.gather @!p1 [hbm4b:s1+s4], $0x80, s9, s4, $0xb8;
	[tilespmem:$0x1F880] =	vst v63  }
0x3b: {  	_ =	swait.ge [sflag:s28], $0x3C00  }
0x3c: {  	[sflag:s28] =	ssyncset.done $0x0  }
0x3d: {  	[sflag:s28] =	ssyncadd.s32 $0xFFFFC400  }
0x3e: {  	v0 =	vld.idx.msk [tilespmem:v0+s19+$0x0], $0xffff  }
0x3f: {  	s17 =	simm.s32 $0xD00;
	v1 =	vld.idx.msk [tilespmem:v1+s19+$0x0], $0xffff  }
0x40: {  	s11 =	simm.s32 $0x1;
	v3 =	vld [tilespmem:s17+$0x70]  }
0x41: {  	v2 =	vmov s11;
	v4 =	vld [tilespmem:s17+$0xFFFFFF00]  }
0x42: {  	v2 =	vand.u32 $0xFFFFFFFD, v2;
	v5 =	vld [tilespmem:s17+$0xFFFFFF10]  }
0x43: {  	v2 =	vbroadcast v2, $0x0;
	v6 =	vld [tilespmem:s17+$0xFFFFFF20]  }
0x44: {  	v7 =	vld [tilespmem:s17+$0xFFFFFF30]  }
0x45: {  	v8 =	vld [tilespmem:s17+$0xFFFFFF40]  }
0x46: {  	v9 =	vld [tilespmem:s17+$0xFFFFFF50]  }
0x47: {  	v10 =	vld [tilespmem:s17+$0xFFFFFF60];
	v4 =	vmul.f32 v4, v0  }
0x48: {  	v12 =	vld [tilespmem:s17+$0x40];
	v3 =	vmul.f32 v3, v1  }
0x49: {  	v2 =	vld.idx.msk [tilespmem:v2+s19+$0x0], $0xffff;
	[tilespmem:s17+$0xFFFFFF00] =	vst v4;
	v4 =	vmul.f32 v5, v0  }
0x4a: {  	v5 =	vld [tilespmem:s17+$0xFFFFFF70];
	[tilespmem:s17+$0x70] =	vst v3;
	v3 =	vmul.f32 v6, v0  }
0x4b: {  	v6 =	vld [tilespmem:s17+$0xFFFFFF80];
	[tilespmem:s17+$0xFFFFFF10] =	vst v4;
	v4 =	vmul.f32 v7, v0  }
0x4c: {  	v7 =	vld [tilespmem:s17+$0xFFFFFF90];
	[tilespmem:s17+$0xFFFFFF20] =	vst v3;
	v3 =	vmul.f32 v8, v0  }
0x4d: {  	v8 =	vld [tilespmem:s17+$0xFFFFFFA0];
	[tilespmem:s17+$0xFFFFFF30] =	vst v4;
	v4 =	vmul.f32 v9, v0  }
0x4e: {  	v9 =	vld [tilespmem:s17+$0xFFFFFFB0];
	[tilespmem:s17+$0xFFFFFF40] =	vst v3;
	v3 =	vmul.f32 v10, v0  }
0x4f: {  	v10 =	vld [tilespmem:s17+$0xFFFFFFC0];
	v5 =	vmul.f32 v5, v0;
	[tilespmem:s17+$0xFFFFFF50] =	vst v4  }
0x50: {  	v4 =	vmul.f32 v6, v2;
	v6 =	vld [tilespmem:s17+$0xFFFFFFD0];
	[tilespmem:s17+$0xFFFFFF60] =	vst v3  }
0x51: {  	s9 =	simm.s32 $0x3;
	v3 =	vld [tilespmem:s17+$0xFFFFFFE0];
	v7 =	vmul.f32 v7, v2;
	[tilespmem:s17+$0xFFFFFF70] =	vst v5  }
0x52: {  	v11 =	vmov s9;
	v5 =	vld [tilespmem:s17+$0xFFFFFFF0];
	[tilespmem:s17+$0xFFFFFF80] =	vst v4;
	v4 =	vmul.f32 v8, v2  }
0x53: {  	v8 =	vld [tilespmem:s17+$0x0];
	[tilespmem:s17+$0xFFFFFF90] =	vst v7;
	v7 =	vmul.f32 v9, v2  }
0x54: {  	v9 =	vld [tilespmem:s17+$0x10];
	[tilespmem:s17+$0xFFFFFFA0] =	vst v4;
	v4 =	vmul.f32 v10, v2  }
0x55: {  	[tilespmem:s17+$0xFFFFFFB0] =	vst v7;
	v6 =	vmul.f32 v6, v2;
	v7 =	vld [tilespmem:s17+$0x20]  }
0x56: {  	v10 =	vld [tilespmem:s17+$0x30];
	v3 =	vmul.f32 v3, v2;
	[tilespmem:s17+$0xFFFFFFC0] =	vst v4  }
0x57: {  	v0 =	vld.idx.msk [tilespmem:v11+s19+$0x0], $0xffff;
	v2 =	vmul.f32 v5, v2;
	[tilespmem:s17+$0xFFFFFFD0] =	vst v6  }
0x58: {  	[tilespmem:s17+$0xFFFFFFE0] =	vst v3;
	v4 =	vmul.f32 v8, v1;
	v3 =	vld [tilespmem:s17+$0x50]  }
0x59: {  	s11 =	simm.s32 $0x4;
	[tilespmem:s17+$0xFFFFFFF0] =	vst v2;
	v5 =	vmul.f32 v9, v1;
	v2 =	vld [tilespmem:s17+$0x60]  }
0x5a: {  	s9 =	simm.s32 $0x7;
	v6 =	vmov s11;
	[tilespmem:s17+$0x0] =	vst v4;
	v8 =	vmul.f32 v7, v1;
	v7 =	vld [tilespmem:s17+$0x80]  }
0x5b: {  	s11 =	simm.s32 $0x5;
	v11 =	vand.u32 $0xFFFFFFFC, v6;
	v6 =	vld [tilespmem:s17+$0x90];
	v4 =	vmov s9;
	v9 =	vmul.f32 v10, v1;
	[tilespmem:s17+$0x10] =	vst v5  }
0x5c: {  	s31 =	simm.s32 $0x6;
	s4 =	simm.s32 $0xD00;
	s9 =	simm.s32 $0x8;
	v10 =	vmul.f32 v12, v1;
	v5 =	vbroadcast v11, $0x0;
	v11 =	vmov s11;
	[tilespmem:s17+$0x20] =	vst v8;
	v8 =	vld [tilespmem:s17+$0xA0]  }
.LBB2_3:
0x5d: {  	p2 =	slt.u32 s9, $0x74;
	v11 =	vand.u32 $0xFFFFFFFD, v11;
	v12 =	vmov s31;
	[tilespmem:s17+$0x30] =	vst v9;
	v3 =	vmul.f32 v3, v1;
	v9 =	vld [tilespmem:s17+$0xB0]  }
0x5e: {  	v11 =	vbroadcast v11, $0x0;
	v12 =	vand.u32 $0xFFFFFFFE, v12;
	[tilespmem:s17+$0x40] =	vst v10;
	v1 =	vmul.f32 v2, v1;
	v2 =	vld [tilespmem:s17+$0xC0]  }
0x5f: {  	v10 =	vbroadcast v12, $0x0;
	[tilespmem:s17+$0x50] =	vst v3;
	v3 =	vmul.f32 v7, v0;
	v7 =	vld [tilespmem:s17+$0xD0]  }
0x60: {  	[tilespmem:s17+$0x60] =	vst v1;
	v1 =	vmul.f32 v6, v0;
	v6 =	vld [tilespmem:s17+$0xE0]  }
0x61: {  	[tilespmem:s17+$0x80] =	vst v3;
	v3 =	vmul.f32 v8, v0;
	v8 =	vld [tilespmem:s17+$0xF0]  }
0x62: {  	v4 =	vld.idx.msk [tilespmem:v4+s19+$0x0], $0xffff;
	[tilespmem:s17+$0x90] =	vst v1;
	v1 =	vmul.f32 v9, v0  }
0x63: {  	v5 =	vld.idx.msk [tilespmem:v5+s19+$0x0], $0xffff;
	[tilespmem:s17+$0xA0] =	vst v3;
	v2 =	vmul.f32 v2, v0  }
0x64: {  	v3 =	vld.idx.msk [tilespmem:v11+s19+$0x0], $0xffff;
	[tilespmem:s17+$0xB0] =	vst v1;
	v7 =	vmul.f32 v7, v0  }
0x65: {  	s17 =	sadd.s32 $0x200, s17;
	v1 =	vld.idx.msk [tilespmem:v10+s19+$0x0], $0xffff;
	[tilespmem:s4+$0xC0] =	vst v2;
	v2 =	vmul.f32 v6, v0  }
0x66: {  	v6 =	vld [tilespmem:s17+$0x70];
	[tilespmem:s4+$0xD0] =	vst v7;
	v8 =	vmul.f32 v8, v0  }
0x67: {  	v7 =	vld [tilespmem:s17+$0xFFFFFF00];
	[tilespmem:s4+$0xE0] =	vst v2  }
0x68: {  	v0 =	vmov v4;
	v2 =	vld [tilespmem:s17+$0xFFFFFF10];
	[tilespmem:s4+$0xF0] =	vst v8;
	s4 =	smov.u32 s17  }
0x69: {  	v4 =	vld [tilespmem:s17+$0xFFFFFF20]  }
0x6a: {  	v8 =	vld [tilespmem:s17+$0xFFFFFF30]  }
0x6b: {  	v9 =	vld [tilespmem:s17+$0xFFFFFF40];
	v6 =	vmul.f32 v6, v1  }
0x6c: {  	v7 =	vmul.f32 v7, v5;
	v10 =	vld [tilespmem:s17+$0xFFFFFF50]  }
0x6d: {  	v2 =	vmul.f32 v2, v5;
	v11 =	vld [tilespmem:s17+$0xFFFFFF60];
	[tilespmem:s17+$0x70] =	vst v6  }
0x6e: {  	[tilespmem:s17+$0xFFFFFF00] =	vst v7;
	v4 =	vmul.f32 v4, v5;
	v6 =	vld [tilespmem:s17+$0xFFFFFF70]  }
0x6f: {  	[tilespmem:s17+$0xFFFFFF10] =	vst v2;
	v2 =	vmul.f32 v8, v5;
	v7 =	vld [tilespmem:s17+$0xFFFFFF80]  }
0x70: {  	[tilespmem:s17+$0xFFFFFF20] =	vst v4;
	v4 =	vmul.f32 v9, v5;
	v8 =	vld [tilespmem:s17+$0xFFFFFF90]  }
0x71: {  	[tilespmem:s17+$0xFFFFFF30] =	vst v2;
	v2 =	vmul.f32 v10, v5;
	v9 =	vld [tilespmem:s17+$0xFFFFFFA0]  }
0x72: {  	[tilespmem:s17+$0xFFFFFF40] =	vst v4;
	v4 =	vmul.f32 v11, v5;
	v10 =	vld [tilespmem:s17+$0xFFFFFFB0]  }
0x73: {  	[tilespmem:s17+$0xFFFFFF50] =	vst v2;
	v2 =	vmul.f32 v6, v5;
	v5 =	vld [tilespmem:s17+$0xFFFFFFC0]  }
0x74: {  	[tilespmem:s17+$0xFFFFFF60] =	vst v4;
	v4 =	vmul.f32 v7, v3;
	v6 =	vld [tilespmem:s17+$0xFFFFFFD0]  }
0x75: {  	[tilespmem:s17+$0xFFFFFF70] =	vst v2;
	v2 =	vmul.f32 v8, v3;
	v7 =	vld [tilespmem:s17+$0xFFFFFFE0]  }
0x76: {  	[tilespmem:s17+$0xFFFFFF80] =	vst v4;
	v4 =	vmul.f32 v9, v3;
	v8 =	vld [tilespmem:s17+$0xFFFFFFF0]  }
0x77: {  	[tilespmem:s17+$0xFFFFFF90] =	vst v2;
	v2 =	vmul.f32 v10, v3;
	v9 =	vld [tilespmem:s17+$0x0]  }
0x78: {  	[tilespmem:s17+$0xFFFFFFA0] =	vst v4;
	v4 =	vmul.f32 v5, v3;
	v5 =	vld [tilespmem:s17+$0x10]  }
0x79: {  	[tilespmem:s17+$0xFFFFFFB0] =	vst v2;
	v2 =	vmul.f32 v6, v3;
	v6 =	vld [tilespmem:s17+$0x20]  }
0x7a: {  	[tilespmem:s17+$0xFFFFFFC0] =	vst v4;
	v4 =	vmul.f32 v7, v3;
	v10 =	vld [tilespmem:s17+$0x30]  }
0x7b: {  	[tilespmem:s17+$0xFFFFFFD0] =	vst v2;
	v2 =	vmul.f32 v8, v3;
	v8 =	vld [tilespmem:s17+$0x40]  }
.Ltmp0:
0x7c: {  	[tilespmem:s17+$0xFFFFFFE0] =	vst v4;
	v4 =	vmul.f32 v9, v1;
	v3 =	vld [tilespmem:s17+$0x50];
	(pc) =	sbr.rel @p2 .LBB2_3-.Ltmp0, $4  }
0x7d: {  	[tilespmem:s17+$0xFFFFFFF0] =	vst v2;
	v5 =	vmul.f32 v5, v1;
	v2 =	vld [tilespmem:s17+$0x60]  }
0x7e: {  	s11 =	sadd.s32 $0x3, s9;
	v9 =	vmov s9;
	[tilespmem:s17+$0x0] =	vst v4;
	v12 =	vmul.f32 v6, v1;
	v7 =	vld [tilespmem:s17+$0x80]  }
0x7f: {  	s31 =	sadd.s32 $0x1, s9;
	v11 =	vand.u32 $0xFFFFFFFC, v9;
	v4 =	vmov s11;
	[tilespmem:s17+$0x10] =	vst v5;
	v9 =	vmul.f32 v10, v1;
	v6 =	vld [tilespmem:s17+$0x90]  }
0x80: {  	v5 =	vbroadcast v11, $0x0;
	v11 =	vmov s31;
	s31 =	sadd.s32 $0x2, s9;
	s9 =	sadd.s32 $0x4, s9;
	[tilespmem:s17+$0x20] =	vst v12;
	v10 =	vmul.f32 v8, v1;
	v8 =	vld [tilespmem:s17+$0xA0]  }
0x81: {  	v12 =	vld [tilespmem:s17+$0xB0]  }
0x82: {  	v14 =	vld [tilespmem:s17+$0xC0]  }
0x83: {  	v13 =	vmov s31;
	v15 =	vld [tilespmem:s17+$0xD0]  }
0x84: {  	v16 =	vld [tilespmem:s17+$0xE0];
	[tilespmem:s17+$0x30] =	vst v9;
	v3 =	vmul.f32 v3, v1;
	v13 =	vand.u32 $0xFFFFFFFE, v13  }
0x85: {  	v11 =	vand.u32 $0xFFFFFFFD, v11;
	v4 =	vld.idx.msk [tilespmem:v4+s19+$0x0], $0xffff;
	[tilespmem:s17+$0x40] =	vst v10;
	v1 =	vmul.f32 v2, v1;
	v13 =	vbroadcast v13, $0x0  }
0x86: {  	s9 =	sadd.s32 $0x200, s17;
	v11 =	vbroadcast v11, $0x0;
	v2 =	vld.idx.msk [tilespmem:v5+s19+$0x0], $0xffff;
	v7 =	vmul.f32 v7, v0;
	[tilespmem:s17+$0x50] =	vst v3  }
0x87: {  	v9 =	vld [tilespmem:s9+$0xFFFFFF00];
	v3 =	vmul.f32 v6, v0;
	[tilespmem:s17+$0x60] =	vst v1  }
0x88: {  	[tilespmem:s17+$0x80] =	vst v7;
	v7 =	vld [tilespmem:s17+$0xF0];
	v1 =	vmul.f32 v8, v0  }
0x89: {  	v10 =	vld [tilespmem:s9+$0xFFFFFF10];
	[tilespmem:s17+$0x90] =	vst v3;
	v3 =	vmul.f32 v12, v0  }
0x8a: {  	v8 =	vld [tilespmem:s9+$0x70];
	[tilespmem:s17+$0xA0] =	vst v1;
	v1 =	vmul.f32 v14, v0  }
0x8b: {  	[tilespmem:s17+$0xB0] =	vst v3;
	v3 =	vmul.f32 v15, v0;
	v6 =	vld.idx.msk [tilespmem:v13+s19+$0x0], $0xffff  }
0x8c: {  	v5 =	vld.idx.msk [tilespmem:v11+s19+$0x0], $0xffff;
	[tilespmem:s4+$0xC0] =	vst v1;
	v1 =	vmul.f32 v16, v0  }
0x8d: {  	v11 =	vld [tilespmem:s9+$0xFFFFFF20];
	[tilespmem:s4+$0xD0] =	vst v3;
	v0 =	vmul.f32 v7, v0  }
0x8e: {  	v3 =	vld [tilespmem:s9+$0xFFFFFF30];
	[tilespmem:s4+$0xE0] =	vst v1  }
0x8f: {  	v1 =	vld [tilespmem:s9+$0xFFFFFF40];
	[tilespmem:s4+$0xF0] =	vst v0;
	v0 =	vmul.f32 v9, v2  }
0x90: {  	v7 =	vmul.f32 v8, v6;
	v8 =	vld [tilespmem:s9+$0xFFFFFF50]  }
0x91: {  	v9 =	vmul.f32 v10, v2;
	v10 =	vld [tilespmem:s9+$0xFFFFFF60];
	[tilespmem:s9+$0xFFFFFF00] =	vst v0  }
0x92: {  	v0 =	vmul.f32 v11, v2;
	[tilespmem:s9+$0x70] =	vst v7;
	v7 =	vld [tilespmem:s9+$0xFFFFFF70]  }
0x93: {  	[tilespmem:s9+$0xFFFFFF10] =	vst v9;
	v9 =	vld [tilespmem:s9+$0xFFFFFF80];
	v3 =	vmul.f32 v3, v2  }
0x94: {  	[tilespmem:s9+$0xFFFFFF20] =	vst v0;
	v0 =	vmul.f32 v1, v2;
	v1 =	vld [tilespmem:s9+$0xFFFFFF90]  }
0x95: {  	[tilespmem:s9+$0xFFFFFF30] =	vst v3;
	v3 =	vmul.f32 v8, v2;
	v8 =	vld [tilespmem:s9+$0xFFFFFFA0]  }
0x96: {  	[tilespmem:s9+$0xFFFFFF40] =	vst v0;
	v0 =	vmul.f32 v10, v2;
	v10 =	vld [tilespmem:s9+$0xFFFFFFB0]  }
0x97: {  	[tilespmem:s9+$0xFFFFFF50] =	vst v3;
	v2 =	vmul.f32 v7, v2;
	v3 =	vld [tilespmem:s9+$0xFFFFFFC0]  }
0x98: {  	[tilespmem:s9+$0xFFFFFF60] =	vst v0;
	v0 =	vmul.f32 v9, v5;
	v7 =	vld [tilespmem:s9+$0xFFFFFFD0]  }
0x99: {  	v1 =	vmul.f32 v1, v5;
	[tilespmem:s9+$0xFFFFFF70] =	vst v2;
	v2 =	vld [tilespmem:s9+$0xFFFFFFE0]  }
0x9a: {  	[tilespmem:s9+$0xFFFFFF80] =	vst v0;
	v0 =	vmul.f32 v8, v5;
	v8 =	vld [tilespmem:s9+$0xFFFFFFF0]  }
0x9b: {  	v9 =	vld [tilespmem:s9+$0x0];
	[tilespmem:s9+$0xFFFFFF90] =	vst v1;
	v1 =	vmul.f32 v10, v5  }
0x9c: {  	[tilespmem:s9+$0xFFFFFFA0] =	vst v0;
	v0 =	vmul.f32 v3, v5;
	v3 =	vld [tilespmem:s9+$0x10]  }
0x9d: {  	[tilespmem:s9+$0xFFFFFFB0] =	vst v1;
	v1 =	vmul.f32 v7, v5;
	v7 =	vld [tilespmem:s9+$0x20]  }
0x9e: {  	[tilespmem:s9+$0xFFFFFFC0] =	vst v0;
	v0 =	vmul.f32 v2, v5;
	v2 =	vld [tilespmem:s9+$0x30]  }
0x9f: {  	[tilespmem:s9+$0xFFFFFFD0] =	vst v1;
	v1 =	vmul.f32 v8, v5;
	v5 =	vld [tilespmem:s9+$0x40]  }
0xa0: {  	v8 =	vld [tilespmem:s9+$0x50];
	[tilespmem:s9+$0xFFFFFFE0] =	vst v0;
	v0 =	vmul.f32 v9, v6  }
0xa1: {  	[tilespmem:s9+$0xFFFFFFF0] =	vst v1;
	v1 =	vmul.f32 v3, v6;
	v3 =	vld [tilespmem:s9+$0x60]  }
0xa2: {  	[tilespmem:s9+$0x0] =	vst v0;
	v0 =	vmul.f32 v7, v6;
	v7 =	vld [tilespmem:s9+$0x80]  }
0xa3: {  	[tilespmem:s9+$0x10] =	vst v1;
	v1 =	vmul.f32 v2, v6;
	v2 =	vld [tilespmem:s9+$0x90]  }
0xa4: {  	[tilespmem:s9+$0x20] =	vst v0;
	v0 =	vmul.f32 v5, v6;
	v5 =	vld [tilespmem:s9+$0xA0]  }
0xa5: {  	[tilespmem:s9+$0x30] =	vst v1;
	v1 =	vmul.f32 v8, v6;
	v8 =	vld [tilespmem:s9+$0xB0]  }
0xa6: {  	[tilespmem:s9+$0x40] =	vst v0;
	v0 =	vmul.f32 v3, v6;
	v3 =	vld [tilespmem:s9+$0xC0]  }
0xa7: {  	v6 =	vld [tilespmem:s9+$0xD0];
	[tilespmem:s9+$0x50] =	vst v1;
	v1 =	vmul.f32 v7, v4  }
0xa8: {  	[tilespmem:s9+$0x60] =	vst v0;
	v0 =	vmul.f32 v2, v4;
	v2 =	vld [tilespmem:s9+$0xE0]  }
0xa9: {  	[tilespmem:s9+$0x80] =	vst v1;
	v1 =	vmul.f32 v5, v4;
	v5 =	vld [tilespmem:s9+$0xF0]  }
0xaa: {  	[tilespmem:s9+$0x90] =	vst v0;
	v0 =	vmul.f32 v8, v4  }
0xab: {  	[tilespmem:s9+$0xA0] =	vst v1;
	v1 =	vmul.f32 v3, v4  }
0xac: {  	[tilespmem:s9+$0xB0] =	vst v0;
	v0 =	vmul.f32 v6, v4  }
0xad: {  	[tilespmem:s9+$0xC0] =	vst v1;
	v1 =	vmul.f32 v2, v4  }
0xae: {  	[tilespmem:s9+$0xD0] =	vst v0;
	v0 =	vmul.f32 v5, v4  }
0xaf: {  	[tilespmem:s9+$0xE0] =	vst v1  }
0xb0: {  	s4 =	simm.s32 @!p1 $0x8;
	[tilespmem:s9+$0xF0] =	vst v0  }
0xb1: {  	[spmem:s2] =	stream.indirect.scatter.add.f32 [tilespmem:s22], [sflag:$0x6], $0x80, s18, s21, $0xb8;
	[tilespmem:$0x1F880] =	vst v63  }
0xb2: {  	_ =	swait.ge @!p1 [sflag:s4], $0x3C00  }
0xb3: {  	s11 =	simm.s32 @!p1 $0x8400;
	s17 =	sshll.u32 s20, $0xA;
	[sflag:s4] =	ssyncset.done @!p1 $0x0  }
0xb4: {  	s9 =	simm.s32 @!p1 $0x100;
	[sflag:s4] =	ssyncadd.s32 @!p1 $0xFFFFC400;
	s4 =	simm.s32 @!p1 $0x78  }
0xb5: {  	[tilespmem:s11], [sflag:$0x5] =	stream.indirect.gather @!p1 [hbm4b:s1+s4], $0x80, s9, s4, $0xb8;
	[tilespmem:$0x1F880] =	vst v63  }
0xb6: {  	s9 =	sadd.s32 s17, s12  }
0xb7: {  	s4 =	sshrl.u32 s9, $0x3;
	s9 =	simm.s32 $0x0  }
0xb8: {  	s31 =	simm.s32 $0x3;
	s11 =	sadd.s32 s5, s4;
	v0 =	vmov s9  }
0xb9: {  	v1 =	vmov s31;
	[tilespmem:s29], [sflag:$0x2] =	stream.linear.gather [hbm4b:s11+s9], $0x180, $0x38;
	v0 =	vand.u32 $0x7C, v0;
	[tilespmem:$0x1F880] =	vst v63  }
0xba: {  	v1 =	vand.u32 $0x7F, v1;
	s11 =	sadd.s32 s6, s4;
	v0 =	vor.u32 $0x80, v0  }
0xbb: {  	v1 =	vor.u32 $0x80, v1;
	[tilespmem:s30], [sflag:$0x2] =	stream.linear.gather [hbm4b:s11+s9], $0x180, $0x38;
	v0 =	vbroadcast v0, $0x0;
	[tilespmem:$0x1F880] =	vst v63  }
0xbc: {  	v1 =	vbroadcast v1, $0x0;
	s4 =	sadd.s32 s7, s4;
	s11 =	simm.s32 $0x980  }
0xbd: {  	[tilespmem:s11], [sflag:$0x2] =	stream.linear.gather [hbm4b:s4+s9], $0x180, $0x38;
	[tilespmem:$0x1F880] =	vst v63  }
0xbe: {  	_ =	swait.ge [sflag:s0], $0x3C00  }
0xbf: {  	[sflag:s0] =	ssyncset.done $0x0  }
0xc0: {  	[sflag:s0] =	ssyncadd.s32 $0xFFFFC400  }
0xc1: {  	s11 =	simm.s32 $0x1;
	v2 =	vld.idx.msk [tilespmem:v0+s19+$0x0], $0xffff  }
0xc2: {  	s31 =	simm.s32 $0x49F0;
	v3 =	vmov s11;
	v0 =	vld.idx.msk [tilespmem:v1+s19+$0x0], $0xffff  }
0xc3: {  	v1 =	vand.u32 $0x7D, v3;
	v3 =	vld [tilespmem:s31+$0x0]  }
0xc4: {  	v4 =	vld [tilespmem:s31+$0xFFFFFE10]  }
0xc5: {  	v5 =	vld [tilespmem:s31+$0xFFFFFE20]  }
0xc6: {  	v6 =	vld [tilespmem:s31+$0xFFFFFE30];
	v1 =	vor.u32 $0x80, v1  }
0xc7: {  	v7 =	vld [tilespmem:s31+$0xFFFFFE40];
	v1 =	vbroadcast v1, $0x0  }
0xc8: {  	v8 =	vld [tilespmem:s31+$0xFFFFFE50]  }
0xc9: {  	v9 =	vld [tilespmem:s31+$0xFFFFFE60];
	v4 =	vmul.f32 v4, v2  }
0xca: {  	v10 =	vld [tilespmem:s31+$0xFFFFFE70];
	v3 =	vmul.f32 v3, v0  }
0xcb: {  	[tilespmem:s31+$0xFFFFFE10] =	vst v4;
	v4 =	vld [tilespmem:s31+$0xFFFFFE80]  }
0xcc: {  	s9 =	simm.s32 $0x2;
	v5 =	vmul.f32 v5, v2;
	[tilespmem:s31+$0x0] =	vst v3;
	v3 =	vmul.f32 v6, v2;
	v6 =	vld [tilespmem:s31+$0xFFFFFEA0]  }
0xcd: {  	v11 =	vmov s9;
	v62 =	vld.idx.msk [tilespmem:v1+s19+$0x0], $0xffff  }
0xce: {  	[tilespmem:s31+$0xFFFFFE20] =	vst v5;
	v5 =	vmul.f32 v7, v2;
	v1 =	vand.u32 $0x7E, v11;
	v11 =	vld [tilespmem:s31+$0xFFFFFE90]  }
0xcf: {  	v10 =	vmul.f32 v10, v2;
	v7 =	vld [tilespmem:s31+$0xFFFFFEB0];
	v1 =	vor.u32 $0x80, v1;
	[tilespmem:s31+$0xFFFFFE30] =	vst v3;
	v3 =	vmul.f32 v8, v2  }
0xd0: {  	v8 =	vld [tilespmem:s31+$0xFFFFFEC0];
	[tilespmem:s31+$0xFFFFFE40] =	vst v5;
	v5 =	vmul.f32 v9, v2;
	v1 =	vbroadcast v1, $0x0  }
0xd1: {  	[tilespmem:s31+$0xFFFFFE70] =	vst v10;
	v9 =	vld [tilespmem:s31+$0xFFFFFED0]  }
0xd2: {  	[tilespmem:s31+$0xFFFFFE60] =	vst v5;
	v5 =	vld [tilespmem:s31+$0xFFFFFEF0];
	v2 =	vmul.f32 v4, v2  }
0xd3: {  	[tilespmem:s31+$0xFFFFFE50] =	vst v3;
	v4 =	vld [tilespmem:s31+$0xFFFFFF00];
	v3 =	vmul.f32 v11, v62  }
0xd4: {  	v11 =	vld [tilespmem:s31+$0xFFFFFEE0];
	[tilespmem:s31+$0xFFFFFE80] =	vst v2;
	v2 =	vmul.f32 v7, v62  }
0xd5: {  	[tilespmem:s31+$0xFFFFFE90] =	vst v3;
	v3 =	vmul.f32 v6, v62;
	v6 =	vld [tilespmem:s31+$0xFFFFFF10]  }
0xd6: {  	v1 =	vld.idx.msk [tilespmem:v1+s19+$0x0], $0xffff;
	[tilespmem:s31+$0xFFFFFEB0] =	vst v2;
	v2 =	vmul.f32 v9, v62  }
0xd7: {  	v7 =	vld [tilespmem:s31+$0xFFFFFF20];
	[tilespmem:s31+$0xFFFFFEA0] =	vst v3;
	v3 =	vmul.f32 v8, v62  }
0xd8: {  	v5 =	vmul.f32 v5, v62;
	v8 =	vld [tilespmem:s31+$0xFFFFFF30];
	[tilespmem:s31+$0xFFFFFED0] =	vst v2  }
0xd9: {  	s11 =	simm.s32 $0x4;
	v9 =	vld [tilespmem:s31+$0xFFFFFF40];
	[tilespmem:s31+$0xFFFFFEC0] =	vst v3;
	v3 =	vmul.f32 v11, v62  }
0xda: {  	s9 =	simm.s32 $0x5;
	v10 =	vmov s11;
	v2 =	vld [tilespmem:s31+$0xFFFFFF50];
	[tilespmem:s31+$0xFFFFFEF0] =	vst v5;
	v11 =	vmul.f32 v4, v62  }
0xdb: {  	v63 =	vmov s9;
	s11 =	simm.s32 $0x6;
	v10 =	vand.u32 $0x7C, v10;
	[tilespmem:s31+$0xFFFFFEE0] =	vst v3;
	v6 =	vmul.f32 v6, v1;
	v3 =	vld [tilespmem:s31+$0xFFFFFF60]  }
0xdc: {  	v5 =	vor.u32 $0x80, v10;
	v10 =	vmov s11;
	v4 =	vld [tilespmem:s31+$0xFFFFFF70];
	v7 =	vmul.f32 v7, v1;
	[tilespmem:s31+$0xFFFFFF00] =	vst v11  }
0xdd: {  	v10 =	vand.u32 $0x7E, v10;
	v11 =	vand.u32 $0x7D, v63;
	v8 =	vmul.f32 v8, v1;
	[tilespmem:s31+$0xFFFFFF10] =	vst v6;
	v6 =	vld [tilespmem:s31+$0xFFFFFF80]  }
0xde: {  	s4 =	simm.s32 $0x49F0;
	s9 =	simm.s32 $0x8;
	s11 =	simm.s32 $0x7;
	v5 =	vbroadcast v5, $0x0;
	v9 =	vmul.f32 v9, v1;
	v11 =	vor.u32 $0x80, v11;
	[tilespmem:s31+$0xFFFFFF20] =	vst v7;
	v7 =	vld [tilespmem:s31+$0xFFFFFF90]  }
.LBB2_5:
0xdf: {  	p1 =	slt.u32 s9, $0x74;
	v10 =	vor.u32 $0x80, v10;
	v12 =	vmov s11;
	[tilespmem:s31+$0xFFFFFF30] =	vst v8;
	v2 =	vmul.f32 v2, v1;
	v8 =	vld [tilespmem:s31+$0xFFFFFFA0]  }
0xe0: {  	v11 =	vbroadcast v11, $0x0;
	v12 =	vand.u32 $0x7F, v12;
	[tilespmem:s31+$0xFFFFFF40] =	vst v9;
	v3 =	vmul.f32 v3, v1;
	v9 =	vld [tilespmem:s31+$0xFFFFFFB0]  }
0xe1: {  	v10 =	vbroadcast v10, $0x0;
	v12 =	vor.u32 $0x80, v12;
	[tilespmem:s31+$0xFFFFFF50] =	vst v2;
	v2 =	vmul.f32 v4, v1;
	v4 =	vld [tilespmem:s31+$0xFFFFFFC0]  }
0xe2: {  	v12 =	vbroadcast v12, $0x0;
	[tilespmem:s31+$0xFFFFFF60] =	vst v3;
	v1 =	vmul.f32 v6, v1;
	v3 =	vld [tilespmem:s31+$0xFFFFFFD0]  }
0xe3: {  	[tilespmem:s31+$0xFFFFFF70] =	vst v2;
	v2 =	vmul.f32 v7, v0;
	v6 =	vld [tilespmem:s31+$0xFFFFFFE0]  }
0xe4: {  	[tilespmem:s31+$0xFFFFFF80] =	vst v1;
	v1 =	vmul.f32 v8, v0;
	v7 =	vld [tilespmem:s31+$0xFFFFFFF0]  }
0xe5: {  	v5 =	vld.idx.msk [tilespmem:v5+s19+$0x0], $0xffff;
	[tilespmem:s31+$0xFFFFFF90] =	vst v2;
	v2 =	vmul.f32 v9, v0  }
0xe6: {  	v8 =	vld.idx.msk [tilespmem:v11+s19+$0x0], $0xffff;
	[tilespmem:s31+$0xFFFFFFA0] =	vst v1;
	v4 =	vmul.f32 v4, v0  }
0xe7: {  	v1 =	vld.idx.msk [tilespmem:v10+s19+$0x0], $0xffff;
	[tilespmem:s31+$0xFFFFFFB0] =	vst v2;
	v2 =	vmul.f32 v3, v0  }
0xe8: {  	s31 =	sadd.s32 $0x200, s31;
	v3 =	vld.idx.msk [tilespmem:v12+s19+$0x0], $0xffff;
	[tilespmem:s4+$0xFFFFFFC0] =	vst v4;
	v4 =	vmul.f32 v6, v0  }
0xe9: {  	v6 =	vld [tilespmem:s31+$0x0];
	[tilespmem:s4+$0xFFFFFFD0] =	vst v2;
	v0 =	vmul.f32 v7, v0  }
0xea: {  	v2 =	vld [tilespmem:s31+$0xFFFFFE10];
	[tilespmem:s4+$0xFFFFFFE0] =	vst v4  }
0xeb: {  	v4 =	vld [tilespmem:s31+$0xFFFFFE20];
	[tilespmem:s4+$0xFFFFFFF0] =	vst v0;
	s4 =	smov.u32 s31  }
0xec: {  	v7 =	vld [tilespmem:s31+$0xFFFFFE30]  }
0xed: {  	v9 =	vld [tilespmem:s31+$0xFFFFFE40]  }
0xee: {  	v0 =	vmov v3;
	v10 =	vld [tilespmem:s31+$0xFFFFFE50];
	v6 =	vmul.f32 v6, v3  }
0xef: {  	v2 =	vmul.f32 v2, v5;
	v3 =	vld [tilespmem:s31+$0xFFFFFE60]  }
0xf0: {  	v4 =	vmul.f32 v4, v5;
	v11 =	vld [tilespmem:s31+$0xFFFFFE70];
	[tilespmem:s31+$0x0] =	vst v6  }
0xf1: {  	[tilespmem:s31+$0xFFFFFE10] =	vst v2;
	v2 =	vmul.f32 v7, v5;
	v6 =	vld [tilespmem:s31+$0xFFFFFE80]  }
0xf2: {  	[tilespmem:s31+$0xFFFFFE20] =	vst v4;
	v4 =	vmul.f32 v9, v5;
	v7 =	vld [tilespmem:s31+$0xFFFFFE90]  }
0xf3: {  	[tilespmem:s31+$0xFFFFFE30] =	vst v2;
	v2 =	vmul.f32 v10, v5;
	v9 =	vld [tilespmem:s31+$0xFFFFFEA0]  }
0xf4: {  	[tilespmem:s31+$0xFFFFFE40] =	vst v4;
	v3 =	vmul.f32 v3, v5;
	v4 =	vld [tilespmem:s31+$0xFFFFFEB0]  }
0xf5: {  	[tilespmem:s31+$0xFFFFFE50] =	vst v2;
	v2 =	vmul.f32 v11, v5;
	v10 =	vld [tilespmem:s31+$0xFFFFFEC0]  }
0xf6: {  	[tilespmem:s31+$0xFFFFFE60] =	vst v3;
	v3 =	vmul.f32 v6, v5;
	v5 =	vld [tilespmem:s31+$0xFFFFFED0]  }
0xf7: {  	[tilespmem:s31+$0xFFFFFE70] =	vst v2;
	v2 =	vmul.f32 v7, v8;
	v6 =	vld [tilespmem:s31+$0xFFFFFEE0]  }
0xf8: {  	[tilespmem:s31+$0xFFFFFE80] =	vst v3;
	v3 =	vmul.f32 v9, v8;
	v7 =	vld [tilespmem:s31+$0xFFFFFEF0]  }
0xf9: {  	[tilespmem:s31+$0xFFFFFE90] =	vst v2;
	v2 =	vmul.f32 v4, v8;
	v4 =	vld [tilespmem:s31+$0xFFFFFF00]  }
0xfa: {  	[tilespmem:s31+$0xFFFFFEA0] =	vst v3;
	v3 =	vmul.f32 v10, v8;
	v9 =	vld [tilespmem:s31+$0xFFFFFF10]  }
0xfb: {  	[tilespmem:s31+$0xFFFFFEB0] =	vst v2;
	v2 =	vmul.f32 v5, v8;
	v5 =	vld [tilespmem:s31+$0xFFFFFF20]  }
0xfc: {  	[tilespmem:s31+$0xFFFFFEC0] =	vst v3;
	v3 =	vmul.f32 v6, v8;
	v6 =	vld [tilespmem:s31+$0xFFFFFF30]  }
0xfd: {  	[tilespmem:s31+$0xFFFFFED0] =	vst v2;
	v7 =	vmul.f32 v7, v8;
	v12 =	vld [tilespmem:s31+$0xFFFFFF40]  }
.Ltmp1:
0xfe: {  	s11 =	sadd.s32 $0x1, s9;
	v10 =	vmov s9;
	[tilespmem:s31+$0xFFFFFEE0] =	vst v3;
	v4 =	vmul.f32 v4, v8;
	v2 =	vld [tilespmem:s31+$0xFFFFFF50];
	(pc) =	sbr.rel @p1 .LBB2_5-.Ltmp1, $4  }
0xff: {  	v8 =	vand.u32 $0x7C, v10;
	v10 =	vmov s11;
	s11 =	sadd.s32 $0x2, s9;
	[tilespmem:s31+$0xFFFFFEF0] =	vst v7;
	v7 =	vmul.f32 v9, v1;
	v3 =	vld [tilespmem:s31+$0xFFFFFF60]  }
0x100: {  	v9 =	vor.u32 $0x80, v8;
	v8 =	vmov s11;
	[tilespmem:s31+$0xFFFFFF00] =	vst v4;
	v13 =	vmul.f32 v5, v1;
	v4 =	vld [tilespmem:s31+$0xFFFFFF70]  }
0x101: {  	v11 =	vand.u32 $0x7D, v10;
	v10 =	vand.u32 $0x7E, v8;
	[tilespmem:s31+$0xFFFFFF10] =	vst v7;
	v8 =	vmul.f32 v6, v1;
	v6 =	vld [tilespmem:s31+$0xFFFFFF80]  }
0x102: {  	s11 =	sadd.s32 $0x3, s9;
	s9 =	sadd.s32 $0x4, s9;
	v5 =	vbroadcast v9, $0x0;
	v11 =	vor.u32 $0x80, v11;
	[tilespmem:s31+$0xFFFFFF20] =	vst v13;
	v9 =	vmul.f32 v12, v1;
	v7 =	vld [tilespmem:s31+$0xFFFFFF90]  }
0x103: {  	v13 =	vld [tilespmem:s31+$0xFFFFFFA0]  }
0x104: {  	v14 =	vld [tilespmem:s31+$0xFFFFFFB0]  }
0x105: {  	v12 =	vmov s11;
	v10 =	vor.u32 $0x80, v10;
	v11 =	vbroadcast v11, $0x0;
	v15 =	vld [tilespmem:s31+$0xFFFFFFC0]  }
0x106: {  	v16 =	vld [tilespmem:s31+$0xFFFFFFD0];
	[tilespmem:s31+$0xFFFFFF30] =	vst v8;
	v2 =	vmul.f32 v2, v1;
	v12 =	vand.u32 $0x7F, v12;
	v10 =	vbroadcast v10, $0x0  }
0x107: {  	v8 =	vld [tilespmem:s31+$0xFFFFFFE0];
	[tilespmem:s31+$0xFFFFFF40] =	vst v9;
	v3 =	vmul.f32 v3, v1;
	v12 =	vor.u32 $0x80, v12  }
0x108: {  	v9 =	vld [tilespmem:s31+$0xFFFFFFF0];
	[tilespmem:s31+$0xFFFFFF50] =	vst v2;
	v2 =	vmul.f32 v4, v1;
	v12 =	vbroadcast v12, $0x0  }
0x109: {  	s9 =	sadd.s32 $0x200, s31;
	v4 =	vld.idx.msk [tilespmem:v5+s19+$0x0], $0xffff;
	[tilespmem:s31+$0xFFFFFF60] =	vst v3;
	v1 =	vmul.f32 v6, v1  }
0x10a: {  	[tilespmem:s31+$0xFFFFFF70] =	vst v2;
	v2 =	vmul.f32 v7, v0;
	v7 =	vld [tilespmem:s9+$0x0]  }
0x10b: {  	[tilespmem:s31+$0xFFFFFF80] =	vst v1;
	v1 =	vmul.f32 v13, v0;
	v3 =	vld.idx.msk [tilespmem:v11+s19+$0x0], $0xffff  }
0x10c: {  	[tilespmem:s31+$0xFFFFFF90] =	vst v2;
	v2 =	vmul.f32 v14, v0;
	v5 =	vld.idx.msk [tilespmem:v10+s19+$0x0], $0xffff  }
0x10d: {  	[tilespmem:s31+$0xFFFFFFA0] =	vst v1;
	v1 =	vmul.f32 v15, v0;
	v10 =	vld [tilespmem:s9+$0xFFFFFE10]  }
0x10e: {  	[tilespmem:s31+$0xFFFFFFB0] =	vst v2;
	v2 =	vmul.f32 v16, v0;
	v6 =	vld.idx.msk [tilespmem:v12+s19+$0x0], $0xffff  }
0x10f: {  	v11 =	vld [tilespmem:s9+$0xFFFFFE20];
	[tilespmem:s4+$0xFFFFFFC0] =	vst v1;
	v1 =	vmul.f32 v8, v0  }
0x110: {  	v8 =	vld [tilespmem:s9+$0xFFFFFE30];
	v0 =	vmul.f32 v9, v0;
	[tilespmem:s4+$0xFFFFFFD0] =	vst v2  }
0x111: {  	v2 =	vld [tilespmem:s9+$0xFFFFFE40];
	[tilespmem:s4+$0xFFFFFFE0] =	vst v1  }
0x112: {  	v1 =	vld [tilespmem:s9+$0xFFFFFE50];
	[tilespmem:s4+$0xFFFFFFF0] =	vst v0;
	v0 =	vmul.f32 v10, v4  }
0x113: {  	v9 =	vld [tilespmem:s9+$0xFFFFFE60];
	v7 =	vmul.f32 v7, v6  }
0x114: {  	v10 =	vmul.f32 v11, v4;
	v11 =	vld [tilespmem:s9+$0xFFFFFE70];
	[tilespmem:s9+$0xFFFFFE10] =	vst v0  }
0x115: {  	v0 =	vmul.f32 v8, v4;
	[tilespmem:s9+$0x0] =	vst v7;
	v7 =	vld [tilespmem:s9+$0xFFFFFE80]  }
0x116: {  	[tilespmem:s9+$0xFFFFFE20] =	vst v10;
	v8 =	vld [tilespmem:s9+$0xFFFFFE90];
	v2 =	vmul.f32 v2, v4  }
0x117: {  	[tilespmem:s9+$0xFFFFFE30] =	vst v0;
	v0 =	vmul.f32 v1, v4;
	v1 =	vld [tilespmem:s9+$0xFFFFFEA0]  }
0x118: {  	[tilespmem:s9+$0xFFFFFE40] =	vst v2;
	v2 =	vmul.f32 v9, v4;
	v9 =	vld [tilespmem:s9+$0xFFFFFEB0]  }
0x119: {  	v10 =	vld [tilespmem:s9+$0xFFFFFEC0];
	[tilespmem:s9+$0xFFFFFE50] =	vst v0;
	v0 =	vmul.f32 v11, v4  }
0x11a: {  	[tilespmem:s9+$0xFFFFFE60] =	vst v2;
	v2 =	vmul.f32 v7, v4;
	v4 =	vld [tilespmem:s9+$0xFFFFFED0]  }
0x11b: {  	[tilespmem:s9+$0xFFFFFE70] =	vst v0;
	v0 =	vmul.f32 v8, v3;
	v7 =	vld [tilespmem:s9+$0xFFFFFEE0]  }
0x11c: {  	v1 =	vmul.f32 v1, v3;
	[tilespmem:s9+$0xFFFFFE80] =	vst v2;
	v2 =	vld [tilespmem:s9+$0xFFFFFEF0]  }
0x11d: {  	v8 =	vld [tilespmem:s9+$0xFFFFFF00];
	[tilespmem:s9+$0xFFFFFE90] =	vst v0;
	v0 =	vmul.f32 v9, v3  }
0x11e: {  	v9 =	vld [tilespmem:s9+$0xFFFFFF10];
	[tilespmem:s9+$0xFFFFFEA0] =	vst v1;
	v1 =	vmul.f32 v10, v3  }
0x11f: {  	[tilespmem:s9+$0xFFFFFEB0] =	vst v0;
	v0 =	vmul.f32 v4, v3;
	v4 =	vld [tilespmem:s9+$0xFFFFFF20]  }
0x120: {  	[tilespmem:s9+$0xFFFFFEC0] =	vst v1;
	v1 =	vmul.f32 v7, v3;
	v7 =	vld [tilespmem:s9+$0xFFFFFF30]  }
0x121: {  	[tilespmem:s9+$0xFFFFFED0] =	vst v0;
	v0 =	vmul.f32 v2, v3;
	v2 =	vld [tilespmem:s9+$0xFFFFFF40]  }
0x122: {  	[tilespmem:s9+$0xFFFFFEE0] =	vst v1;
	v1 =	vmul.f32 v8, v3;
	v3 =	vld [tilespmem:s9+$0xFFFFFF50]  }
0x123: {  	v8 =	vld [tilespmem:s9+$0xFFFFFF60];
	[tilespmem:s9+$0xFFFFFEF0] =	vst v0;
	v0 =	vmul.f32 v9, v5  }
0x124: {  	[tilespmem:s9+$0xFFFFFF00] =	vst v1;
	v1 =	vmul.f32 v4, v5;
	v4 =	vld [tilespmem:s9+$0xFFFFFF70]  }
0x125: {  	[tilespmem:s9+$0xFFFFFF10] =	vst v0;
	v0 =	vmul.f32 v7, v5;
	v7 =	vld [tilespmem:s9+$0xFFFFFF80]  }
0x126: {  	[tilespmem:s9+$0xFFFFFF20] =	vst v1;
	v1 =	vmul.f32 v2, v5;
	v2 =	vld [tilespmem:s9+$0xFFFFFF90]  }
0x127: {  	[tilespmem:s9+$0xFFFFFF30] =	vst v0;
	v0 =	vmul.f32 v3, v5;
	v3 =	vld [tilespmem:s9+$0xFFFFFFA0]  }
0x128: {  	[tilespmem:s9+$0xFFFFFF40] =	vst v1;
	v1 =	vmul.f32 v8, v5;
	v8 =	vld [tilespmem:s9+$0xFFFFFFB0]  }
0x129: {  	[tilespmem:s9+$0xFFFFFF50] =	vst v0;
	v0 =	vmul.f32 v4, v5;
	v4 =	vld [tilespmem:s9+$0xFFFFFFC0]  }
0x12a: {  	[tilespmem:s9+$0xFFFFFF60] =	vst v1;
	v1 =	vmul.f32 v7, v5;
	v5 =	vld [tilespmem:s9+$0xFFFFFFD0]  }
0x12b: {  	[tilespmem:s9+$0xFFFFFF70] =	vst v0;
	v0 =	vmul.f32 v2, v6;
	v2 =	vld [tilespmem:s9+$0xFFFFFFE0]  }
0x12c: {  	[tilespmem:s9+$0xFFFFFF80] =	vst v1;
	v1 =	vmul.f32 v3, v6;
	v3 =	vld [tilespmem:s9+$0xFFFFFFF0]  }
0x12d: {  	[tilespmem:s9+$0xFFFFFF90] =	vst v0;
	v0 =	vmul.f32 v8, v6  }
0x12e: {  	[tilespmem:s9+$0xFFFFFFA0] =	vst v1;
	v1 =	vmul.f32 v4, v6  }
0x12f: {  	[tilespmem:s9+$0xFFFFFFB0] =	vst v0;
	v0 =	vmul.f32 v5, v6  }
0x130: {  	[tilespmem:s9+$0xFFFFFFC0] =	vst v1;
	v1 =	vmul.f32 v2, v6  }
0x131: {  	[tilespmem:s9+$0xFFFFFFD0] =	vst v0;
	v0 =	vmul.f32 v3, v6  }
0x132: {  	[tilespmem:s9+$0xFFFFFFE0] =	vst v1  }
0x133: {  	[tilespmem:s9+$0xFFFFFFF0] =	vst v0;
	s9 =	simm.s32 $0x480  }
0x134: {  	[spmem:s2] =	stream.indirect.scatter.add.f32 [tilespmem:s24], [sflag:$0x7], $0x80, s9, s21, $0xb8;
	[tilespmem:$0x1F880] =	vst v63  }
0x135: {  	_ =	swait.ge [sflag:s23], $0x3C00  }
0x136: {  	[sflag:s23] =	ssyncset.done $0x0  }
0x137: {  	[sflag:s23] =	ssyncadd.s32 $0xFFFFC400  }
0x138: {  	_ =	swait.ge [sflag:s25], $0x180  }
0x139: {  	[sflag:s25] =	ssyncset.done $0x0  }
0x13a: {  	[sflag:s25] =	ssyncadd.s32 $0xFFFFFE80  }
0x13b: {  	s11 =	simm.s32 $0x0;
	_ =	swait.ge [sflag:s25], $0x180  }
0x13c: {  	v0 =	vmov s11;
	s9 =	simm.s32 $0x3;
	[sflag:s25] =	ssyncset.done $0x0  }
0x13d: {  	v0 =	vand.u32 $0x7C, v0;
	v1 =	vmov s9;
	[sflag:s25] =	ssyncadd.s32 $0xFFFFFE80  }
0x13e: {  	v0 =	vor.u32 $0x100, v0;
	v1 =	vand.u32 $0x7F, v1;
	_ =	swait.ge [sflag:s25], $0x180  }
0x13f: {  	v0 =	vbroadcast v0, $0x0;
	v1 =	vor.u32 $0x100, v1;
	[sflag:s25] =	ssyncset.done $0x0  }
0x140: {  	v1 =	vbroadcast v1, $0x0;
	[sflag:s25] =	ssyncadd.s32 $0xFFFFFE80  }
0x141: {  	[tilespmem:s22], [sflag:$0x3] =	stream.indirect.gather [hbm4b:s1+s21], $0x80, s29, s21, $0xb8;
	[tilespmem:$0x1F880] =	vst v63  }
0x142: {  	_ =	swait.ge [sflag:s8], $0x3C00  }
0x143: {  	[sflag:s8] =	ssyncset.done $0x0  }
0x144: {  	[sflag:s8] =	ssyncadd.s32 $0xFFFFC400  }
0x145: {  	s11 =	simm.s32 $0x1;
	v2 =	vld.idx.msk [tilespmem:v0+s19+$0x0], $0xffff  }
0x146: {  	s31 =	simm.s32 $0x85F0;
	v3 =	vmov s11;
	v0 =	vld.idx.msk [tilespmem:v1+s19+$0x0], $0xffff  }
0x147: {  	v1 =	vand.u32 $0x7D, v3;
	v3 =	vld [tilespmem:s31+$0x0]  }
0x148: {  	v4 =	vld [tilespmem:s31+$0xFFFFFE10]  }
0x149: {  	v5 =	vld [tilespmem:s31+$0xFFFFFE20]  }
0x14a: {  	v6 =	vld [tilespmem:s31+$0xFFFFFE30];
	v1 =	vor.u32 $0x100, v1  }
0x14b: {  	v7 =	vld [tilespmem:s31+$0xFFFFFE40];
	v1 =	vbroadcast v1, $0x0  }
0x14c: {  	v8 =	vld [tilespmem:s31+$0xFFFFFE50]  }
0x14d: {  	v9 =	vld [tilespmem:s31+$0xFFFFFE60];
	v4 =	vmul.f32 v4, v2  }
0x14e: {  	v10 =	vld [tilespmem:s31+$0xFFFFFE70];
	v3 =	vmul.f32 v3, v0  }
0x14f: {  	[tilespmem:s31+$0xFFFFFE10] =	vst v4;
	v4 =	vld [tilespmem:s31+$0xFFFFFE80]  }
0x150: {  	s9 =	simm.s32 $0x2;
	v5 =	vmul.f32 v5, v2;
	[tilespmem:s31+$0x0] =	vst v3;
	v3 =	vmul.f32 v6, v2;
	v6 =	vld [tilespmem:s31+$0xFFFFFEA0]  }
0x151: {  	v11 =	vmov s9;
	v62 =	vld.idx.msk [tilespmem:v1+s19+$0x0], $0xffff  }
0x152: {  	[tilespmem:s31+$0xFFFFFE20] =	vst v5;
	v5 =	vmul.f32 v7, v2;
	v1 =	vand.u32 $0x7E, v11;
	v11 =	vld [tilespmem:s31+$0xFFFFFE90]  }
0x153: {  	v10 =	vmul.f32 v10, v2;
	v7 =	vld [tilespmem:s31+$0xFFFFFEB0];
	v1 =	vor.u32 $0x100, v1;
	[tilespmem:s31+$0xFFFFFE30] =	vst v3;
	v3 =	vmul.f32 v8, v2  }
0x154: {  	v8 =	vld [tilespmem:s31+$0xFFFFFEC0];
	[tilespmem:s31+$0xFFFFFE40] =	vst v5;
	v5 =	vmul.f32 v9, v2;
	v1 =	vbroadcast v1, $0x0  }
0x155: {  	[tilespmem:s31+$0xFFFFFE70] =	vst v10;
	v9 =	vld [tilespmem:s31+$0xFFFFFED0]  }
0x156: {  	[tilespmem:s31+$0xFFFFFE60] =	vst v5;
	v5 =	vld [tilespmem:s31+$0xFFFFFEF0];
	v2 =	vmul.f32 v4, v2  }
0x157: {  	[tilespmem:s31+$0xFFFFFE50] =	vst v3;
	v4 =	vld [tilespmem:s31+$0xFFFFFF00];
	v3 =	vmul.f32 v11, v62  }
0x158: {  	v11 =	vld [tilespmem:s31+$0xFFFFFEE0];
	[tilespmem:s31+$0xFFFFFE80] =	vst v2;
	v2 =	vmul.f32 v7, v62  }
0x159: {  	[tilespmem:s31+$0xFFFFFE90] =	vst v3;
	v3 =	vmul.f32 v6, v62;
	v6 =	vld [tilespmem:s31+$0xFFFFFF10]  }
0x15a: {  	v1 =	vld.idx.msk [tilespmem:v1+s19+$0x0], $0xffff;
	[tilespmem:s31+$0xFFFFFEB0] =	vst v2;
	v2 =	vmul.f32 v9, v62  }
0x15b: {  	v7 =	vld [tilespmem:s31+$0xFFFFFF20];
	[tilespmem:s31+$0xFFFFFEA0] =	vst v3;
	v3 =	vmul.f32 v8, v62  }
0x15c: {  	v5 =	vmul.f32 v5, v62;
	v8 =	vld [tilespmem:s31+$0xFFFFFF30];
	[tilespmem:s31+$0xFFFFFED0] =	vst v2  }
0x15d: {  	s11 =	simm.s32 $0x4;
	v9 =	vld [tilespmem:s31+$0xFFFFFF40];
	[tilespmem:s31+$0xFFFFFEC0] =	vst v3;
	v3 =	vmul.f32 v11, v62  }
0x15e: {  	s9 =	simm.s32 $0x5;
	v10 =	vmov s11;
	v2 =	vld [tilespmem:s31+$0xFFFFFF50];
	[tilespmem:s31+$0xFFFFFEF0] =	vst v5;
	v11 =	vmul.f32 v4, v62  }
0x15f: {  	v63 =	vmov s9;
	s11 =	simm.s32 $0x6;
	v10 =	vand.u32 $0x7C, v10;
	[tilespmem:s31+$0xFFFFFEE0] =	vst v3;
	v6 =	vmul.f32 v6, v1;
	v3 =	vld [tilespmem:s31+$0xFFFFFF60]  }
0x160: {  	v5 =	vor.u32 $0x100, v10;
	v10 =	vmov s11;
	v4 =	vld [tilespmem:s31+$0xFFFFFF70];
	v7 =	vmul.f32 v7, v1;
	[tilespmem:s31+$0xFFFFFF00] =	vst v11  }
0x161: {  	v10 =	vand.u32 $0x7E, v10;
	v11 =	vand.u32 $0x7D, v63;
	v8 =	vmul.f32 v8, v1;
	[tilespmem:s31+$0xFFFFFF10] =	vst v6;
	v6 =	vld [tilespmem:s31+$0xFFFFFF80]  }
0x162: {  	s4 =	simm.s32 $0x85F0;
	s9 =	simm.s32 $0x8;
	s11 =	simm.s32 $0x7;
	v5 =	vbroadcast v5, $0x0;
	v9 =	vmul.f32 v9, v1;
	v11 =	vor.u32 $0x100, v11;
	[tilespmem:s31+$0xFFFFFF20] =	vst v7;
	v7 =	vld [tilespmem:s31+$0xFFFFFF90]  }
.LBB2_7:
0x163: {  	p1 =	slt.u32 s9, $0x74;
	v10 =	vor.u32 $0x100, v10;
	v12 =	vmov s11;
	[tilespmem:s31+$0xFFFFFF30] =	vst v8;
	v2 =	vmul.f32 v2, v1;
	v8 =	vld [tilespmem:s31+$0xFFFFFFA0]  }
0x164: {  	v11 =	vbroadcast v11, $0x0;
	v12 =	vand.u32 $0x7F, v12;
	[tilespmem:s31+$0xFFFFFF40] =	vst v9;
	v3 =	vmul.f32 v3, v1;
	v9 =	vld [tilespmem:s31+$0xFFFFFFB0]  }
0x165: {  	v10 =	vbroadcast v10, $0x0;
	v12 =	vor.u32 $0x100, v12;
	[tilespmem:s31+$0xFFFFFF50] =	vst v2;
	v2 =	vmul.f32 v4, v1;
	v4 =	vld [tilespmem:s31+$0xFFFFFFC0]  }
0x166: {  	v12 =	vbroadcast v12, $0x0;
	[tilespmem:s31+$0xFFFFFF60] =	vst v3;
	v1 =	vmul.f32 v6, v1;
	v3 =	vld [tilespmem:s31+$0xFFFFFFD0]  }
0x167: {  	[tilespmem:s31+$0xFFFFFF70] =	vst v2;
	v2 =	vmul.f32 v7, v0;
	v6 =	vld [tilespmem:s31+$0xFFFFFFE0]  }
0x168: {  	[tilespmem:s31+$0xFFFFFF80] =	vst v1;
	v1 =	vmul.f32 v8, v0;
	v7 =	vld [tilespmem:s31+$0xFFFFFFF0]  }
0x169: {  	v5 =	vld.idx.msk [tilespmem:v5+s19+$0x0], $0xffff;
	[tilespmem:s31+$0xFFFFFF90] =	vst v2;
	v2 =	vmul.f32 v9, v0  }
0x16a: {  	v8 =	vld.idx.msk [tilespmem:v11+s19+$0x0], $0xffff;
	[tilespmem:s31+$0xFFFFFFA0] =	vst v1;
	v4 =	vmul.f32 v4, v0  }
0x16b: {  	v1 =	vld.idx.msk [tilespmem:v10+s19+$0x0], $0xffff;
	[tilespmem:s31+$0xFFFFFFB0] =	vst v2;
	v2 =	vmul.f32 v3, v0  }
0x16c: {  	s31 =	sadd.s32 $0x200, s31;
	v3 =	vld.idx.msk [tilespmem:v12+s19+$0x0], $0xffff;
	[tilespmem:s4+$0xFFFFFFC0] =	vst v4;
	v4 =	vmul.f32 v6, v0  }
0x16d: {  	v6 =	vld [tilespmem:s31+$0x0];
	[tilespmem:s4+$0xFFFFFFD0] =	vst v2;
	v0 =	vmul.f32 v7, v0  }
0x16e: {  	v2 =	vld [tilespmem:s31+$0xFFFFFE10];
	[tilespmem:s4+$0xFFFFFFE0] =	vst v4  }
0x16f: {  	v4 =	vld [tilespmem:s31+$0xFFFFFE20];
	[tilespmem:s4+$0xFFFFFFF0] =	vst v0;
	s4 =	smov.u32 s31  }
0x170: {  	v7 =	vld [tilespmem:s31+$0xFFFFFE30]  }
0x171: {  	v9 =	vld [tilespmem:s31+$0xFFFFFE40]  }
0x172: {  	v0 =	vmov v3;
	v10 =	vld [tilespmem:s31+$0xFFFFFE50];
	v6 =	vmul.f32 v6, v3  }
0x173: {  	v2 =	vmul.f32 v2, v5;
	v3 =	vld [tilespmem:s31+$0xFFFFFE60]  }
0x174: {  	v4 =	vmul.f32 v4, v5;
	v11 =	vld [tilespmem:s31+$0xFFFFFE70];
	[tilespmem:s31+$0x0] =	vst v6  }
0x175: {  	[tilespmem:s31+$0xFFFFFE10] =	vst v2;
	v2 =	vmul.f32 v7, v5;
	v6 =	vld [tilespmem:s31+$0xFFFFFE80]  }
0x176: {  	[tilespmem:s31+$0xFFFFFE20] =	vst v4;
	v4 =	vmul.f32 v9, v5;
	v7 =	vld [tilespmem:s31+$0xFFFFFE90]  }
0x177: {  	[tilespmem:s31+$0xFFFFFE30] =	vst v2;
	v2 =	vmul.f32 v10, v5;
	v9 =	vld [tilespmem:s31+$0xFFFFFEA0]  }
0x178: {  	[tilespmem:s31+$0xFFFFFE40] =	vst v4;
	v3 =	vmul.f32 v3, v5;
	v4 =	vld [tilespmem:s31+$0xFFFFFEB0]  }
0x179: {  	[tilespmem:s31+$0xFFFFFE50] =	vst v2;
	v2 =	vmul.f32 v11, v5;
	v10 =	vld [tilespmem:s31+$0xFFFFFEC0]  }
0x17a: {  	[tilespmem:s31+$0xFFFFFE60] =	vst v3;
	v3 =	vmul.f32 v6, v5;
	v5 =	vld [tilespmem:s31+$0xFFFFFED0]  }
0x17b: {  	[tilespmem:s31+$0xFFFFFE70] =	vst v2;
	v2 =	vmul.f32 v7, v8;
	v6 =	vld [tilespmem:s31+$0xFFFFFEE0]  }
0x17c: {  	[tilespmem:s31+$0xFFFFFE80] =	vst v3;
	v3 =	vmul.f32 v9, v8;
	v7 =	vld [tilespmem:s31+$0xFFFFFEF0]  }
0x17d: {  	[tilespmem:s31+$0xFFFFFE90] =	vst v2;
	v2 =	vmul.f32 v4, v8;
	v4 =	vld [tilespmem:s31+$0xFFFFFF00]  }
0x17e: {  	[tilespmem:s31+$0xFFFFFEA0] =	vst v3;
	v3 =	vmul.f32 v10, v8;
	v9 =	vld [tilespmem:s31+$0xFFFFFF10]  }
0x17f: {  	[tilespmem:s31+$0xFFFFFEB0] =	vst v2;
	v2 =	vmul.f32 v5, v8;
	v5 =	vld [tilespmem:s31+$0xFFFFFF20]  }
0x180: {  	[tilespmem:s31+$0xFFFFFEC0] =	vst v3;
	v3 =	vmul.f32 v6, v8;
	v6 =	vld [tilespmem:s31+$0xFFFFFF30]  }
0x181: {  	[tilespmem:s31+$0xFFFFFED0] =	vst v2;
	v7 =	vmul.f32 v7, v8;
	v12 =	vld [tilespmem:s31+$0xFFFFFF40]  }
.Ltmp2:
0x182: {  	s11 =	sadd.s32 $0x1, s9;
	v10 =	vmov s9;
	[tilespmem:s31+$0xFFFFFEE0] =	vst v3;
	v4 =	vmul.f32 v4, v8;
	v2 =	vld [tilespmem:s31+$0xFFFFFF50];
	(pc) =	sbr.rel @p1 .LBB2_7-.Ltmp2, $4  }
0x183: {  	v8 =	vand.u32 $0x7C, v10;
	v10 =	vmov s11;
	s11 =	sadd.s32 $0x2, s9;
	[tilespmem:s31+$0xFFFFFEF0] =	vst v7;
	v7 =	vmul.f32 v9, v1;
	v3 =	vld [tilespmem:s31+$0xFFFFFF60]  }
0x184: {  	v9 =	vor.u32 $0x100, v8;
	v8 =	vmov s11;
	[tilespmem:s31+$0xFFFFFF00] =	vst v4;
	v13 =	vmul.f32 v5, v1;
	v4 =	vld [tilespmem:s31+$0xFFFFFF70]  }
0x185: {  	v11 =	vand.u32 $0x7D, v10;
	v10 =	vand.u32 $0x7E, v8;
	[tilespmem:s31+$0xFFFFFF10] =	vst v7;
	v8 =	vmul.f32 v6, v1;
	v6 =	vld [tilespmem:s31+$0xFFFFFF80]  }
0x186: {  	s11 =	sadd.s32 $0x3, s9;
	s9 =	sadd.s32 $0x4, s9;
	v5 =	vbroadcast v9, $0x0;
	v11 =	vor.u32 $0x100, v11;
	[tilespmem:s31+$0xFFFFFF20] =	vst v13;
	v9 =	vmul.f32 v12, v1;
	v7 =	vld [tilespmem:s31+$0xFFFFFF90]  }
0x187: {  	v13 =	vld [tilespmem:s31+$0xFFFFFFA0]  }
0x188: {  	v14 =	vld [tilespmem:s31+$0xFFFFFFB0]  }
0x189: {  	v12 =	vmov s11;
	v10 =	vor.u32 $0x100, v10;
	v11 =	vbroadcast v11, $0x0;
	v15 =	vld [tilespmem:s31+$0xFFFFFFC0]  }
0x18a: {  	v16 =	vld [tilespmem:s31+$0xFFFFFFD0];
	[tilespmem:s31+$0xFFFFFF30] =	vst v8;
	v2 =	vmul.f32 v2, v1;
	v12 =	vand.u32 $0x7F, v12;
	v10 =	vbroadcast v10, $0x0  }
0x18b: {  	v8 =	vld [tilespmem:s31+$0xFFFFFFE0];
	[tilespmem:s31+$0xFFFFFF40] =	vst v9;
	v3 =	vmul.f32 v3, v1;
	v12 =	vor.u32 $0x100, v12  }
0x18c: {  	v9 =	vld [tilespmem:s31+$0xFFFFFFF0];
	[tilespmem:s31+$0xFFFFFF50] =	vst v2;
	v2 =	vmul.f32 v4, v1;
	v12 =	vbroadcast v12, $0x0  }
0x18d: {  	s9 =	sadd.s32 $0x200, s31;
	v4 =	vld.idx.msk [tilespmem:v5+s19+$0x0], $0xffff;
	[tilespmem:s31+$0xFFFFFF60] =	vst v3;
	v1 =	vmul.f32 v6, v1  }
0x18e: {  	[tilespmem:s31+$0xFFFFFF70] =	vst v2;
	v2 =	vmul.f32 v7, v0;
	v7 =	vld [tilespmem:s9+$0x0]  }
0x18f: {  	[tilespmem:s31+$0xFFFFFF80] =	vst v1;
	v1 =	vmul.f32 v13, v0;
	v3 =	vld.idx.msk [tilespmem:v11+s19+$0x0], $0xffff  }
0x190: {  	[tilespmem:s31+$0xFFFFFF90] =	vst v2;
	v2 =	vmul.f32 v14, v0;
	v5 =	vld.idx.msk [tilespmem:v10+s19+$0x0], $0xffff  }
0x191: {  	[tilespmem:s31+$0xFFFFFFA0] =	vst v1;
	v1 =	vmul.f32 v15, v0;
	v10 =	vld [tilespmem:s9+$0xFFFFFE10]  }
0x192: {  	[tilespmem:s31+$0xFFFFFFB0] =	vst v2;
	v2 =	vmul.f32 v16, v0;
	v6 =	vld.idx.msk [tilespmem:v12+s19+$0x0], $0xffff  }
0x193: {  	v11 =	vld [tilespmem:s9+$0xFFFFFE20];
	[tilespmem:s4+$0xFFFFFFC0] =	vst v1;
	v1 =	vmul.f32 v8, v0  }
0x194: {  	v8 =	vld [tilespmem:s9+$0xFFFFFE30];
	v0 =	vmul.f32 v9, v0;
	[tilespmem:s4+$0xFFFFFFD0] =	vst v2  }
0x195: {  	v2 =	vld [tilespmem:s9+$0xFFFFFE40];
	[tilespmem:s4+$0xFFFFFFE0] =	vst v1  }
0x196: {  	v1 =	vld [tilespmem:s9+$0xFFFFFE50];
	[tilespmem:s4+$0xFFFFFFF0] =	vst v0;
	v0 =	vmul.f32 v10, v4  }
0x197: {  	v9 =	vld [tilespmem:s9+$0xFFFFFE60];
	v7 =	vmul.f32 v7, v6  }
0x198: {  	v10 =	vmul.f32 v11, v4;
	v11 =	vld [tilespmem:s9+$0xFFFFFE70];
	[tilespmem:s9+$0xFFFFFE10] =	vst v0  }
0x199: {  	v0 =	vmul.f32 v8, v4;
	[tilespmem:s9+$0x0] =	vst v7;
	v7 =	vld [tilespmem:s9+$0xFFFFFE80]  }
0x19a: {  	[tilespmem:s9+$0xFFFFFE20] =	vst v10;
	v8 =	vld [tilespmem:s9+$0xFFFFFE90];
	v2 =	vmul.f32 v2, v4  }
0x19b: {  	[tilespmem:s9+$0xFFFFFE30] =	vst v0;
	v0 =	vmul.f32 v1, v4;
	v1 =	vld [tilespmem:s9+$0xFFFFFEA0]  }
0x19c: {  	[tilespmem:s9+$0xFFFFFE40] =	vst v2;
	v2 =	vmul.f32 v9, v4;
	v9 =	vld [tilespmem:s9+$0xFFFFFEB0]  }
0x19d: {  	v10 =	vld [tilespmem:s9+$0xFFFFFEC0];
	[tilespmem:s9+$0xFFFFFE50] =	vst v0;
	v0 =	vmul.f32 v11, v4  }
0x19e: {  	[tilespmem:s9+$0xFFFFFE60] =	vst v2;
	v2 =	vmul.f32 v7, v4;
	v4 =	vld [tilespmem:s9+$0xFFFFFED0]  }
0x19f: {  	[tilespmem:s9+$0xFFFFFE70] =	vst v0;
	v0 =	vmul.f32 v8, v3;
	v7 =	vld [tilespmem:s9+$0xFFFFFEE0]  }
0x1a0: {  	v1 =	vmul.f32 v1, v3;
	[tilespmem:s9+$0xFFFFFE80] =	vst v2;
	v2 =	vld [tilespmem:s9+$0xFFFFFEF0]  }
0x1a1: {  	v8 =	vld [tilespmem:s9+$0xFFFFFF00];
	[tilespmem:s9+$0xFFFFFE90] =	vst v0;
	v0 =	vmul.f32 v9, v3  }
0x1a2: {  	v9 =	vld [tilespmem:s9+$0xFFFFFF10];
	[tilespmem:s9+$0xFFFFFEA0] =	vst v1;
	v1 =	vmul.f32 v10, v3  }
0x1a3: {  	[tilespmem:s9+$0xFFFFFEB0] =	vst v0;
	v0 =	vmul.f32 v4, v3;
	v4 =	vld [tilespmem:s9+$0xFFFFFF20]  }
0x1a4: {  	[tilespmem:s9+$0xFFFFFEC0] =	vst v1;
	v1 =	vmul.f32 v7, v3;
	v7 =	vld [tilespmem:s9+$0xFFFFFF30]  }
0x1a5: {  	[tilespmem:s9+$0xFFFFFED0] =	vst v0;
	v0 =	vmul.f32 v2, v3;
	v2 =	vld [tilespmem:s9+$0xFFFFFF40]  }
0x1a6: {  	[tilespmem:s9+$0xFFFFFEE0] =	vst v1;
	v1 =	vmul.f32 v8, v3;
	v3 =	vld [tilespmem:s9+$0xFFFFFF50]  }
0x1a7: {  	v8 =	vld [tilespmem:s9+$0xFFFFFF60];
	[tilespmem:s9+$0xFFFFFEF0] =	vst v0;
	v0 =	vmul.f32 v9, v5  }
0x1a8: {  	[tilespmem:s9+$0xFFFFFF00] =	vst v1;
	v1 =	vmul.f32 v4, v5;
	v4 =	vld [tilespmem:s9+$0xFFFFFF70]  }
0x1a9: {  	[tilespmem:s9+$0xFFFFFF10] =	vst v0;
	v0 =	vmul.f32 v7, v5;
	v7 =	vld [tilespmem:s9+$0xFFFFFF80]  }
0x1aa: {  	[tilespmem:s9+$0xFFFFFF20] =	vst v1;
	v1 =	vmul.f32 v2, v5;
	v2 =	vld [tilespmem:s9+$0xFFFFFF90]  }
0x1ab: {  	[tilespmem:s9+$0xFFFFFF30] =	vst v0;
	v0 =	vmul.f32 v3, v5;
	v3 =	vld [tilespmem:s9+$0xFFFFFFA0]  }
0x1ac: {  	[tilespmem:s9+$0xFFFFFF40] =	vst v1;
	v1 =	vmul.f32 v8, v5;
	v8 =	vld [tilespmem:s9+$0xFFFFFFB0]  }
0x1ad: {  	[tilespmem:s9+$0xFFFFFF50] =	vst v0;
	v0 =	vmul.f32 v4, v5;
	v4 =	vld [tilespmem:s9+$0xFFFFFFC0]  }
0x1ae: {  	[tilespmem:s9+$0xFFFFFF60] =	vst v1;
	v1 =	vmul.f32 v7, v5;
	v5 =	vld [tilespmem:s9+$0xFFFFFFD0]  }
0x1af: {  	[tilespmem:s9+$0xFFFFFF70] =	vst v0;
	v0 =	vmul.f32 v2, v6;
	v2 =	vld [tilespmem:s9+$0xFFFFFFE0]  }
0x1b0: {  	[tilespmem:s9+$0xFFFFFF80] =	vst v1;
	v1 =	vmul.f32 v3, v6;
	v3 =	vld [tilespmem:s9+$0xFFFFFFF0]  }
0x1b1: {  	[tilespmem:s9+$0xFFFFFF90] =	vst v0;
	v0 =	vmul.f32 v8, v6  }
0x1b2: {  	[tilespmem:s9+$0xFFFFFFA0] =	vst v1;
	v1 =	vmul.f32 v4, v6  }
0x1b3: {  	[tilespmem:s9+$0xFFFFFFB0] =	vst v0;
	v0 =	vmul.f32 v5, v6  }
0x1b4: {  	[tilespmem:s9+$0xFFFFFFC0] =	vst v1;
	v1 =	vmul.f32 v2, v6  }
0x1b5: {  	[tilespmem:s9+$0xFFFFFFD0] =	vst v0;
	v0 =	vmul.f32 v3, v6  }
0x1b6: {  	s11 =	simm.s32 $0x0;
	[tilespmem:s9+$0xFFFFFFE0] =	vst v1  }
0x1b7: {  	s4 =	simm.s32 $0x3;
	[tilespmem:s9+$0xFFFFFFF0] =	vst v0;
	v0 =	vmov s11;
	s11 =	simm.s32 $0x500  }
0x1b8: {  	v1 =	vmov s4;
	[spmem:s2] =	stream.indirect.scatter.add.f32 [tilespmem:s26], [sflag:$0x8], $0x80, s11, s21, $0xb8;
	v0 =	vand.u32 $0x7C, v0;
	[tilespmem:$0x1F880] =	vst v63  }
0x1b9: {  	v1 =	vand.u32 $0x7F, v1;
	_ =	swait.ge [sflag:s10], $0x3C00;
	v0 =	vor.u32 $0x180, v0  }
0x1ba: {  	v1 =	vor.u32 $0x180, v1;
	[sflag:s10] =	ssyncset.done $0x0;
	v0 =	vbroadcast v0, $0x0  }
0x1bb: {  	s9 =	simm.s32 $0x200;
	v1 =	vbroadcast v1, $0x0;
	[sflag:s10] =	ssyncadd.s32 $0xFFFFC400  }
0x1bc: {  	[tilespmem:s24], [sflag:$0x4] =	stream.indirect.gather [hbm4b:s1+s21], $0x80, s9, s21, $0xb8;
	[tilespmem:$0x1F880] =	vst v63  }
0x1bd: {  	_ =	swait.ge [sflag:s28], $0x3C00  }
0x1be: {  	[sflag:s28] =	ssyncset.done $0x0  }
0x1bf: {  	[sflag:s28] =	ssyncadd.s32 $0xFFFFC400  }
0x1c0: {  	s11 =	simm.s32 $0x1;
	v2 =	vld.idx.msk [tilespmem:v0+s19+$0x0], $0xffff  }
0x1c1: {  	s31 =	simm.s32 $0xD00;
	v3 =	vmov s11;
	v0 =	vld.idx.msk [tilespmem:v1+s19+$0x0], $0xffff  }
0x1c2: {  	v1 =	vand.u32 $0x7D, v3;
	v3 =	vld [tilespmem:s31+$0xF0]  }
0x1c3: {  	v4 =	vld [tilespmem:s31+$0xFFFFFF00]  }
0x1c4: {  	v5 =	vld [tilespmem:s31+$0xFFFFFF10]  }
0x1c5: {  	v6 =	vld [tilespmem:s31+$0xFFFFFF20];
	v1 =	vor.u32 $0x180, v1  }
0x1c6: {  	v7 =	vld [tilespmem:s31+$0xFFFFFF30];
	v1 =	vbroadcast v1, $0x0  }
0x1c7: {  	v8 =	vld [tilespmem:s31+$0xFFFFFF40]  }
0x1c8: {  	v9 =	vld [tilespmem:s31+$0xFFFFFF50];
	v4 =	vmul.f32 v4, v2  }
0x1c9: {  	v10 =	vld [tilespmem:s31+$0xFFFFFF60];
	v3 =	vmul.f32 v3, v0  }
0x1ca: {  	[tilespmem:s31+$0xFFFFFF00] =	vst v4;
	v4 =	vld [tilespmem:s31+$0xFFFFFF70]  }
0x1cb: {  	s9 =	simm.s32 $0x2;
	v5 =	vmul.f32 v5, v2;
	[tilespmem:s31+$0xF0] =	vst v3;
	v3 =	vmul.f32 v6, v2;
	v6 =	vld [tilespmem:s31+$0xFFFFFF90]  }
0x1cc: {  	v11 =	vmov s9;
	v62 =	vld.idx.msk [tilespmem:v1+s19+$0x0], $0xffff  }
0x1cd: {  	[tilespmem:s31+$0xFFFFFF10] =	vst v5;
	v5 =	vmul.f32 v7, v2;
	v1 =	vand.u32 $0x7E, v11;
	v11 =	vld [tilespmem:s31+$0xFFFFFF80]  }
0x1ce: {  	v10 =	vmul.f32 v10, v2;
	v7 =	vld [tilespmem:s31+$0xFFFFFFA0];
	v1 =	vor.u32 $0x180, v1;
	[tilespmem:s31+$0xFFFFFF20] =	vst v3;
	v3 =	vmul.f32 v8, v2  }
0x1cf: {  	v8 =	vld [tilespmem:s31+$0xFFFFFFB0];
	[tilespmem:s31+$0xFFFFFF30] =	vst v5;
	v5 =	vmul.f32 v9, v2;
	v1 =	vbroadcast v1, $0x0  }
0x1d0: {  	[tilespmem:s31+$0xFFFFFF60] =	vst v10;
	v9 =	vld [tilespmem:s31+$0xFFFFFFC0]  }
0x1d1: {  	[tilespmem:s31+$0xFFFFFF50] =	vst v5;
	v5 =	vld [tilespmem:s31+$0xFFFFFFE0];
	v2 =	vmul.f32 v4, v2  }
0x1d2: {  	[tilespmem:s31+$0xFFFFFF40] =	vst v3;
	v4 =	vld [tilespmem:s31+$0xFFFFFFF0];
	v3 =	vmul.f32 v11, v62  }
0x1d3: {  	v11 =	vld [tilespmem:s31+$0xFFFFFFD0];
	[tilespmem:s31+$0xFFFFFF70] =	vst v2;
	v2 =	vmul.f32 v7, v62  }
0x1d4: {  	[tilespmem:s31+$0xFFFFFF80] =	vst v3;
	v3 =	vmul.f32 v6, v62;
	v6 =	vld [tilespmem:s31+$0x0]  }
0x1d5: {  	v1 =	vld.idx.msk [tilespmem:v1+s19+$0x0], $0xffff;
	[tilespmem:s31+$0xFFFFFFA0] =	vst v2;
	v2 =	vmul.f32 v9, v62  }
0x1d6: {  	v7 =	vld [tilespmem:s31+$0x10];
	[tilespmem:s31+$0xFFFFFF90] =	vst v3;
	v3 =	vmul.f32 v8, v62  }
0x1d7: {  	v5 =	vmul.f32 v5, v62;
	v8 =	vld [tilespmem:s31+$0x20];
	[tilespmem:s31+$0xFFFFFFC0] =	vst v2  }
0x1d8: {  	s11 =	simm.s32 $0x4;
	v9 =	vld [tilespmem:s31+$0x30];
	[tilespmem:s31+$0xFFFFFFB0] =	vst v3;
	v3 =	vmul.f32 v11, v62  }
0x1d9: {  	s9 =	simm.s32 $0x5;
	v10 =	vmov s11;
	v2 =	vld [tilespmem:s31+$0x40];
	[tilespmem:s31+$0xFFFFFFE0] =	vst v5;
	v11 =	vmul.f32 v4, v62  }
0x1da: {  	v63 =	vmov s9;
	s11 =	simm.s32 $0x6;
	v10 =	vand.u32 $0x7C, v10;
	[tilespmem:s31+$0xFFFFFFD0] =	vst v3;
	v6 =	vmul.f32 v6, v1;
	v3 =	vld [tilespmem:s31+$0x50]  }
0x1db: {  	v5 =	vor.u32 $0x180, v10;
	v10 =	vmov s11;
	v4 =	vld [tilespmem:s31+$0x60];
	v7 =	vmul.f32 v7, v1;
	[tilespmem:s31+$0xFFFFFFF0] =	vst v11  }
0x1dc: {  	v10 =	vand.u32 $0x7E, v10;
	v11 =	vand.u32 $0x7D, v63;
	v8 =	vmul.f32 v8, v1;
	[tilespmem:s31+$0x0] =	vst v6;
	v6 =	vld [tilespmem:s31+$0x70]  }
0x1dd: {  	s4 =	simm.s32 $0xD00;
	s9 =	simm.s32 $0x8;
	s11 =	simm.s32 $0x7;
	v5 =	vbroadcast v5, $0x0;
	v9 =	vmul.f32 v9, v1;
	v11 =	vor.u32 $0x180, v11;
	[tilespmem:s31+$0x10] =	vst v7;
	v7 =	vld [tilespmem:s31+$0x80]  }
.LBB2_9:
0x1de: {  	p1 =	slt.u32 s9, $0x74;
	v10 =	vor.u32 $0x180, v10;
	v12 =	vmov s11;
	[tilespmem:s31+$0x20] =	vst v8;
	v2 =	vmul.f32 v2, v1;
	v8 =	vld [tilespmem:s31+$0x90]  }
0x1df: {  	v11 =	vbroadcast v11, $0x0;
	v12 =	vand.u32 $0x7F, v12;
	[tilespmem:s31+$0x30] =	vst v9;
	v3 =	vmul.f32 v3, v1;
	v9 =	vld [tilespmem:s31+$0xA0]  }
0x1e0: {  	v10 =	vbroadcast v10, $0x0;
	v12 =	vor.u32 $0x180, v12;
	[tilespmem:s31+$0x40] =	vst v2;
	v2 =	vmul.f32 v4, v1;
	v4 =	vld [tilespmem:s31+$0xB0]  }
0x1e1: {  	v12 =	vbroadcast v12, $0x0;
	[tilespmem:s31+$0x50] =	vst v3;
	v1 =	vmul.f32 v6, v1;
	v3 =	vld [tilespmem:s31+$0xC0]  }
0x1e2: {  	[tilespmem:s31+$0x60] =	vst v2;
	v2 =	vmul.f32 v7, v0;
	v6 =	vld [tilespmem:s31+$0xD0]  }
0x1e3: {  	[tilespmem:s31+$0x70] =	vst v1;
	v1 =	vmul.f32 v8, v0;
	v7 =	vld [tilespmem:s31+$0xE0]  }
0x1e4: {  	v5 =	vld.idx.msk [tilespmem:v5+s19+$0x0], $0xffff;
	[tilespmem:s31+$0x80] =	vst v2;
	v2 =	vmul.f32 v9, v0  }
0x1e5: {  	v8 =	vld.idx.msk [tilespmem:v11+s19+$0x0], $0xffff;
	[tilespmem:s31+$0x90] =	vst v1;
	v4 =	vmul.f32 v4, v0  }
0x1e6: {  	v1 =	vld.idx.msk [tilespmem:v10+s19+$0x0], $0xffff;
	[tilespmem:s31+$0xA0] =	vst v2;
	v2 =	vmul.f32 v3, v0  }
0x1e7: {  	s31 =	sadd.s32 $0x200, s31;
	v3 =	vld.idx.msk [tilespmem:v12+s19+$0x0], $0xffff;
	[tilespmem:s4+$0xB0] =	vst v4;
	v4 =	vmul.f32 v6, v0  }
0x1e8: {  	v6 =	vld [tilespmem:s31+$0xF0];
	[tilespmem:s4+$0xC0] =	vst v2;
	v0 =	vmul.f32 v7, v0  }
0x1e9: {  	v2 =	vld [tilespmem:s31+$0xFFFFFF00];
	[tilespmem:s4+$0xD0] =	vst v4  }
0x1ea: {  	v4 =	vld [tilespmem:s31+$0xFFFFFF10];
	[tilespmem:s4+$0xE0] =	vst v0;
	s4 =	smov.u32 s31  }
0x1eb: {  	v7 =	vld [tilespmem:s31+$0xFFFFFF20]  }
0x1ec: {  	v9 =	vld [tilespmem:s31+$0xFFFFFF30]  }
0x1ed: {  	v0 =	vmov v3;
	v10 =	vld [tilespmem:s31+$0xFFFFFF40];
	v6 =	vmul.f32 v6, v3  }
0x1ee: {  	v2 =	vmul.f32 v2, v5;
	v3 =	vld [tilespmem:s31+$0xFFFFFF50]  }
0x1ef: {  	v4 =	vmul.f32 v4, v5;
	v11 =	vld [tilespmem:s31+$0xFFFFFF60];
	[tilespmem:s31+$0xF0] =	vst v6  }
0x1f0: {  	[tilespmem:s31+$0xFFFFFF00] =	vst v2;
	v2 =	vmul.f32 v7, v5;
	v6 =	vld [tilespmem:s31+$0xFFFFFF70]  }
0x1f1: {  	[tilespmem:s31+$0xFFFFFF10] =	vst v4;
	v4 =	vmul.f32 v9, v5;
	v7 =	vld [tilespmem:s31+$0xFFFFFF80]  }
0x1f2: {  	[tilespmem:s31+$0xFFFFFF20] =	vst v2;
	v2 =	vmul.f32 v10, v5;
	v9 =	vld [tilespmem:s31+$0xFFFFFF90]  }
0x1f3: {  	[tilespmem:s31+$0xFFFFFF30] =	vst v4;
	v3 =	vmul.f32 v3, v5;
	v4 =	vld [tilespmem:s31+$0xFFFFFFA0]  }
0x1f4: {  	[tilespmem:s31+$0xFFFFFF40] =	vst v2;
	v2 =	vmul.f32 v11, v5;
	v10 =	vld [tilespmem:s31+$0xFFFFFFB0]  }
0x1f5: {  	[tilespmem:s31+$0xFFFFFF50] =	vst v3;
	v3 =	vmul.f32 v6, v5;
	v5 =	vld [tilespmem:s31+$0xFFFFFFC0]  }
0x1f6: {  	[tilespmem:s31+$0xFFFFFF60] =	vst v2;
	v2 =	vmul.f32 v7, v8;
	v6 =	vld [tilespmem:s31+$0xFFFFFFD0]  }
0x1f7: {  	[tilespmem:s31+$0xFFFFFF70] =	vst v3;
	v3 =	vmul.f32 v9, v8;
	v7 =	vld [tilespmem:s31+$0xFFFFFFE0]  }
0x1f8: {  	[tilespmem:s31+$0xFFFFFF80] =	vst v2;
	v2 =	vmul.f32 v4, v8;
	v4 =	vld [tilespmem:s31+$0xFFFFFFF0]  }
0x1f9: {  	[tilespmem:s31+$0xFFFFFF90] =	vst v3;
	v3 =	vmul.f32 v10, v8;
	v9 =	vld [tilespmem:s31+$0x0]  }
0x1fa: {  	[tilespmem:s31+$0xFFFFFFA0] =	vst v2;
	v2 =	vmul.f32 v5, v8;
	v5 =	vld [tilespmem:s31+$0x10]  }
0x1fb: {  	[tilespmem:s31+$0xFFFFFFB0] =	vst v3;
	v3 =	vmul.f32 v6, v8;
	v6 =	vld [tilespmem:s31+$0x20]  }
0x1fc: {  	[tilespmem:s31+$0xFFFFFFC0] =	vst v2;
	v7 =	vmul.f32 v7, v8;
	v12 =	vld [tilespmem:s31+$0x30]  }
.Ltmp3:
0x1fd: {  	s11 =	sadd.s32 $0x1, s9;
	v10 =	vmov s9;
	[tilespmem:s31+$0xFFFFFFD0] =	vst v3;
	v4 =	vmul.f32 v4, v8;
	v2 =	vld [tilespmem:s31+$0x40];
	(pc) =	sbr.rel @p1 .LBB2_9-.Ltmp3, $4  }
0x1fe: {  	v8 =	vand.u32 $0x7C, v10;
	v10 =	vmov s11;
	s11 =	sadd.s32 $0x2, s9;
	[tilespmem:s31+$0xFFFFFFE0] =	vst v7;
	v7 =	vmul.f32 v9, v1;
	v3 =	vld [tilespmem:s31+$0x50]  }
0x1ff: {  	v9 =	vor.u32 $0x180, v8;
	v8 =	vmov s11;
	[tilespmem:s31+$0xFFFFFFF0] =	vst v4;
	v13 =	vmul.f32 v5, v1;
	v4 =	vld [tilespmem:s31+$0x60]  }
0x200: {  	v11 =	vand.u32 $0x7D, v10;
	v10 =	vand.u32 $0x7E, v8;
	[tilespmem:s31+$0x0] =	vst v7;
	v8 =	vmul.f32 v6, v1;
	v6 =	vld [tilespmem:s31+$0x70]  }
0x201: {  	s11 =	sadd.s32 $0x3, s9;
	s9 =	sadd.s32 $0x4, s9;
	v5 =	vbroadcast v9, $0x0;
	v11 =	vor.u32 $0x180, v11;
	[tilespmem:s31+$0x10] =	vst v13;
	v9 =	vmul.f32 v12, v1;
	v7 =	vld [tilespmem:s31+$0x80]  }
0x202: {  	v13 =	vld [tilespmem:s31+$0x90]  }
0x203: {  	v14 =	vld [tilespmem:s31+$0xA0]  }
0x204: {  	v12 =	vmov s11;
	v10 =	vor.u32 $0x180, v10;
	v11 =	vbroadcast v11, $0x0;
	v15 =	vld [tilespmem:s31+$0xB0]  }
0x205: {  	v16 =	vld [tilespmem:s31+$0xC0];
	[tilespmem:s31+$0x20] =	vst v8;
	v2 =	vmul.f32 v2, v1;
	v12 =	vand.u32 $0x7F, v12;
	v10 =	vbroadcast v10, $0x0  }
0x206: {  	v8 =	vld [tilespmem:s31+$0xD0];
	[tilespmem:s31+$0x30] =	vst v9;
	v3 =	vmul.f32 v3, v1;
	v12 =	vor.u32 $0x180, v12  }
0x207: {  	v9 =	vld [tilespmem:s31+$0xE0];
	[tilespmem:s31+$0x40] =	vst v2;
	v2 =	vmul.f32 v4, v1;
	v12 =	vbroadcast v12, $0x0  }
0x208: {  	s9 =	sadd.s32 $0x200, s31;
	v4 =	vld.idx.msk [tilespmem:v5+s19+$0x0], $0xffff;
	[tilespmem:s31+$0x50] =	vst v3;
	v1 =	vmul.f32 v6, v1  }
0x209: {  	[tilespmem:s31+$0x60] =	vst v2;
	v2 =	vmul.f32 v7, v0;
	v7 =	vld [tilespmem:s9+$0xF0]  }
0x20a: {  	[tilespmem:s31+$0x70] =	vst v1;
	v1 =	vmul.f32 v13, v0;
	v3 =	vld.idx.msk [tilespmem:v11+s19+$0x0], $0xffff  }
0x20b: {  	[tilespmem:s31+$0x80] =	vst v2;
	v2 =	vmul.f32 v14, v0;
	v5 =	vld.idx.msk [tilespmem:v10+s19+$0x0], $0xffff  }
0x20c: {  	[tilespmem:s31+$0x90] =	vst v1;
	v1 =	vmul.f32 v15, v0;
	v10 =	vld [tilespmem:s9+$0xFFFFFF00]  }
0x20d: {  	[tilespmem:s31+$0xA0] =	vst v2;
	v2 =	vmul.f32 v16, v0;
	v6 =	vld.idx.msk [tilespmem:v12+s19+$0x0], $0xffff  }
0x20e: {  	v11 =	vld [tilespmem:s9+$0xFFFFFF10];
	[tilespmem:s4+$0xB0] =	vst v1;
	v1 =	vmul.f32 v8, v0  }
0x20f: {  	v8 =	vld [tilespmem:s9+$0xFFFFFF20];
	v0 =	vmul.f32 v9, v0;
	[tilespmem:s4+$0xC0] =	vst v2  }
0x210: {  	v2 =	vld [tilespmem:s9+$0xFFFFFF30];
	[tilespmem:s4+$0xD0] =	vst v1  }
0x211: {  	v1 =	vld [tilespmem:s9+$0xFFFFFF40];
	[tilespmem:s4+$0xE0] =	vst v0;
	v0 =	vmul.f32 v10, v4  }
0x212: {  	v9 =	vld [tilespmem:s9+$0xFFFFFF50];
	v7 =	vmul.f32 v7, v6  }
0x213: {  	v10 =	vmul.f32 v11, v4;
	v11 =	vld [tilespmem:s9+$0xFFFFFF60];
	[tilespmem:s9+$0xFFFFFF00] =	vst v0  }
0x214: {  	v0 =	vmul.f32 v8, v4;
	[tilespmem:s9+$0xF0] =	vst v7;
	v7 =	vld [tilespmem:s9+$0xFFFFFF70]  }
0x215: {  	[tilespmem:s9+$0xFFFFFF10] =	vst v10;
	v8 =	vld [tilespmem:s9+$0xFFFFFF80];
	v2 =	vmul.f32 v2, v4  }
0x216: {  	[tilespmem:s9+$0xFFFFFF20] =	vst v0;
	v0 =	vmul.f32 v1, v4;
	v1 =	vld [tilespmem:s9+$0xFFFFFF90]  }
0x217: {  	[tilespmem:s9+$0xFFFFFF30] =	vst v2;
	v2 =	vmul.f32 v9, v4;
	v9 =	vld [tilespmem:s9+$0xFFFFFFA0]  }
0x218: {  	v10 =	vld [tilespmem:s9+$0xFFFFFFB0];
	[tilespmem:s9+$0xFFFFFF40] =	vst v0;
	v0 =	vmul.f32 v11, v4  }
0x219: {  	[tilespmem:s9+$0xFFFFFF50] =	vst v2;
	v2 =	vmul.f32 v7, v4;
	v4 =	vld [tilespmem:s9+$0xFFFFFFC0]  }
0x21a: {  	[tilespmem:s9+$0xFFFFFF60] =	vst v0;
	v0 =	vmul.f32 v8, v3;
	v7 =	vld [tilespmem:s9+$0xFFFFFFD0]  }
0x21b: {  	v1 =	vmul.f32 v1, v3;
	[tilespmem:s9+$0xFFFFFF70] =	vst v2;
	v2 =	vld [tilespmem:s9+$0xFFFFFFE0]  }
0x21c: {  	v8 =	vld [tilespmem:s9+$0xFFFFFFF0];
	[tilespmem:s9+$0xFFFFFF80] =	vst v0;
	v0 =	vmul.f32 v9, v3  }
0x21d: {  	v9 =	vld [tilespmem:s9+$0x0];
	[tilespmem:s9+$0xFFFFFF90] =	vst v1;
	v1 =	vmul.f32 v10, v3  }
0x21e: {  	[tilespmem:s9+$0xFFFFFFA0] =	vst v0;
	v0 =	vmul.f32 v4, v3;
	v4 =	vld [tilespmem:s9+$0x10]  }
0x21f: {  	[tilespmem:s9+$0xFFFFFFB0] =	vst v1;
	v1 =	vmul.f32 v7, v3;
	v7 =	vld [tilespmem:s9+$0x20]  }
0x220: {  	[tilespmem:s9+$0xFFFFFFC0] =	vst v0;
	v0 =	vmul.f32 v2, v3;
	v2 =	vld [tilespmem:s9+$0x30]  }
0x221: {  	[tilespmem:s9+$0xFFFFFFD0] =	vst v1;
	v1 =	vmul.f32 v8, v3;
	v3 =	vld [tilespmem:s9+$0x40]  }
0x222: {  	v8 =	vld [tilespmem:s9+$0x50];
	[tilespmem:s9+$0xFFFFFFE0] =	vst v0;
	v0 =	vmul.f32 v9, v5  }
0x223: {  	[tilespmem:s9+$0xFFFFFFF0] =	vst v1;
	v1 =	vmul.f32 v4, v5;
	v4 =	vld [tilespmem:s9+$0x60]  }
0x224: {  	[tilespmem:s9+$0x0] =	vst v0;
	v0 =	vmul.f32 v7, v5;
	v7 =	vld [tilespmem:s9+$0x70]  }
0x225: {  	[tilespmem:s9+$0x10] =	vst v1;
	v1 =	vmul.f32 v2, v5;
	v2 =	vld [tilespmem:s9+$0x80]  }
0x226: {  	[tilespmem:s9+$0x20] =	vst v0;
	v0 =	vmul.f32 v3, v5;
	v3 =	vld [tilespmem:s9+$0x90]  }
0x227: {  	[tilespmem:s9+$0x30] =	vst v1;
	v1 =	vmul.f32 v8, v5;
	v8 =	vld [tilespmem:s9+$0xA0]  }
0x228: {  	[tilespmem:s9+$0x40] =	vst v0;
	v0 =	vmul.f32 v4, v5;
	v4 =	vld [tilespmem:s9+$0xB0]  }
0x229: {  	[tilespmem:s9+$0x50] =	vst v1;
	v1 =	vmul.f32 v7, v5;
	v5 =	vld [tilespmem:s9+$0xC0]  }
0x22a: {  	[tilespmem:s9+$0x60] =	vst v0;
	v0 =	vmul.f32 v2, v6;
	v2 =	vld [tilespmem:s9+$0xD0]  }
0x22b: {  	[tilespmem:s9+$0x70] =	vst v1;
	v1 =	vmul.f32 v3, v6;
	v3 =	vld [tilespmem:s9+$0xE0]  }
0x22c: {  	[tilespmem:s9+$0x80] =	vst v0;
	v0 =	vmul.f32 v8, v6  }
0x22d: {  	[tilespmem:s9+$0x90] =	vst v1;
	v1 =	vmul.f32 v4, v6  }
0x22e: {  	[tilespmem:s9+$0xA0] =	vst v0;
	v0 =	vmul.f32 v5, v6  }
0x22f: {  	[tilespmem:s9+$0xB0] =	vst v1;
	v1 =	vmul.f32 v2, v6  }
0x230: {  	[tilespmem:s9+$0xC0] =	vst v0;
	v0 =	vmul.f32 v3, v6  }
0x231: {  	[tilespmem:s9+$0xD0] =	vst v1  }
0x232: {  	[tilespmem:s9+$0xE0] =	vst v0  }
0x233: {  	[spmem:s2] =	stream.indirect.scatter.add.f32 [tilespmem:s22], [sflag:$0x6], $0x80, s30, s21, $0xb8;
	[tilespmem:$0x1F880] =	vst v63  }
0x234: {  	p1 =	seq.s32 s20, $0xD;
	_ =	swait.ge [sflag:s14], $0x3C00  }
0x235: {  	s4 =	sadd.s32 @!p1 s17, s13;
	[sflag:s14] =	ssyncset.done $0x0  }
0x236: {  	s31 =	simm.s32 $0x0;
	s4 =	sshrl.u32 @!p1 s4, $0x3;
	[sflag:s14] =	ssyncadd.s32 $0xFFFFC400  }
0x237: {  	[tilespmem:s26], [sflag:$0x5] =	stream.indirect.gather [hbm4b:s1+s21], $0x80, s15, s21, $0xb8;
	[tilespmem:$0x1F880] =	vst v63  }
0x238: {  	s17 =	simm.s32 @!p1 $0x0;
	s11 =	sadd.s32 @!p1 s5, s4;
	v0 =	vmov s31;
	s31 =	simm.s32 $0x3  }
0x239: {  	v0 =	vand.u32 $0x7C, v0;
	v1 =	vmov s31;
	[tilespmem:s17], [sflag:$0x1] =	stream.linear.gather @!p1 [hbm4b:s11+s17], $0x180, $0x38;
	[tilespmem:$0x1F880] =	vst v63  }
0x23a: {  	s9 =	sadd.s32 @!p1 s6, s4;
	v0 =	vor.u32 $0x200, v0;
	v1 =	vand.u32 $0x7F, v1;
	s11 =	simm.s32 @!p1 $0x400  }
0x23b: {  	v0 =	vbroadcast v0, $0x0;
	v1 =	vor.u32 $0x200, v1;
	[tilespmem:s11], [sflag:$0x1] =	stream.linear.gather @!p1 [hbm4b:s9+s17], $0x180, $0x38;
	[tilespmem:$0x1F880] =	vst v63  }
0x23c: {  	s4 =	sadd.s32 @!p1 s7, s4;
	v1 =	vbroadcast v1, $0x0;
	s9 =	simm.s32 @!p1 $0x800  }
0x23d: {  	[tilespmem:s9], [sflag:$0x1] =	stream.linear.gather @!p1 [hbm4b:s4+s17], $0x180, $0x38;
	[tilespmem:$0x1F880] =	vst v63  }
0x23e: {  	_ =	swait.ge [sflag:s0], $0x3C00  }
0x23f: {  	[sflag:s0] =	ssyncset.done $0x0  }
0x240: {  	[sflag:s0] =	ssyncadd.s32 $0xFFFFC400  }
0x241: {  	s11 =	simm.s32 $0x1;
	v2 =	vld.idx.msk [tilespmem:v0+s19+$0x0], $0xffff  }
0x242: {  	v3 =	vmov s11;
	s17 =	simm.s32 $0x49F0;
	v0 =	vld.idx.msk [tilespmem:v1+s19+$0x0], $0xffff  }
0x243: {  	v1 =	vand.u32 $0x7D, v3;
	v3 =	vld [tilespmem:s17+$0x0]  }
0x244: {  	v4 =	vld [tilespmem:s17+$0xFFFFFE10]  }
0x245: {  	v5 =	vld [tilespmem:s17+$0xFFFFFE20]  }
0x246: {  	v6 =	vld [tilespmem:s17+$0xFFFFFE30];
	v1 =	vor.u32 $0x200, v1  }
0x247: {  	v7 =	vld [tilespmem:s17+$0xFFFFFE40];
	v1 =	vbroadcast v1, $0x0  }
0x248: {  	v8 =	vld [tilespmem:s17+$0xFFFFFE50]  }
0x249: {  	v9 =	vld [tilespmem:s17+$0xFFFFFE60];
	v4 =	vmul.f32 v4, v2  }
0x24a: {  	v10 =	vld [tilespmem:s17+$0xFFFFFE70];
	v3 =	vmul.f32 v3, v0  }
0x24b: {  	[tilespmem:s17+$0xFFFFFE10] =	vst v4;
	v4 =	vld [tilespmem:s17+$0xFFFFFE80]  }
0x24c: {  	s31 =	simm.s32 $0x2;
	v5 =	vmul.f32 v5, v2;
	[tilespmem:s17+$0x0] =	vst v3;
	v3 =	vmul.f32 v6, v2;
	v6 =	vld [tilespmem:s17+$0xFFFFFEA0]  }
0x24d: {  	v11 =	vmov s31;
	v62 =	vld.idx.msk [tilespmem:v1+s19+$0x0], $0xffff  }
0x24e: {  	[tilespmem:s17+$0xFFFFFE20] =	vst v5;
	v5 =	vmul.f32 v7, v2;
	v1 =	vand.u32 $0x7E, v11;
	v11 =	vld [tilespmem:s17+$0xFFFFFE90]  }
0x24f: {  	v10 =	vmul.f32 v10, v2;
	v7 =	vld [tilespmem:s17+$0xFFFFFEB0];
	v1 =	vor.u32 $0x200, v1;
	[tilespmem:s17+$0xFFFFFE30] =	vst v3;
	v3 =	vmul.f32 v8, v2  }
0x250: {  	v8 =	vld [tilespmem:s17+$0xFFFFFEC0];
	[tilespmem:s17+$0xFFFFFE40] =	vst v5;
	v5 =	vmul.f32 v9, v2;
	v1 =	vbroadcast v1, $0x0  }
0x251: {  	[tilespmem:s17+$0xFFFFFE70] =	vst v10;
	v9 =	vld [tilespmem:s17+$0xFFFFFED0]  }
0x252: {  	[tilespmem:s17+$0xFFFFFE60] =	vst v5;
	v5 =	vld [tilespmem:s17+$0xFFFFFEF0];
	v2 =	vmul.f32 v4, v2  }
0x253: {  	[tilespmem:s17+$0xFFFFFE50] =	vst v3;
	v4 =	vld [tilespmem:s17+$0xFFFFFF00];
	v3 =	vmul.f32 v11, v62  }
0x254: {  	v11 =	vld [tilespmem:s17+$0xFFFFFEE0];
	[tilespmem:s17+$0xFFFFFE80] =	vst v2;
	v2 =	vmul.f32 v7, v62  }
0x255: {  	[tilespmem:s17+$0xFFFFFE90] =	vst v3;
	v3 =	vmul.f32 v6, v62;
	v6 =	vld [tilespmem:s17+$0xFFFFFF10]  }
0x256: {  	v1 =	vld.idx.msk [tilespmem:v1+s19+$0x0], $0xffff;
	[tilespmem:s17+$0xFFFFFEB0] =	vst v2;
	v2 =	vmul.f32 v9, v62  }
0x257: {  	v7 =	vld [tilespmem:s17+$0xFFFFFF20];
	[tilespmem:s17+$0xFFFFFEA0] =	vst v3;
	v3 =	vmul.f32 v8, v62  }
0x258: {  	v5 =	vmul.f32 v5, v62;
	v8 =	vld [tilespmem:s17+$0xFFFFFF30];
	[tilespmem:s17+$0xFFFFFED0] =	vst v2  }
0x259: {  	s9 =	simm.s32 $0x4;
	v9 =	vld [tilespmem:s17+$0xFFFFFF40];
	[tilespmem:s17+$0xFFFFFEC0] =	vst v3;
	v3 =	vmul.f32 v11, v62  }
0x25a: {  	s11 =	simm.s32 $0x5;
	v10 =	vmov s9;
	v2 =	vld [tilespmem:s17+$0xFFFFFF50];
	[tilespmem:s17+$0xFFFFFEF0] =	vst v5;
	v11 =	vmul.f32 v4, v62  }
0x25b: {  	s31 =	simm.s32 $0x6;
	v63 =	vmov s11;
	v10 =	vand.u32 $0x7C, v10;
	[tilespmem:s17+$0xFFFFFEE0] =	vst v3;
	v6 =	vmul.f32 v6, v1;
	v3 =	vld [tilespmem:s17+$0xFFFFFF60]  }
0x25c: {  	v5 =	vor.u32 $0x200, v10;
	v10 =	vmov s31;
	v4 =	vld [tilespmem:s17+$0xFFFFFF70];
	v7 =	vmul.f32 v7, v1;
	[tilespmem:s17+$0xFFFFFF00] =	vst v11  }
0x25d: {  	v10 =	vand.u32 $0x7E, v10;
	v11 =	vand.u32 $0x7D, v63;
	v8 =	vmul.f32 v8, v1;
	[tilespmem:s17+$0xFFFFFF10] =	vst v6;
	v6 =	vld [tilespmem:s17+$0xFFFFFF80]  }
0x25e: {  	s11 =	simm.s32 $0x7;
	s4 =	simm.s32 $0x49F0;
	s9 =	simm.s32 $0x8;
	v5 =	vbroadcast v5, $0x0;
	v9 =	vmul.f32 v9, v1;
	v11 =	vor.u32 $0x200, v11;
	[tilespmem:s17+$0xFFFFFF20] =	vst v7;
	v7 =	vld [tilespmem:s17+$0xFFFFFF90]  }
.LBB2_11:
0x25f: {  	p2 =	slt.u32 s9, $0x74;
	v10 =	vor.u32 $0x200, v10;
	v12 =	vmov s11;
	[tilespmem:s17+$0xFFFFFF30] =	vst v8;
	v2 =	vmul.f32 v2, v1;
	v8 =	vld [tilespmem:s17+$0xFFFFFFA0]  }
0x260: {  	v11 =	vbroadcast v11, $0x0;
	v12 =	vand.u32 $0x7F, v12;
	[tilespmem:s17+$0xFFFFFF40] =	vst v9;
	v3 =	vmul.f32 v3, v1;
	v9 =	vld [tilespmem:s17+$0xFFFFFFB0]  }
0x261: {  	v10 =	vbroadcast v10, $0x0;
	v12 =	vor.u32 $0x200, v12;
	[tilespmem:s17+$0xFFFFFF50] =	vst v2;
	v2 =	vmul.f32 v4, v1;
	v4 =	vld [tilespmem:s17+$0xFFFFFFC0]  }
0x262: {  	v12 =	vbroadcast v12, $0x0;
	[tilespmem:s17+$0xFFFFFF60] =	vst v3;
	v1 =	vmul.f32 v6, v1;
	v3 =	vld [tilespmem:s17+$0xFFFFFFD0]  }
0x263: {  	[tilespmem:s17+$0xFFFFFF70] =	vst v2;
	v2 =	vmul.f32 v7, v0;
	v6 =	vld [tilespmem:s17+$0xFFFFFFE0]  }
0x264: {  	[tilespmem:s17+$0xFFFFFF80] =	vst v1;
	v1 =	vmul.f32 v8, v0;
	v7 =	vld [tilespmem:s17+$0xFFFFFFF0]  }
0x265: {  	v5 =	vld.idx.msk [tilespmem:v5+s19+$0x0], $0xffff;
	[tilespmem:s17+$0xFFFFFF90] =	vst v2;
	v2 =	vmul.f32 v9, v0  }
0x266: {  	v8 =	vld.idx.msk [tilespmem:v11+s19+$0x0], $0xffff;
	[tilespmem:s17+$0xFFFFFFA0] =	vst v1;
	v4 =	vmul.f32 v4, v0  }
0x267: {  	v1 =	vld.idx.msk [tilespmem:v10+s19+$0x0], $0xffff;
	[tilespmem:s17+$0xFFFFFFB0] =	vst v2;
	v2 =	vmul.f32 v3, v0  }
0x268: {  	s17 =	sadd.s32 $0x200, s17;
	v3 =	vld.idx.msk [tilespmem:v12+s19+$0x0], $0xffff;
	[tilespmem:s4+$0xFFFFFFC0] =	vst v4;
	v4 =	vmul.f32 v6, v0  }
0x269: {  	v6 =	vld [tilespmem:s17+$0x0];
	[tilespmem:s4+$0xFFFFFFD0] =	vst v2;
	v0 =	vmul.f32 v7, v0  }
0x26a: {  	v2 =	vld [tilespmem:s17+$0xFFFFFE10];
	[tilespmem:s4+$0xFFFFFFE0] =	vst v4  }
0x26b: {  	v4 =	vld [tilespmem:s17+$0xFFFFFE20];
	[tilespmem:s4+$0xFFFFFFF0] =	vst v0;
	s4 =	smov.u32 s17  }
0x26c: {  	v7 =	vld [tilespmem:s17+$0xFFFFFE30]  }
0x26d: {  	v9 =	vld [tilespmem:s17+$0xFFFFFE40]  }
0x26e: {  	v0 =	vmov v3;
	v10 =	vld [tilespmem:s17+$0xFFFFFE50];
	v6 =	vmul.f32 v6, v3  }
0x26f: {  	v2 =	vmul.f32 v2, v5;
	v3 =	vld [tilespmem:s17+$0xFFFFFE60]  }
0x270: {  	v4 =	vmul.f32 v4, v5;
	v11 =	vld [tilespmem:s17+$0xFFFFFE70];
	[tilespmem:s17+$0x0] =	vst v6  }
0x271: {  	[tilespmem:s17+$0xFFFFFE10] =	vst v2;
	v2 =	vmul.f32 v7, v5;
	v6 =	vld [tilespmem:s17+$0xFFFFFE80]  }
0x272: {  	[tilespmem:s17+$0xFFFFFE20] =	vst v4;
	v4 =	vmul.f32 v9, v5;
	v7 =	vld [tilespmem:s17+$0xFFFFFE90]  }
0x273: {  	[tilespmem:s17+$0xFFFFFE30] =	vst v2;
	v2 =	vmul.f32 v10, v5;
	v9 =	vld [tilespmem:s17+$0xFFFFFEA0]  }
0x274: {  	[tilespmem:s17+$0xFFFFFE40] =	vst v4;
	v3 =	vmul.f32 v3, v5;
	v4 =	vld [tilespmem:s17+$0xFFFFFEB0]  }
0x275: {  	[tilespmem:s17+$0xFFFFFE50] =	vst v2;
	v2 =	vmul.f32 v11, v5;
	v10 =	vld [tilespmem:s17+$0xFFFFFEC0]  }
0x276: {  	[tilespmem:s17+$0xFFFFFE60] =	vst v3;
	v3 =	vmul.f32 v6, v5;
	v5 =	vld [tilespmem:s17+$0xFFFFFED0]  }
0x277: {  	[tilespmem:s17+$0xFFFFFE70] =	vst v2;
	v2 =	vmul.f32 v7, v8;
	v6 =	vld [tilespmem:s17+$0xFFFFFEE0]  }
0x278: {  	[tilespmem:s17+$0xFFFFFE80] =	vst v3;
	v3 =	vmul.f32 v9, v8;
	v7 =	vld [tilespmem:s17+$0xFFFFFEF0]  }
0x279: {  	[tilespmem:s17+$0xFFFFFE90] =	vst v2;
	v2 =	vmul.f32 v4, v8;
	v4 =	vld [tilespmem:s17+$0xFFFFFF00]  }
0x27a: {  	[tilespmem:s17+$0xFFFFFEA0] =	vst v3;
	v3 =	vmul.f32 v10, v8;
	v9 =	vld [tilespmem:s17+$0xFFFFFF10]  }
0x27b: {  	[tilespmem:s17+$0xFFFFFEB0] =	vst v2;
	v2 =	vmul.f32 v5, v8;
	v5 =	vld [tilespmem:s17+$0xFFFFFF20]  }
0x27c: {  	[tilespmem:s17+$0xFFFFFEC0] =	vst v3;
	v3 =	vmul.f32 v6, v8;
	v6 =	vld [tilespmem:s17+$0xFFFFFF30]  }
0x27d: {  	[tilespmem:s17+$0xFFFFFED0] =	vst v2;
	v7 =	vmul.f32 v7, v8;
	v12 =	vld [tilespmem:s17+$0xFFFFFF40]  }
.Ltmp4:
0x27e: {  	s11 =	sadd.s32 $0x1, s9;
	v10 =	vmov s9;
	[tilespmem:s17+$0xFFFFFEE0] =	vst v3;
	v4 =	vmul.f32 v4, v8;
	v2 =	vld [tilespmem:s17+$0xFFFFFF50];
	(pc) =	sbr.rel @p2 .LBB2_11-.Ltmp4, $4  }
0x27f: {  	v8 =	vand.u32 $0x7C, v10;
	v10 =	vmov s11;
	s11 =	sadd.s32 $0x2, s9;
	[tilespmem:s17+$0xFFFFFEF0] =	vst v7;
	v7 =	vmul.f32 v9, v1;
	v3 =	vld [tilespmem:s17+$0xFFFFFF60]  }
0x280: {  	v9 =	vor.u32 $0x200, v8;
	v8 =	vmov s11;
	[tilespmem:s17+$0xFFFFFF00] =	vst v4;
	v13 =	vmul.f32 v5, v1;
	v4 =	vld [tilespmem:s17+$0xFFFFFF70]  }
0x281: {  	v11 =	vand.u32 $0x7D, v10;
	v10 =	vand.u32 $0x7E, v8;
	[tilespmem:s17+$0xFFFFFF10] =	vst v7;
	v8 =	vmul.f32 v6, v1;
	v6 =	vld [tilespmem:s17+$0xFFFFFF80]  }
0x282: {  	s11 =	sadd.s32 $0x3, s9;
	s9 =	sadd.s32 $0x4, s9;
	v5 =	vbroadcast v9, $0x0;
	v11 =	vor.u32 $0x200, v11;
	[tilespmem:s17+$0xFFFFFF20] =	vst v13;
	v9 =	vmul.f32 v12, v1;
	v7 =	vld [tilespmem:s17+$0xFFFFFF90]  }
0x283: {  	v13 =	vld [tilespmem:s17+$0xFFFFFFA0]  }
0x284: {  	v14 =	vld [tilespmem:s17+$0xFFFFFFB0]  }
0x285: {  	v12 =	vmov s11;
	v10 =	vor.u32 $0x200, v10;
	v11 =	vbroadcast v11, $0x0;
	v15 =	vld [tilespmem:s17+$0xFFFFFFC0]  }
0x286: {  	v16 =	vld [tilespmem:s17+$0xFFFFFFD0];
	[tilespmem:s17+$0xFFFFFF30] =	vst v8;
	v2 =	vmul.f32 v2, v1;
	v12 =	vand.u32 $0x7F, v12;
	v10 =	vbroadcast v10, $0x0  }
0x287: {  	v8 =	vld [tilespmem:s17+$0xFFFFFFE0];
	[tilespmem:s17+$0xFFFFFF40] =	vst v9;
	v3 =	vmul.f32 v3, v1;
	v12 =	vor.u32 $0x200, v12  }
0x288: {  	v9 =	vld [tilespmem:s17+$0xFFFFFFF0];
	[tilespmem:s17+$0xFFFFFF50] =	vst v2;
	v2 =	vmul.f32 v4, v1;
	v12 =	vbroadcast v12, $0x0  }
0x289: {  	s9 =	sadd.s32 $0x200, s17;
	v4 =	vld.idx.msk [tilespmem:v5+s19+$0x0], $0xffff;
	[tilespmem:s17+$0xFFFFFF60] =	vst v3;
	v1 =	vmul.f32 v6, v1  }
0x28a: {  	[tilespmem:s17+$0xFFFFFF70] =	vst v2;
	v2 =	vmul.f32 v7, v0;
	v7 =	vld [tilespmem:s9+$0x0]  }
0x28b: {  	[tilespmem:s17+$0xFFFFFF80] =	vst v1;
	v1 =	vmul.f32 v13, v0;
	v3 =	vld.idx.msk [tilespmem:v11+s19+$0x0], $0xffff  }
0x28c: {  	[tilespmem:s17+$0xFFFFFF90] =	vst v2;
	v2 =	vmul.f32 v14, v0;
	v5 =	vld.idx.msk [tilespmem:v10+s19+$0x0], $0xffff  }
0x28d: {  	[tilespmem:s17+$0xFFFFFFA0] =	vst v1;
	v1 =	vmul.f32 v15, v0;
	v10 =	vld [tilespmem:s9+$0xFFFFFE10]  }
0x28e: {  	[tilespmem:s17+$0xFFFFFFB0] =	vst v2;
	v2 =	vmul.f32 v16, v0;
	v6 =	vld.idx.msk [tilespmem:v12+s19+$0x0], $0xffff  }
0x28f: {  	v11 =	vld [tilespmem:s9+$0xFFFFFE20];
	[tilespmem:s4+$0xFFFFFFC0] =	vst v1;
	v1 =	vmul.f32 v8, v0  }
0x290: {  	v8 =	vld [tilespmem:s9+$0xFFFFFE30];
	v0 =	vmul.f32 v9, v0;
	[tilespmem:s4+$0xFFFFFFD0] =	vst v2  }
0x291: {  	v2 =	vld [tilespmem:s9+$0xFFFFFE40];
	[tilespmem:s4+$0xFFFFFFE0] =	vst v1  }
0x292: {  	v1 =	vld [tilespmem:s9+$0xFFFFFE50];
	[tilespmem:s4+$0xFFFFFFF0] =	vst v0;
	v0 =	vmul.f32 v10, v4  }
0x293: {  	v9 =	vld [tilespmem:s9+$0xFFFFFE60];
	v7 =	vmul.f32 v7, v6  }
0x294: {  	v10 =	vmul.f32 v11, v4;
	v11 =	vld [tilespmem:s9+$0xFFFFFE70];
	[tilespmem:s9+$0xFFFFFE10] =	vst v0  }
0x295: {  	v0 =	vmul.f32 v8, v4;
	[tilespmem:s9+$0x0] =	vst v7;
	v7 =	vld [tilespmem:s9+$0xFFFFFE80]  }
0x296: {  	[tilespmem:s9+$0xFFFFFE20] =	vst v10;
	v8 =	vld [tilespmem:s9+$0xFFFFFE90];
	v2 =	vmul.f32 v2, v4  }
0x297: {  	[tilespmem:s9+$0xFFFFFE30] =	vst v0;
	v0 =	vmul.f32 v1, v4;
	v1 =	vld [tilespmem:s9+$0xFFFFFEA0]  }
0x298: {  	[tilespmem:s9+$0xFFFFFE40] =	vst v2;
	v2 =	vmul.f32 v9, v4;
	v9 =	vld [tilespmem:s9+$0xFFFFFEB0]  }
0x299: {  	v10 =	vld [tilespmem:s9+$0xFFFFFEC0];
	[tilespmem:s9+$0xFFFFFE50] =	vst v0;
	v0 =	vmul.f32 v11, v4  }
0x29a: {  	[tilespmem:s9+$0xFFFFFE60] =	vst v2;
	v2 =	vmul.f32 v7, v4;
	v4 =	vld [tilespmem:s9+$0xFFFFFED0]  }
0x29b: {  	[tilespmem:s9+$0xFFFFFE70] =	vst v0;
	v0 =	vmul.f32 v8, v3;
	v7 =	vld [tilespmem:s9+$0xFFFFFEE0]  }
0x29c: {  	v1 =	vmul.f32 v1, v3;
	[tilespmem:s9+$0xFFFFFE80] =	vst v2;
	v2 =	vld [tilespmem:s9+$0xFFFFFEF0]  }
0x29d: {  	v8 =	vld [tilespmem:s9+$0xFFFFFF00];
	[tilespmem:s9+$0xFFFFFE90] =	vst v0;
	v0 =	vmul.f32 v9, v3  }
0x29e: {  	v9 =	vld [tilespmem:s9+$0xFFFFFF10];
	[tilespmem:s9+$0xFFFFFEA0] =	vst v1;
	v1 =	vmul.f32 v10, v3  }
0x29f: {  	[tilespmem:s9+$0xFFFFFEB0] =	vst v0;
	v0 =	vmul.f32 v4, v3;
	v4 =	vld [tilespmem:s9+$0xFFFFFF20]  }
0x2a0: {  	[tilespmem:s9+$0xFFFFFEC0] =	vst v1;
	v1 =	vmul.f32 v7, v3;
	v7 =	vld [tilespmem:s9+$0xFFFFFF30]  }
0x2a1: {  	[tilespmem:s9+$0xFFFFFED0] =	vst v0;
	v0 =	vmul.f32 v2, v3;
	v2 =	vld [tilespmem:s9+$0xFFFFFF40]  }
0x2a2: {  	[tilespmem:s9+$0xFFFFFEE0] =	vst v1;
	v1 =	vmul.f32 v8, v3;
	v3 =	vld [tilespmem:s9+$0xFFFFFF50]  }
0x2a3: {  	v8 =	vld [tilespmem:s9+$0xFFFFFF60];
	[tilespmem:s9+$0xFFFFFEF0] =	vst v0;
	v0 =	vmul.f32 v9, v5  }
0x2a4: {  	[tilespmem:s9+$0xFFFFFF00] =	vst v1;
	v1 =	vmul.f32 v4, v5;
	v4 =	vld [tilespmem:s9+$0xFFFFFF70]  }
0x2a5: {  	[tilespmem:s9+$0xFFFFFF10] =	vst v0;
	v0 =	vmul.f32 v7, v5;
	v7 =	vld [tilespmem:s9+$0xFFFFFF80]  }
0x2a6: {  	[tilespmem:s9+$0xFFFFFF20] =	vst v1;
	v1 =	vmul.f32 v2, v5;
	v2 =	vld [tilespmem:s9+$0xFFFFFF90]  }
0x2a7: {  	[tilespmem:s9+$0xFFFFFF30] =	vst v0;
	v0 =	vmul.f32 v3, v5;
	v3 =	vld [tilespmem:s9+$0xFFFFFFA0]  }
0x2a8: {  	[tilespmem:s9+$0xFFFFFF40] =	vst v1;
	v1 =	vmul.f32 v8, v5;
	v8 =	vld [tilespmem:s9+$0xFFFFFFB0]  }
0x2a9: {  	[tilespmem:s9+$0xFFFFFF50] =	vst v0;
	v0 =	vmul.f32 v4, v5;
	v4 =	vld [tilespmem:s9+$0xFFFFFFC0]  }
0x2aa: {  	[tilespmem:s9+$0xFFFFFF60] =	vst v1;
	v1 =	vmul.f32 v7, v5;
	v5 =	vld [tilespmem:s9+$0xFFFFFFD0]  }
0x2ab: {  	[tilespmem:s9+$0xFFFFFF70] =	vst v0;
	v0 =	vmul.f32 v2, v6;
	v2 =	vld [tilespmem:s9+$0xFFFFFFE0]  }
0x2ac: {  	[tilespmem:s9+$0xFFFFFF80] =	vst v1;
	v1 =	vmul.f32 v3, v6;
	v3 =	vld [tilespmem:s9+$0xFFFFFFF0]  }
0x2ad: {  	[tilespmem:s9+$0xFFFFFF90] =	vst v0;
	v0 =	vmul.f32 v8, v6  }
0x2ae: {  	[tilespmem:s9+$0xFFFFFFA0] =	vst v1;
	v1 =	vmul.f32 v4, v6  }
0x2af: {  	[tilespmem:s9+$0xFFFFFFB0] =	vst v0;
	v0 =	vmul.f32 v5, v6  }
0x2b0: {  	[tilespmem:s9+$0xFFFFFFC0] =	vst v1;
	v1 =	vmul.f32 v2, v6  }
0x2b1: {  	[tilespmem:s9+$0xFFFFFFD0] =	vst v0;
	v0 =	vmul.f32 v3, v6  }
0x2b2: {  	[tilespmem:s9+$0xFFFFFFE0] =	vst v1  }
0x2b3: {  	s4 =	simm.s32 @!p1 $0x6;
	[tilespmem:s9+$0xFFFFFFF0] =	vst v0  }
0x2b4: {  	[spmem:s2] =	stream.indirect.scatter.add.f32 [tilespmem:s24], [sflag:$0x7], $0x80, s3, s21, $0xb8;
	[tilespmem:$0x1F880] =	vst v63  }
0x2b5: {  	_ =	swait.ge @!p1 [sflag:s4], $0x3C00  }
0x2b6: {  	[sflag:s4] =	ssyncset.done @!p1 $0x0  }
0x2b7: {  	[sflag:s4] =	ssyncadd.s32 @!p1 $0xFFFFC400;
	s4 =	simm.s32 @!p1 $0x1  }
0x2b8: {  	_ =	swait.ge @!p1 [sflag:s4], $0x180  }
0x2b9: {  	[sflag:s4] =	ssyncset.done @!p1 $0x0  }
0x2ba: {  	[sflag:s4] =	ssyncadd.s32 @!p1 $0xFFFFFE80  }
0x2bb: {  	s17 =	simm.s32 $0x0;
	_ =	swait.ge @!p1 [sflag:s4], $0x180  }
0x2bc: {  	s31 =	simm.s32 $0x3;
	v0 =	vmov s17;
	[sflag:s4] =	ssyncset.done @!p1 $0x0  }
0x2bd: {  	v1 =	vmov s31;
	v0 =	vand.u32 $0x7C, v0;
	[sflag:s4] =	ssyncadd.s32 @!p1 $0xFFFFFE80  }
0x2be: {  	v1 =	vand.u32 $0x7F, v1;
	v0 =	vor.u32 $0x280, v0;
	_ =	swait.ge @!p1 [sflag:s4], $0x180  }
0x2bf: {  	s11 =	simm.s32 @!p1 $0xC00;
	v1 =	vor.u32 $0x280, v1;
	v0 =	vbroadcast v0, $0x0;
	[sflag:s4] =	ssyncset.done @!p1 $0x0  }
0x2c0: {  	s9 =	simm.s32 @!p1 $0x0;
	v1 =	vbroadcast v1, $0x0;
	[sflag:s4] =	ssyncadd.s32 @!p1 $0xFFFFFE80;
	s4 =	simm.s32 @!p1 $0x78  }
0x2c1: {  	[tilespmem:s11], [sflag:$0x3] =	stream.indirect.gather @!p1 [hbm4b:s1+s4], $0x80, s9, s4, $0xb8;
	[tilespmem:$0x1F880] =	vst v63  }
0x2c2: {  	_ =	swait.ge [sflag:s8], $0x3C00  }
0x2c3: {  	[sflag:s8] =	ssyncset.done $0x0  }
0x2c4: {  	[sflag:s8] =	ssyncadd.s32 $0xFFFFC400  }
0x2c5: {  	s11 =	simm.s32 $0x1;
	v2 =	vld.idx.msk [tilespmem:v0+s19+$0x0], $0xffff  }
0x2c6: {  	s17 =	simm.s32 $0x85F0;
	v3 =	vmov s11;
	v0 =	vld.idx.msk [tilespmem:v1+s19+$0x0], $0xffff  }
0x2c7: {  	v1 =	vand.u32 $0x7D, v3;
	v3 =	vld [tilespmem:s17+$0x0]  }
0x2c8: {  	v4 =	vld [tilespmem:s17+$0xFFFFFE10]  }
0x2c9: {  	v5 =	vld [tilespmem:s17+$0xFFFFFE20]  }
0x2ca: {  	v6 =	vld [tilespmem:s17+$0xFFFFFE30];
	v1 =	vor.u32 $0x280, v1  }
0x2cb: {  	v7 =	vld [tilespmem:s17+$0xFFFFFE40];
	v1 =	vbroadcast v1, $0x0  }
0x2cc: {  	v8 =	vld [tilespmem:s17+$0xFFFFFE50]  }
0x2cd: {  	v9 =	vld [tilespmem:s17+$0xFFFFFE60];
	v4 =	vmul.f32 v4, v2  }
0x2ce: {  	v10 =	vld [tilespmem:s17+$0xFFFFFE70];
	v3 =	vmul.f32 v3, v0  }
0x2cf: {  	[tilespmem:s17+$0xFFFFFE10] =	vst v4;
	v4 =	vld [tilespmem:s17+$0xFFFFFE80]  }
0x2d0: {  	s31 =	simm.s32 $0x2;
	v5 =	vmul.f32 v5, v2;
	[tilespmem:s17+$0x0] =	vst v3;
	v3 =	vmul.f32 v6, v2;
	v6 =	vld [tilespmem:s17+$0xFFFFFEA0]  }
0x2d1: {  	v11 =	vmov s31;
	v62 =	vld.idx.msk [tilespmem:v1+s19+$0x0], $0xffff  }
0x2d2: {  	[tilespmem:s17+$0xFFFFFE20] =	vst v5;
	v5 =	vmul.f32 v7, v2;
	v1 =	vand.u32 $0x7E, v11;
	v11 =	vld [tilespmem:s17+$0xFFFFFE90]  }
0x2d3: {  	v10 =	vmul.f32 v10, v2;
	v7 =	vld [tilespmem:s17+$0xFFFFFEB0];
	v1 =	vor.u32 $0x280, v1;
	[tilespmem:s17+$0xFFFFFE30] =	vst v3;
	v3 =	vmul.f32 v8, v2  }
0x2d4: {  	v8 =	vld [tilespmem:s17+$0xFFFFFEC0];
	[tilespmem:s17+$0xFFFFFE40] =	vst v5;
	v5 =	vmul.f32 v9, v2;
	v1 =	vbroadcast v1, $0x0  }
0x2d5: {  	[tilespmem:s17+$0xFFFFFE70] =	vst v10;
	v9 =	vld [tilespmem:s17+$0xFFFFFED0]  }
0x2d6: {  	[tilespmem:s17+$0xFFFFFE60] =	vst v5;
	v5 =	vld [tilespmem:s17+$0xFFFFFEF0];
	v2 =	vmul.f32 v4, v2  }
0x2d7: {  	[tilespmem:s17+$0xFFFFFE50] =	vst v3;
	v4 =	vld [tilespmem:s17+$0xFFFFFF00];
	v3 =	vmul.f32 v11, v62  }
0x2d8: {  	v11 =	vld [tilespmem:s17+$0xFFFFFEE0];
	[tilespmem:s17+$0xFFFFFE80] =	vst v2;
	v2 =	vmul.f32 v7, v62  }
0x2d9: {  	[tilespmem:s17+$0xFFFFFE90] =	vst v3;
	v3 =	vmul.f32 v6, v62;
	v6 =	vld [tilespmem:s17+$0xFFFFFF10]  }
0x2da: {  	v1 =	vld.idx.msk [tilespmem:v1+s19+$0x0], $0xffff;
	[tilespmem:s17+$0xFFFFFEB0] =	vst v2;
	v2 =	vmul.f32 v9, v62  }
0x2db: {  	v7 =	vld [tilespmem:s17+$0xFFFFFF20];
	[tilespmem:s17+$0xFFFFFEA0] =	vst v3;
	v3 =	vmul.f32 v8, v62  }
0x2dc: {  	v5 =	vmul.f32 v5, v62;
	v8 =	vld [tilespmem:s17+$0xFFFFFF30];
	[tilespmem:s17+$0xFFFFFED0] =	vst v2  }
0x2dd: {  	s9 =	simm.s32 $0x4;
	v9 =	vld [tilespmem:s17+$0xFFFFFF40];
	[tilespmem:s17+$0xFFFFFEC0] =	vst v3;
	v3 =	vmul.f32 v11, v62  }
0x2de: {  	s11 =	simm.s32 $0x5;
	v10 =	vmov s9;
	v2 =	vld [tilespmem:s17+$0xFFFFFF50];
	[tilespmem:s17+$0xFFFFFEF0] =	vst v5;
	v11 =	vmul.f32 v4, v62  }
0x2df: {  	s31 =	simm.s32 $0x6;
	v63 =	vmov s11;
	v10 =	vand.u32 $0x7C, v10;
	[tilespmem:s17+$0xFFFFFEE0] =	vst v3;
	v6 =	vmul.f32 v6, v1;
	v3 =	vld [tilespmem:s17+$0xFFFFFF60]  }
0x2e0: {  	v5 =	vor.u32 $0x280, v10;
	v10 =	vmov s31;
	v4 =	vld [tilespmem:s17+$0xFFFFFF70];
	v7 =	vmul.f32 v7, v1;
	[tilespmem:s17+$0xFFFFFF00] =	vst v11  }
0x2e1: {  	v10 =	vand.u32 $0x7E, v10;
	v11 =	vand.u32 $0x7D, v63;
	v8 =	vmul.f32 v8, v1;
	[tilespmem:s17+$0xFFFFFF10] =	vst v6;
	v6 =	vld [tilespmem:s17+$0xFFFFFF80]  }
0x2e2: {  	s4 =	simm.s32 $0x85F0;
	s11 =	simm.s32 $0x7;
	s9 =	simm.s32 $0x8;
	v5 =	vbroadcast v5, $0x0;
	v9 =	vmul.f32 v9, v1;
	v11 =	vor.u32 $0x280, v11;
	[tilespmem:s17+$0xFFFFFF20] =	vst v7;
	v7 =	vld [tilespmem:s17+$0xFFFFFF90]  }
.LBB2_13:
0x2e3: {  	p1 =	slt.u32 s9, $0x74;
	v10 =	vor.u32 $0x280, v10;
	v12 =	vmov s11;
	[tilespmem:s17+$0xFFFFFF30] =	vst v8;
	v2 =	vmul.f32 v2, v1;
	v8 =	vld [tilespmem:s17+$0xFFFFFFA0]  }
0x2e4: {  	v11 =	vbroadcast v11, $0x0;
	v12 =	vand.u32 $0x7F, v12;
	[tilespmem:s17+$0xFFFFFF40] =	vst v9;
	v3 =	vmul.f32 v3, v1;
	v9 =	vld [tilespmem:s17+$0xFFFFFFB0]  }
0x2e5: {  	v10 =	vbroadcast v10, $0x0;
	v12 =	vor.u32 $0x280, v12;
	[tilespmem:s17+$0xFFFFFF50] =	vst v2;
	v2 =	vmul.f32 v4, v1;
	v4 =	vld [tilespmem:s17+$0xFFFFFFC0]  }
0x2e6: {  	v12 =	vbroadcast v12, $0x0;
	[tilespmem:s17+$0xFFFFFF60] =	vst v3;
	v1 =	vmul.f32 v6, v1;
	v3 =	vld [tilespmem:s17+$0xFFFFFFD0]  }
0x2e7: {  	[tilespmem:s17+$0xFFFFFF70] =	vst v2;
	v2 =	vmul.f32 v7, v0;
	v6 =	vld [tilespmem:s17+$0xFFFFFFE0]  }
0x2e8: {  	[tilespmem:s17+$0xFFFFFF80] =	vst v1;
	v1 =	vmul.f32 v8, v0;
	v7 =	vld [tilespmem:s17+$0xFFFFFFF0]  }
0x2e9: {  	v5 =	vld.idx.msk [tilespmem:v5+s19+$0x0], $0xffff;
	[tilespmem:s17+$0xFFFFFF90] =	vst v2;
	v2 =	vmul.f32 v9, v0  }
0x2ea: {  	v8 =	vld.idx.msk [tilespmem:v11+s19+$0x0], $0xffff;
	[tilespmem:s17+$0xFFFFFFA0] =	vst v1;
	v4 =	vmul.f32 v4, v0  }
0x2eb: {  	v1 =	vld.idx.msk [tilespmem:v10+s19+$0x0], $0xffff;
	[tilespmem:s17+$0xFFFFFFB0] =	vst v2;
	v2 =	vmul.f32 v3, v0  }
0x2ec: {  	s17 =	sadd.s32 $0x200, s17;
	v3 =	vld.idx.msk [tilespmem:v12+s19+$0x0], $0xffff;
	[tilespmem:s4+$0xFFFFFFC0] =	vst v4;
	v4 =	vmul.f32 v6, v0  }
0x2ed: {  	v6 =	vld [tilespmem:s17+$0x0];
	[tilespmem:s4+$0xFFFFFFD0] =	vst v2;
	v0 =	vmul.f32 v7, v0  }
0x2ee: {  	v2 =	vld [tilespmem:s17+$0xFFFFFE10];
	[tilespmem:s4+$0xFFFFFFE0] =	vst v4  }
0x2ef: {  	v4 =	vld [tilespmem:s17+$0xFFFFFE20];
	[tilespmem:s4+$0xFFFFFFF0] =	vst v0;
	s4 =	smov.u32 s17  }
0x2f0: {  	v7 =	vld [tilespmem:s17+$0xFFFFFE30]  }
0x2f1: {  	v9 =	vld [tilespmem:s17+$0xFFFFFE40]  }
0x2f2: {  	v0 =	vmov v3;
	v10 =	vld [tilespmem:s17+$0xFFFFFE50];
	v6 =	vmul.f32 v6, v3  }
0x2f3: {  	v2 =	vmul.f32 v2, v5;
	v3 =	vld [tilespmem:s17+$0xFFFFFE60]  }
0x2f4: {  	v4 =	vmul.f32 v4, v5;
	v11 =	vld [tilespmem:s17+$0xFFFFFE70];
	[tilespmem:s17+$0x0] =	vst v6  }
0x2f5: {  	[tilespmem:s17+$0xFFFFFE10] =	vst v2;
	v2 =	vmul.f32 v7, v5;
	v6 =	vld [tilespmem:s17+$0xFFFFFE80]  }
0x2f6: {  	[tilespmem:s17+$0xFFFFFE20] =	vst v4;
	v4 =	vmul.f32 v9, v5;
	v7 =	vld [tilespmem:s17+$0xFFFFFE90]  }
0x2f7: {  	[tilespmem:s17+$0xFFFFFE30] =	vst v2;
	v2 =	vmul.f32 v10, v5;
	v9 =	vld [tilespmem:s17+$0xFFFFFEA0]  }
0x2f8: {  	[tilespmem:s17+$0xFFFFFE40] =	vst v4;
	v3 =	vmul.f32 v3, v5;
	v4 =	vld [tilespmem:s17+$0xFFFFFEB0]  }
0x2f9: {  	[tilespmem:s17+$0xFFFFFE50] =	vst v2;
	v2 =	vmul.f32 v11, v5;
	v10 =	vld [tilespmem:s17+$0xFFFFFEC0]  }
0x2fa: {  	[tilespmem:s17+$0xFFFFFE60] =	vst v3;
	v3 =	vmul.f32 v6, v5;
	v5 =	vld [tilespmem:s17+$0xFFFFFED0]  }
0x2fb: {  	[tilespmem:s17+$0xFFFFFE70] =	vst v2;
	v2 =	vmul.f32 v7, v8;
	v6 =	vld [tilespmem:s17+$0xFFFFFEE0]  }
0x2fc: {  	[tilespmem:s17+$0xFFFFFE80] =	vst v3;
	v3 =	vmul.f32 v9, v8;
	v7 =	vld [tilespmem:s17+$0xFFFFFEF0]  }
0x2fd: {  	[tilespmem:s17+$0xFFFFFE90] =	vst v2;
	v2 =	vmul.f32 v4, v8;
	v4 =	vld [tilespmem:s17+$0xFFFFFF00]  }
0x2fe: {  	[tilespmem:s17+$0xFFFFFEA0] =	vst v3;
	v3 =	vmul.f32 v10, v8;
	v9 =	vld [tilespmem:s17+$0xFFFFFF10]  }
0x2ff: {  	[tilespmem:s17+$0xFFFFFEB0] =	vst v2;
	v2 =	vmul.f32 v5, v8;
	v5 =	vld [tilespmem:s17+$0xFFFFFF20]  }
0x300: {  	[tilespmem:s17+$0xFFFFFEC0] =	vst v3;
	v3 =	vmul.f32 v6, v8;
	v6 =	vld [tilespmem:s17+$0xFFFFFF30]  }
0x301: {  	[tilespmem:s17+$0xFFFFFED0] =	vst v2;
	v7 =	vmul.f32 v7, v8;
	v12 =	vld [tilespmem:s17+$0xFFFFFF40]  }
.Ltmp5:
0x302: {  	s11 =	sadd.s32 $0x1, s9;
	v10 =	vmov s9;
	[tilespmem:s17+$0xFFFFFEE0] =	vst v3;
	v4 =	vmul.f32 v4, v8;
	v2 =	vld [tilespmem:s17+$0xFFFFFF50];
	(pc) =	sbr.rel @p1 .LBB2_13-.Ltmp5, $4  }
0x303: {  	v8 =	vand.u32 $0x7C, v10;
	v10 =	vmov s11;
	s11 =	sadd.s32 $0x2, s9;
	[tilespmem:s17+$0xFFFFFEF0] =	vst v7;
	v7 =	vmul.f32 v9, v1;
	v3 =	vld [tilespmem:s17+$0xFFFFFF60]  }
0x304: {  	v9 =	vor.u32 $0x280, v8;
	v8 =	vmov s11;
	[tilespmem:s17+$0xFFFFFF00] =	vst v4;
	v13 =	vmul.f32 v5, v1;
	v4 =	vld [tilespmem:s17+$0xFFFFFF70]  }
0x305: {  	v11 =	vand.u32 $0x7D, v10;
	v10 =	vand.u32 $0x7E, v8;
	[tilespmem:s17+$0xFFFFFF10] =	vst v7;
	v8 =	vmul.f32 v6, v1;
	v6 =	vld [tilespmem:s17+$0xFFFFFF80]  }
0x306: {  	s11 =	sadd.s32 $0x3, s9;
	s9 =	sadd.s32 $0x4, s9;
	v5 =	vbroadcast v9, $0x0;
	v11 =	vor.u32 $0x280, v11;
	[tilespmem:s17+$0xFFFFFF20] =	vst v13;
	v9 =	vmul.f32 v12, v1;
	v7 =	vld [tilespmem:s17+$0xFFFFFF90]  }
0x307: {  	v13 =	vld [tilespmem:s17+$0xFFFFFFA0]  }
0x308: {  	v14 =	vld [tilespmem:s17+$0xFFFFFFB0]  }
0x309: {  	v15 =	vld [tilespmem:s17+$0xFFFFFFC0]  }
0x30a: {  	v16 =	vld [tilespmem:s17+$0xFFFFFFD0]  }
0x30b: {  	[tilespmem:s17+$0xFFFFFF30] =	vst v8;
	v2 =	vmul.f32 v2, v1;
	v42 =	vld [tilespmem:s17+$0xFFFFFFE0]  }
0x30c: {  	v43 =	vld [tilespmem:s17+$0xFFFFFFF0];
	[tilespmem:s17+$0xFFFFFF40] =	vst v9;
	v3 =	vmul.f32 v3, v1  }
0x30d: {  	s9 =	sadd.s32 $0x200, s17;
	v45 =	vld.idx.msk [tilespmem:v5+s19+$0x0], $0xffff;
	[tilespmem:s17+$0xFFFFFF50] =	vst v2;
	v44 =	vmul.f32 v4, v1  }
0x30e: {  	v51 =	vld [tilespmem:s9+$0x0];
	[tilespmem:s17+$0xFFFFFF60] =	vst v3;
	v46 =	vmul.f32 v6, v1  }
0x30f: {  	v53 =	vld [tilespmem:s9+$0xFFFFFE10];
	[tilespmem:s17+$0xFFFFFF70] =	vst v44;
	v48 =	vmul.f32 v7, v0  }
0x310: {  	v55 =	vld [tilespmem:s9+$0xFFFFFE20];
	[tilespmem:s17+$0xFFFFFF80] =	vst v46;
	v49 =	vmul.f32 v13, v0  }
0x311: {  	v57 =	vld [tilespmem:s9+$0xFFFFFE30];
	v50 =	vmul.f32 v14, v0;
	[tilespmem:s17+$0xFFFFFF90] =	vst v48  }
0x312: {  	v11 =	vbroadcast v11, $0x0;
	v59 =	vld [tilespmem:s9+$0xFFFFFE40];
	v52 =	vmul.f32 v15, v0;
	[tilespmem:s17+$0xFFFFFFA0] =	vst v49  }
0x313: {  	v60 =	vld [tilespmem:s9+$0xFFFFFE50];
	v54 =	vmul.f32 v16, v0;
	[tilespmem:s17+$0xFFFFFFB0] =	vst v50  }
0x314: {  	v62 =	vld [tilespmem:s9+$0xFFFFFE60];
	v56 =	vmul.f32 v42, v0;
	[tilespmem:s4+$0xFFFFFFC0] =	vst v52  }
0x315: {  	v17 =	vld [tilespmem:s9+$0xFFFFFEA0];
	v58 =	vmul.f32 v43, v0;
	[tilespmem:s4+$0xFFFFFFD0] =	vst v54  }
0x316: {  	v14 =	vld [tilespmem:s9+$0xFFFFFE80];
	v61 =	vmul.f32 v53, v45;
	[tilespmem:s4+$0xFFFFFFE0] =	vst v56  }
0x317: {  	v15 =	vld [tilespmem:s9+$0xFFFFFE90];
	v63 =	vmul.f32 v55, v45;
	[tilespmem:s4+$0xFFFFFFF0] =	vst v58  }
0x318: {  	v47 =	vld.idx.msk [tilespmem:v11+s19+$0x0], $0xffff;
	v13 =	vmul.f32 v57, v45;
	[tilespmem:s9+$0xFFFFFE10] =	vst v61  }
0x319: {  	v10 =	vor.u32 $0x280, v10;
	v19 =	vld [tilespmem:s9+$0xFFFFFEB0];
	v2 =	vmul.f32 v59, v45;
	[tilespmem:s9+$0xFFFFFE20] =	vst v63  }
0x31a: {  	v10 =	vbroadcast v10, $0x0;
	v21 =	vld [tilespmem:s9+$0xFFFFFEC0];
	v16 =	vmul.f32 v60, v45;
	[tilespmem:s9+$0xFFFFFE30] =	vst v13  }
0x31b: {  	v23 =	vld [tilespmem:s9+$0xFFFFFED0];
	v18 =	vmul.f32 v62, v45;
	[tilespmem:s9+$0xFFFFFE40] =	vst v2  }
0x31c: {  	v25 =	vld [tilespmem:s9+$0xFFFFFEE0];
	[tilespmem:s9+$0xFFFFFE50] =	vst v16;
	v22 =	vmul.f32 v14, v45  }
0x31d: {  	v12 =	vmov s11;
	v26 =	vld [tilespmem:s9+$0xFFFFFEF0];
	[tilespmem:s9+$0xFFFFFE60] =	vst v18;
	v24 =	vmul.f32 v15, v47  }
0x31e: {  	v12 =	vand.u32 $0x7F, v12;
	v28 =	vld [tilespmem:s9+$0xFFFFFF00];
	v1 =	vmul.f32 v17, v47;
	[tilespmem:s9+$0xFFFFFE80] =	vst v22  }
0x31f: {  	v30 =	vld [tilespmem:s9+$0xFFFFFF10];
	v12 =	vor.u32 $0x280, v12;
	v27 =	vmul.f32 v19, v47;
	[tilespmem:s9+$0xFFFFFE90] =	vst v24  }
0x320: {  	v12 =	vbroadcast v12, $0x0;
	v5 =	vld.idx.msk [tilespmem:v10+s19+$0x0], $0xffff;
	v29 =	vmul.f32 v21, v47;
	[tilespmem:s9+$0xFFFFFEA0] =	vst v1  }
0x321: {  	v32 =	vld [tilespmem:s9+$0xFFFFFF20];
	v31 =	vmul.f32 v23, v47;
	[tilespmem:s9+$0xFFFFFEB0] =	vst v27  }
0x322: {  	v34 =	vld [tilespmem:s9+$0xFFFFFF30];
	v33 =	vmul.f32 v25, v47;
	[tilespmem:s9+$0xFFFFFEC0] =	vst v29  }
0x323: {  	v38 =	vld [tilespmem:s9+$0xFFFFFF50];
	v35 =	vmul.f32 v26, v47;
	[tilespmem:s9+$0xFFFFFED0] =	vst v31  }
0x324: {  	v40 =	vld [tilespmem:s9+$0xFFFFFF60];
	v37 =	vmul.f32 v28, v47;
	[tilespmem:s9+$0xFFFFFEE0] =	vst v33  }
0x325: {  	v44 =	vld [tilespmem:s9+$0xFFFFFF80];
	v39 =	vmul.f32 v30, v5;
	[tilespmem:s9+$0xFFFFFEF0] =	vst v35  }
0x326: {  	v6 =	vld.idx.msk [tilespmem:v12+s19+$0x0], $0xffff;
	v41 =	vmul.f32 v32, v5;
	[tilespmem:s9+$0xFFFFFF00] =	vst v37  }
0x327: {  	v12 =	vld [tilespmem:s9+$0xFFFFFE70];
	v43 =	vmul.f32 v34, v5;
	[tilespmem:s9+$0xFFFFFF10] =	vst v39  }
0x328: {  	v36 =	vld [tilespmem:s9+$0xFFFFFF40];
	v47 =	vmul.f32 v38, v5;
	[tilespmem:s9+$0xFFFFFF20] =	vst v41  }
0x329: {  	v42 =	vld [tilespmem:s9+$0xFFFFFF70];
	v49 =	vmul.f32 v40, v5;
	[tilespmem:s9+$0xFFFFFF30] =	vst v43  }
0x32a: {  	v46 =	vld [tilespmem:s9+$0xFFFFFF90];
	v53 =	vmul.f32 v44, v5;
	[tilespmem:s9+$0xFFFFFF50] =	vst v47  }
0x32b: {  	v48 =	vld [tilespmem:s9+$0xFFFFFFA0];
	v7 =	vmul.f32 v51, v6;
	[tilespmem:s9+$0xFFFFFF60] =	vst v49  }
0x32c: {  	v50 =	vld [tilespmem:s9+$0xFFFFFFB0];
	v20 =	vmul.f32 v12, v45;
	[tilespmem:s9+$0xFFFFFF80] =	vst v53  }
0x32d: {  	v52 =	vld [tilespmem:s9+$0xFFFFFFC0];
	v45 =	vmul.f32 v36, v5;
	[tilespmem:s9+$0x0] =	vst v7  }
0x32e: {  	v54 =	vld [tilespmem:s9+$0xFFFFFFD0];
	v51 =	vmul.f32 v42, v5;
	[tilespmem:s9+$0xFFFFFE70] =	vst v20  }
0x32f: {  	v56 =	vld [tilespmem:s9+$0xFFFFFFE0];
	v55 =	vmul.f32 v46, v6;
	[tilespmem:s9+$0xFFFFFF40] =	vst v45  }
0x330: {  	v58 =	vld [tilespmem:s9+$0xFFFFFFF0];
	v57 =	vmul.f32 v48, v6;
	[tilespmem:s9+$0xFFFFFF70] =	vst v51  }
0x331: {  	v59 =	vmul.f32 v50, v6;
	[tilespmem:s9+$0xFFFFFF90] =	vst v55  }
0x332: {  	s20 =	sadd.s32 $0x1, s20;
	v60 =	vmul.f32 v52, v6;
	[tilespmem:s9+$0xFFFFFFA0] =	vst v57  }
0x333: {  	p1 =	sne.s32 s20, $0xE;
	v61 =	vmul.f32 v54, v6;
	[tilespmem:s9+$0xFFFFFFB0] =	vst v59  }
.Ltmp6:
0x334: {  	v62 =	vmul.f32 v56, v6;
	[tilespmem:s9+$0xFFFFFFC0] =	vst v60;
	(pc) =	sbr.rel @p1 .LBB2_2-.Ltmp6, $4  }
0x335: {  	v63 =	vmul.f32 v58, v6;
	[tilespmem:s9+$0xFFFFFFD0] =	vst v61  }
0x336: {  	[tilespmem:s9+$0xFFFFFFE0] =	vst v62  }
0x337: {  	[tilespmem:s9+$0xFFFFFFF0] =	vst v63  }
0x338: {  	[spmem:s2] =	stream.indirect.scatter.add.f32 [tilespmem:s26], [sflag:$0x8], $0x80, s16, s21, $0xb8;
	[tilespmem:$0x1F880] =	vst v63  }
0x339: {  	_ =	swait.ge [sflag:s23], $0x3C00  }
0x33a: {  	[sflag:s23] =	ssyncset.done $0x0  }
0x33b: {  	[sflag:s23] =	ssyncadd.s32 $0xFFFFC400  }
0x33c: {  	_ =	swait.ge [sflag:s10], $0x3C00  }
0x33d: {  	[sflag:s10] =	ssyncset.done $0x0  }
0x33e: {  	[sflag:s10] =	ssyncadd.s32 $0xFFFFC400  }
0x33f: {  	_ =	swait.ge [sflag:s14], $0x3C00  }
0x340: {  	[sflag:s14] =	ssyncset.done $0x0  }
0x341: {  	[sflag:s14] =	ssyncadd.s32 $0xFFFFC400  }
0x342: {  	[bflag:$0x0] =	sbarrier.arrive $0xFFFF  }
0x343: {  	s4 =	rddreg [dreg:$0x8]  }
0x344: {  	s11 =	rddreg [dreg:$0xa]  }
0x345: {  	s17 =	rddreg [dreg:$0xb]  }
0x346: {  	[hbm:s4], [sflag:s11] =	dma.local @!p0 [spmem:s17], $0x3E80  }
0x347: {  	s4 =	simm.s32 @!p0 $0x9  }
0x348: {  	_ =	swait.ge @!p0 [sflag:s4], $0x3E80  }
0x349: {  	s20 =	rddreg [dreg:$0xc]  }
0x34a: {  	s9 =	rddreg [dreg:$0x9];
	s20 =	sadd.s32 $0x1, s20  }
0x34b: {  	p1 =	sne.s32 s20, s9  }
.Ltmp7:
0x34c: {  	_ = 	snop;
	(pc) =	sbr.rel @p1 .LBB2_1-.Ltmp7, $3  }
0x34d: {  	_ =	sdelay $0x1  }
0x34e: {  	[sflag:s4] =	ssyncset.done @!p0 $0x0  }
0x34f: {  	[sflag:s4] =	ssyncadd.s32 @!p0 $0xFFFFC180  }
0x350: {  	_ =	sfence.sel $0x180000  }
0x351: {  	[bflag:$0x0] =	sbarrier.arrive $0xFFFF  }
0x352: {  	_ =	strace $0x90000047  }
0x353: {  	s0 =	stileid.u32;
	[bflag:$0x2] =	sbarrier.arrive $0xFFFF  }
0x354: {  	p0 =	sne.s32 s0, $0x0;
	s0 =	rddreg [dreg:$0x3]  }
0x355: {  	s0 =	sadd.s32 @!p0 $0x100000, s0  }
0x356: {  	[sflag:s0] =	ssyncadd.tile.s32 @!p0 $0x1;
	_ =	shalt  }
.Lfunc_end2:
_tile_overlayer_lowered:
.L_overlay_start_2:
0x357: {  	(tag) =	ssettag $0x2  }
0x358: {  	s0 =	rddreg [dreg:$0x0];
	s2 =	stileid.u32  }
0x359: {  	s1 =	rddreg [dreg:$0x1];
	p0 =	sne.s32 s2, $0x0  }
0x35a: {  	s3 =	rddreg [dreg:$0x2];
	[bflag:$0x3] =	sbarrier.arrive $0xFFFF;
	s2 =	simm.s32 @!p0 $0x1C09  }
0x35b: {  	[timem:s3], [sflag:s2] =	dma.local @!p0 [hbm:s0], s1  }
0x35c: {  	s0 =	simm.s32 @!p0 $0x9  }
0x35d: {  	_ =	swait.ge @!p0 [sflag:s0], s1  }
0x35e: {  	s1 =	ssub.s32 @!p0 $0x0, s1;
	[sflag:s0] =	ssyncset.done @!p0 $0x0  }
0x35f: {  	[sflag:s0] =	ssyncadd.s32 @!p0 s1  }
0x360: {  	[bflag:$0x3] =	sbarrier.arrive $0xFFFF  }
0x361: {  	_ =	shalt  }

</sc_bundles>
